<compile_context>
chip_gen: v7x
topology: tpu7x:2x2x1
jax: 0.10.2.dev20260603
libtpu: 0.0.44.dev20260713+nightly
codegen_flags: <defaults>
</compile_context>

<pallas_src>
import functools
import jax
import jax.numpy as jnp
from jax import lax
from jax.experimental import pallas as pl
from jax.experimental.pallas import tpu as pltpu
from jax.experimental.pallas import tpu_sc as plsc

_N = 50000
_C = 256
_EPS = 1e-05
_L = 16
_NW = 32
_CHUNK = 200
_NCHUNKS = _N // _CHUNK
_MAXK = (_NCHUNKS + _NW - 1) // _NW
_BR = 2000
_NB = _N // _BR


def _sc_chunk_copy(x_hbm, buf, sem, cid):
    return pltpu.make_async_copy(
        x_hbm.at[pl.ds(cid * _CHUNK, _CHUNK), :], buf, sem)


def _sc_stats_body(x_hbm, out_hbm, buf0, buf1, part, sem0, sem1):
    cidx = lax.axis_index("c")
    sidx = lax.axis_index("s")
    wid = sidx * 2 + cidx

    bufs = (buf0, buf1)
    sems = (sem0, sem1)

    def cid(slot):
        return jnp.minimum(wid + slot * _NW, _NCHUNKS - 1)

    def run_chunk(buf, acc):
        def row_body(r, a):
            s, q = a
            ns, nq = [], []
            for v in range(_L):
                xv = buf[r, pl.ds(v * _L, _L)]
                ns.append(s[v] + xv)
                nq.append(q[v] + xv * xv)
            return (tuple(ns), tuple(nq))
        return lax.fori_loop(0, _CHUNK, row_body, acc)

    zero = jnp.zeros((_L,), jnp.float32)
    acc = (tuple(zero for _ in range(_L)), tuple(zero for _ in range(_L)))

    _sc_chunk_copy(x_hbm, bufs[0], sems[0], cid(0)).start()
    for slot in range(_MAXK):
        b = slot % 2
        nb = (slot + 1) % 2
        if slot + 1 < _MAXK:
            _sc_chunk_copy(x_hbm, bufs[nb], sems[nb], cid(slot + 1)).start()
        _sc_chunk_copy(x_hbm, bufs[b], sems[b], cid(slot)).wait()
        new_s, new_q = run_chunk(bufs[b], acc)
        mv = jnp.broadcast_to(
            (wid + slot * _NW < _NCHUNKS).astype(jnp.float32), (_L,))
        acc = (tuple(o + mv * (n - o) for n, o in zip(new_s, acc[0])),
               tuple(o + mv * (n - o) for n, o in zip(new_q, acc[1])))

    s, q = acc
    for v in range(_L):
        part[0, pl.ds(v * _L, _L)] = s[v]
        part[1, pl.ds(v * _L, _L)] = q[v]
    pltpu.sync_copy(part, out_hbm.at[wid])


_sc_stats_cache = []


def _get_sc_stats():
    if not _sc_stats_cache:
        @functools.partial(
            pl.kernel,
            mesh=plsc.VectorSubcoreMesh(core_axis_name="c",
                                        subcore_axis_name="s"),
            out_type=jax.ShapeDtypeStruct((_NW, 2, _C), jnp.float32),
            scratch_types=[
                pltpu.VMEM((_CHUNK, _C), jnp.float32),
                pltpu.VMEM((_CHUNK, _C), jnp.float32),
                pltpu.VMEM((2, _C), jnp.float32),
                pltpu.SemaphoreType.DMA,
                pltpu.SemaphoreType.DMA,
            ],
        )
        def _sc_stats(x_hbm, out_hbm, buf0, buf1, part, sem0, sem1):
            _sc_stats_body(x_hbm, out_hbm, buf0, buf1, part, sem0, sem1)

        _sc_stats_cache.append(_sc_stats)
    return _sc_stats_cache[0]


def _tc_norm_kernel(x_ref, st_ref, w_ref, b_ref, o_ref):
    ssum = jnp.sum(st_ref[:, 0, :], axis=0, keepdims=True)
    qsum = jnp.sum(st_ref[:, 1, :], axis=0, keepdims=True)
    mean = ssum * (1.0 / _N)
    var = qsum * (1.0 / _N) - mean * mean
    instd = jax.lax.rsqrt(var + _EPS)
    scale = instd * w_ref[:]
    shift = b_ref[:] - mean * scale
    o_ref[:] = x_ref[:] * scale + shift


def kernel(x, weight, bias):
    stats = _get_sc_stats()(x)
    return pl.pallas_call(
        _tc_norm_kernel,
        grid=(_NB,),
        in_specs=[
            pl.BlockSpec((_BR, _C), lambda i: (i, 0)),
            pl.BlockSpec((_NW, 2, _C), lambda i: (0, 0, 0)),
            pl.BlockSpec((1, _C), lambda i: (0, 0)),
            pl.BlockSpec((1, _C), lambda i: (0, 0)),
        ],
        out_specs=pl.BlockSpec((_BR, _C), lambda i: (i, 0)),
        out_shape=jax.ShapeDtypeStruct((_N, _C), jnp.float32),
    )(x, stats, weight, bias)

# --- scband reference (transcript-rebuilt; emitter-appended) ---
"""Pipeline reference for scband-minkowski-instance-norm-35708358099268 (READ-ONLY COPY).

The authoritative reference and input builder live on the scoring server;
editing this copy changes nothing except your own understanding.
"""

import jax, jax.numpy as jnp
import numpy as np

N = 50000
C = 256
EPS = 1e-05

def setup_inputs(seed: int = 0) -> dict:
    key = jax.random.key(seed)
    k1, = jax.random.split(key, 1)
    x = jax.random.normal(k1, (N, C), dtype=jnp.float32)
    weight = jnp.ones((1, C), dtype=jnp.float32)
    bias = jnp.zeros((1, C), dtype=jnp.float32)
    return {"x": x, "weight": weight, "bias": bias}

def reference(x, weight, bias):
    # MinkowskiGlobalPooling over the single batch instance: mean over all points
    mean_in = jnp.mean(x, axis=0, keepdims=True)
    # glob_sum(x, -mean_in): broadcast addition of -mean to every point
    centered = x - mean_in
    temp = centered ** 2
    # torch code uses temp.data -> gradient is stopped through the variance path
    var_in = jnp.mean(jax.lax.stop_gradient(temp), axis=0, keepdims=True)
    instd_in = 1.0 / jnp.sqrt(var_in + EPS)
    # glob_times(glob_sum2(x, -mean_in), instd_in)
    xn = centered * instd_in
    return xn * weight + bias

if __name__ == "__main__":
    import jax
    _d = setup_inputs()
    print(jax.jit(kernel)(*tuple(_d.values())))

</pallas_src>

<mosaic_0001>
#map = affine_map<(d0, d1) -> (0, 0)>
#map1 = affine_map<(d0, d1) -> (0, 0, 0)>
module attributes {stable_mosaic.version = 14 : i64} {
  func.func @_sc_stats(%arg0: i32, %arg1: i32, %arg2: memref<50000x256xf32, #tpu.memory_space<hbm>>, %arg3: memref<32x2x256xf32, #tpu.memory_space<hbm>>, %arg4: memref<200x256xf32, #tpu.memory_space<vmem>>, %arg5: memref<200x256xf32, #tpu.memory_space<vmem>>, %arg6: memref<2x256xf32, #tpu.memory_space<vmem>>, %arg7: memref<!tpu.dma_semaphore, #tpu.memory_space<semaphore_mem>>, %arg8: memref<!tpu.dma_semaphore, #tpu.memory_space<semaphore_mem>>) attributes {dimension_semantics = [#tpu.dimension_semantics<core_parallel>, #tpu.dimension_semantics<subcore_parallel>], iteration_bounds = array<i64: 2, 16>, scalar_prefetch = 0 : i64, scratch_operands = 5 : i64, tpu.core_type = #tpu.core_type<sc_vector_subcore>, window_params = [{transform_indices = #map}, {transform_indices = #map1}]} {
    %mul3A = arith.constant 2 : i32
    %mul3A_0 = arith.muli %arg1, %mul3A : i32
    %add3A = arith.addi %mul3A_0, %arg0 : i32
    %broadcast_in_dim3A = arith.constant 0.000000e+00 : f32
    %broadcast_in_dim3A_1 = vector.broadcast %broadcast_in_dim3A : f32 to vector<16xf32>
    %add3A_2 = arith.constant 0 : i32
    %add3A_3 = arith.addi %add3A, %add3A_2 : i32
    %min3A = arith.constant 249 : i32
    %min3A_4 = arith.minsi %add3A_3, %min3A : i32
    %mul3A_5 = arith.constant 200 : i32
    %mul3A_6 = arith.muli %min3A_4, %mul3A_5 : i32
    %dma_start3A = arith.constant 0 : i32
    %dma_start3A_7 = tpu.memref_slice %arg2[%mul3A_6, %dma_start3A] : memref<50000x256xf32, #tpu.memory_space<hbm>> -> memref<200x256xf32, #tpu.memory_space<hbm>>
    %dma_start3A_8 = arith.constant 0 : i32
    %dma_start3A_9 = tpu.memref_slice %arg2[%mul3A_6, %dma_start3A_8] : memref<50000x256xf32, #tpu.memory_space<hbm>> -> memref<200x256xf32, #tpu.memory_space<hbm>>
    tpu.enqueue_dma source(%dma_start3A_9 : memref<200x256xf32, #tpu.memory_space<hbm>>) target(%arg4 : memref<200x256xf32, #tpu.memory_space<vmem>>) target_semaphore(%arg7 : memref<!tpu.dma_semaphore, #tpu.memory_space<semaphore_mem>>)
    %add3A_10 = arith.constant 32 : i32
    %add3A_11 = arith.addi %add3A, %add3A_10 : i32
    %min3A_12 = arith.constant 249 : i32
    %min3A_13 = arith.minsi %add3A_11, %min3A_12 : i32
    %mul3A_14 = arith.constant 200 : i32
    %mul3A_15 = arith.muli %min3A_13, %mul3A_14 : i32
    %dma_start3A_16 = arith.constant 0 : i32
    %dma_start3A_17 = tpu.memref_slice %arg2[%mul3A_15, %dma_start3A_16] : memref<50000x256xf32, #tpu.memory_space<hbm>> -> memref<200x256xf32, #tpu.memory_space<hbm>>
    %dma_start3A_18 = arith.constant 0 : i32
    %dma_start3A_19 = tpu.memref_slice %arg2[%mul3A_15, %dma_start3A_18] : memref<50000x256xf32, #tpu.memory_space<hbm>> -> memref<200x256xf32, #tpu.memory_space<hbm>>
    tpu.enqueue_dma source(%dma_start3A_19 : memref<200x256xf32, #tpu.memory_space<hbm>>) target(%arg5 : memref<200x256xf32, #tpu.memory_space<vmem>>) target_semaphore(%arg8 : memref<!tpu.dma_semaphore, #tpu.memory_space<semaphore_mem>>)
    %add3A_20 = arith.constant 0 : i32
    %add3A_21 = arith.addi %add3A, %add3A_20 : i32
    %min3A_22 = arith.constant 249 : i32
    %min3A_23 = arith.minsi %add3A_21, %min3A_22 : i32
    %mul3A_24 = arith.constant 200 : i32
    %mul3A_25 = arith.muli %min3A_23, %mul3A_24 : i32
    %dma_wait3A = arith.constant 0 : i32
    %dma_wait3A_26 = tpu.memref_slice %arg2[%mul3A_25, %dma_wait3A] : memref<50000x256xf32, #tpu.memory_space<hbm>> -> memref<200x256xf32, #tpu.memory_space<hbm>>
    %dma_wait3A_27 = arith.constant 0 : i32
    %dma_wait3A_28 = tpu.memref_slice %arg2[%mul3A_25, %dma_wait3A_27] : memref<50000x256xf32, #tpu.memory_space<hbm>> -> memref<200x256xf32, #tpu.memory_space<hbm>>
    tpu.wait_dma2 semaphore(%arg7 : memref<!tpu.dma_semaphore, #tpu.memory_space<semaphore_mem>>) src(%dma_wait3A_28 : memref<200x256xf32, #tpu.memory_space<hbm>>) dst(%arg4 : memref<200x256xf32, #tpu.memory_space<vmem>>)
    %scan3A = arith.constant 0 : i32
    %scan3A_29 = arith.constant 200 : i32
    %scan3A_30 = arith.addi %scan3A, %scan3A_29 : i32
    %scan3A_31 = arith.constant 1 : i32
    %scan3A_32:32 = scf.for %scan3A_1218 = %scan3A to %scan3A_30 step %scan3A_31 iter_args(%scan3A_1219 = %broadcast_in_dim3A_1, %scan3A_1220 = %broadcast_in_dim3A_1, %scan3A_1221 = %broadcast_in_dim3A_1, %scan3A_1222 = %broadcast_in_dim3A_1, %scan3A_1223 = %broadcast_in_dim3A_1, %scan3A_1224 = %broadcast_in_dim3A_1, %scan3A_1225 = %broadcast_in_dim3A_1, %scan3A_1226 = %broadcast_in_dim3A_1, %scan3A_1227 = %broadcast_in_dim3A_1, %scan3A_1228 = %broadcast_in_dim3A_1, %scan3A_1229 = %broadcast_in_dim3A_1, %scan3A_1230 = %broadcast_in_dim3A_1, %scan3A_1231 = %broadcast_in_dim3A_1, %scan3A_1232 = %broadcast_in_dim3A_1, %scan3A_1233 = %broadcast_in_dim3A_1, %scan3A_1234 = %broadcast_in_dim3A_1, %scan3A_1235 = %broadcast_in_dim3A_1, %scan3A_1236 = %broadcast_in_dim3A_1, %scan3A_1237 = %broadcast_in_dim3A_1, %scan3A_1238 = %broadcast_in_dim3A_1, %scan3A_1239 = %broadcast_in_dim3A_1, %scan3A_1240 = %broadcast_in_dim3A_1, %scan3A_1241 = %broadcast_in_dim3A_1, %scan3A_1242 = %broadcast_in_dim3A_1, %scan3A_1243 = %broadcast_in_dim3A_1, %scan3A_1244 = %broadcast_in_dim3A_1, %scan3A_1245 = %broadcast_in_dim3A_1, %scan3A_1246 = %broadcast_in_dim3A_1, %scan3A_1247 = %broadcast_in_dim3A_1, %scan3A_1248 = %broadcast_in_dim3A_1, %scan3A_1249 = %broadcast_in_dim3A_1, %scan3A_1250 = %broadcast_in_dim3A_1) -> (vector<16xf32>, vector<16xf32>, vector<16xf32>, vector<16xf32>, vector<16xf32>, vector<16xf32>, vector<16xf32>, vector<16xf32>, vector<16xf32>, vector<16xf32>, vector<16xf32>, vector<16xf32>, vector<16xf32>, vector<16xf32>, vector<16xf32>, vector<16xf32>, vector<16xf32>, vector<16xf32>, vector<16xf32>, vector<16xf32>, vector<16xf32>, vector<16xf32>, vector<16xf32>, vector<16xf32>, vector<16xf32>, vector<16xf32>, vector<16xf32>, vector<16xf32>, vector<16xf32>, vector<16xf32>, vector<16xf32>, vector<16xf32>)  : i32 {
      %get3A = arith.index_cast %scan3A_1218 : i32 to index
      %get3A_1251 = arith.constant 0 : index
      %get3A_1252 = tpu.vector_load %arg4[%get3A, %get3A_1251] {strides = array<i32>} : memref<200x256xf32, #tpu.memory_space<vmem>>, vector<1x16xf32>,
      %get3A_1253 = vector.shape_cast %get3A_1252 : vector<1x16xf32> to vector<16xf32>
      %add3A_1254 = arith.addf %scan3A_1219, %get3A_1253 : vector<16xf32>
      %mul3A_1255 = arith.mulf %get3A_1253, %get3A_1253 : vector<16xf32>
      %add3A_1256 = arith.addf %scan3A_1235, %mul3A_1255 : vector<16xf32>
      %get3A_1257 = arith.index_cast %scan3A_1218 : i32 to index
      %get3A_1258 = arith.constant 16 : index
      %get3A_1259 = tpu.vector_load %arg4[%get3A_1257, %get3A_1258] {strides = array<i32>} : memref<200x256xf32, #tpu.memory_space<vmem>>, vector<1x16xf32>,
      %get3A_1260 = vector.shape_cast %get3A_1259 : vector<1x16xf32> to vector<16xf32>
      %add3A_1261 = arith.addf %scan3A_1220, %get3A_1260 : vector<16xf32>
      %mul3A_1262 = arith.mulf %get3A_1260, %get3A_1260 : vector<16xf32>
      %add3A_1263 = arith.addf %scan3A_1236, %mul3A_1262 : vector<16xf32>
      %get3A_1264 = arith.index_cast %scan3A_1218 : i32 to index
      %get3A_1265 = arith.constant 32 : index
      %get3A_1266 = tpu.vector_load %arg4[%get3A_1264, %get3A_1265] {strides = array<i32>} : memref<200x256xf32, #tpu.memory_space<vmem>>, vector<1x16xf32>,
      %get3A_1267 = vector.shape_cast %get3A_1266 : vector<1x16xf32> to vector<16xf32>
      %add3A_1268 = arith.addf %scan3A_1221, %get3A_1267 : vector<16xf32>
      %mul3A_1269 = arith.mulf %get3A_1267, %get3A_1267 : vector<16xf32>
      %add3A_1270 = arith.addf %scan3A_1237, %mul3A_1269 : vector<16xf32>
      %get3A_1271 = arith.index_cast %scan3A_1218 : i32 to index
      %get3A_1272 = arith.constant 48 : index
      %get3A_1273 = tpu.vector_load %arg4[%get3A_1271, %get3A_1272] {strides = array<i32>} : memref<200x256xf32, #tpu.memory_space<vmem>>, vector<1x16xf32>,
      %get3A_1274 = vector.shape_cast %get3A_1273 : vector<1x16xf32> to vector<16xf32>
      %add3A_1275 = arith.addf %scan3A_1222, %get3A_1274 : vector<16xf32>
      %mul3A_1276 = arith.mulf %get3A_1274, %get3A_1274 : vector<16xf32>
      %add3A_1277 = arith.addf %scan3A_1238, %mul3A_1276 : vector<16xf32>
      %get3A_1278 = arith.index_cast %scan3A_1218 : i32 to index
      %get3A_1279 = arith.constant 64 : index
      %get3A_1280 = tpu.vector_load %arg4[%get3A_1278, %get3A_1279] {strides = array<i32>} : memref<200x256xf32, #tpu.memory_space<vmem>>, vector<1x16xf32>,
      %get3A_1281 = vector.shape_cast %get3A_1280 : vector<1x16xf32> to vector<16xf32>
      %add3A_1282 = arith.addf %scan3A_1223, %get3A_1281 : vector<16xf32>
      %mul3A_1283 = arith.mulf %get3A_1281, %get3A_1281 : vector<16xf32>
      %add3A_1284 = arith.addf %scan3A_1239, %mul3A_1283 : vector<16xf32>
      %get3A_1285 = arith.index_cast %scan3A_1218 : i32 to index
      %get3A_1286 = arith.constant 80 : index
      %get3A_1287 = tpu.vector_load %arg4[%get3A_1285, %get3A_1286] {strides = array<i32>} : memref<200x256xf32, #tpu.memory_space<vmem>>, vector<1x16xf32>,
      %get3A_1288 = vector.shape_cast %get3A_1287 : vector<1x16xf32> to vector<16xf32>
      %add3A_1289 = arith.addf %scan3A_1224, %get3A_1288 : vector<16xf32>
      %mul3A_1290 = arith.mulf %get3A_1288, %get3A_1288 : vector<16xf32>
      %add3A_1291 = arith.addf %scan3A_1240, %mul3A_1290 : vector<16xf32>
      %get3A_1292 = arith.index_cast %scan3A_1218 : i32 to index
      %get3A_1293 = arith.constant 96 : index
      %get3A_1294 = tpu.vector_load %arg4[%get3A_1292, %get3A_1293] {strides = array<i32>} : memref<200x256xf32, #tpu.memory_space<vmem>>, vector<1x16xf32>,
      %get3A_1295 = vector.shape_cast %get3A_1294 : vector<1x16xf32> to vector<16xf32>
      %add3A_1296 = arith.addf %scan3A_1225, %get3A_1295 : vector<16xf32>
      %mul3A_1297 = arith.mulf %get3A_1295, %get3A_1295 : vector<16xf32>
      %add3A_1298 = arith.addf %scan3A_1241, %mul3A_1297 : vector<16xf32>
      %get3A_1299 = arith.index_cast %scan3A_1218 : i32 to index
      %get3A_1300 = arith.constant 112 : index
      %get3A_1301 = tpu.vector_load %arg4[%get3A_1299, %get3A_1300] {strides = array<i32>} : memref<200x256xf32, #tpu.memory_space<vmem>>, vector<1x16xf32>,
      %get3A_1302 = vector.shape_cast %get3A_1301 : vector<1x16xf32> to vector<16xf32>
      %add3A_1303 = arith.addf %scan3A_1226, %get3A_1302 : vector<16xf32>
      %mul3A_1304 = arith.mulf %get3A_1302, %get3A_1302 : vector<16xf32>
      %add3A_1305 = arith.addf %scan3A_1242, %mul3A_1304 : vector<16xf32>
      %get3A_1306 = arith.index_cast %scan3A_1218 : i32 to index
      %get3A_1307 = arith.constant 128 : index
      %get3A_1308 = tpu.vector_load %arg4[%get3A_1306, %get3A_1307] {strides = array<i32>} : memref<200x256xf32, #tpu.memory_space<vmem>>, vector<1x16xf32>,
      %get3A_1309 = vector.shape_cast %get3A_1308 : vector<1x16xf32> to vector<16xf32>
      %add3A_1310 = arith.addf %scan3A_1227, %get3A_1309 : vector<16xf32>
      %mul3A_1311 = arith.mulf %get3A_1309, %get3A_1309 : vector<16xf32>
      %add3A_1312 = arith.addf %scan3A_1243, %mul3A_1311 : vector<16xf32>
      %get3A_1313 = arith.index_cast %scan3A_1218 : i32 to index
      %get3A_1314 = arith.constant 144 : index
      %get3A_1315 = tpu.vector_load %arg4[%get3A_1313, %get3A_1314] {strides = array<i32>} : memref<200x256xf32, #tpu.memory_space<vmem>>, vector<1x16xf32>,
      %get3A_1316 = vector.shape_cast %get3A_1315 : vector<1x16xf32> to vector<16xf32>
      %add3A_1317 = arith.addf %scan3A_1228, %get3A_1316 : vector<16xf32>
      %mul3A_1318 = arith.mulf %get3A_1316, %get3A_1316 : vector<16xf32>
      %add3A_1319 = arith.addf %scan3A_1244, %mul3A_1318 : vector<16xf32>
      %get3A_1320 = arith.index_cast %scan3A_1218 : i32 to index
      %get3A_1321 = arith.constant 160 : index
      %get3A_1322 = tpu.vector_load %arg4[%get3A_1320, %get3A_1321] {strides = array<i32>} : memref<200x256xf32, #tpu.memory_space<vmem>>, vector<1x16xf32>,
      %get3A_1323 = vector.shape_cast %get3A_1322 : vector<1x16xf32> to vector<16xf32>
      %add3A_1324 = arith.addf %scan3A_1229, %get3A_1323 : vector<16xf32>
      %mul3A_1325 = arith.mulf %get3A_1323, %get3A_1323 : vector<16xf32>
      %add3A_1326 = arith.addf %scan3A_1245, %mul3A_1325 : vector<16xf32>
      %get3A_1327 = arith.index_cast %scan3A_1218 : i32 to index
      %get3A_1328 = arith.constant 176 : index
      %get3A_1329 = tpu.vector_load %arg4[%get3A_1327, %get3A_1328] {strides = array<i32>} : memref<200x256xf32, #tpu.memory_space<vmem>>, vector<1x16xf32>,
      %get3A_1330 = vector.shape_cast %get3A_1329 : vector<1x16xf32> to vector<16xf32>
      %add3A_1331 = arith.addf %scan3A_1230, %get3A_1330 : vector<16xf32>
      %mul3A_1332 = arith.mulf %get3A_1330, %get3A_1330 : vector<16xf32>
      %add3A_1333 = arith.addf %scan3A_1246, %mul3A_1332 : vector<16xf32>
      %get3A_1334 = arith.index_cast %scan3A_1218 : i32 to index
      %get3A_1335 = arith.constant 192 : index
      %get3A_1336 = tpu.vector_load %arg4[%get3A_1334, %get3A_1335] {strides = array<i32>} : memref<200x256xf32, #tpu.memory_space<vmem>>, vector<1x16xf32>,
      %get3A_1337 = vector.shape_cast %get3A_1336 : vector<1x16xf32> to vector<16xf32>
      %add3A_1338 = arith.addf %scan3A_1231, %get3A_1337 : vector<16xf32>
      %mul3A_1339 = arith.mulf %get3A_1337, %get3A_1337 : vector<16xf32>
      %add3A_1340 = arith.addf %scan3A_1247, %mul3A_1339 : vector<16xf32>
      %get3A_1341 = arith.index_cast %scan3A_1218 : i32 to index
      %get3A_1342 = arith.constant 208 : index
      %get3A_1343 = tpu.vector_load %arg4[%get3A_1341, %get3A_1342] {strides = array<i32>} : memref<200x256xf32, #tpu.memory_space<vmem>>, vector<1x16xf32>,
      %get3A_1344 = vector.shape_cast %get3A_1343 : vector<1x16xf32> to vector<16xf32>
      %add3A_1345 = arith.addf %scan3A_1232, %get3A_1344 : vector<16xf32>
      %mul3A_1346 = arith.mulf %get3A_1344, %get3A_1344 : vector<16xf32>
      %add3A_1347 = arith.addf %scan3A_1248, %mul3A_1346 : vector<16xf32>
      %get3A_1348 = arith.index_cast %scan3A_1218 : i32 to index
      %get3A_1349 = arith.constant 224 : index
      %get3A_1350 = tpu.vector_load %arg4[%get3A_1348, %get3A_1349] {strides = array<i32>} : memref<200x256xf32, #tpu.memory_space<vmem>>, vector<1x16xf32>,
      %get3A_1351 = vector.shape_cast %get3A_1350 : vector<1x16xf32> to vector<16xf32>
      %add3A_1352 = arith.addf %scan3A_1233, %get3A_1351 : vector<16xf32>
      %mul3A_1353 = arith.mulf %get3A_1351, %get3A_1351 : vector<16xf32>
      %add3A_1354 = arith.addf %scan3A_1249, %mul3A_1353 : vector<16xf32>
      %get3A_1355 = arith.index_cast %scan3A_1218 : i32 to index
      %get3A_1356 = arith.constant 240 : index
      %get3A_1357 = tpu.vector_load %arg4[%get3A_1355, %get3A_1356] {strides = array<i32>} : memref<200x256xf32, #tpu.memory_space<vmem>>, vector<1x16xf32>,
      %get3A_1358 = vector.shape_cast %get3A_1357 : vector<1x16xf32> to vector<16xf32>
      %add3A_1359 = arith.addf %scan3A_1234, %get3A_1358 : vector<16xf32>
      %mul3A_1360 = arith.mulf %get3A_1358, %get3A_1358 : vector<16xf32>
      %add3A_1361 = arith.addf %scan3A_1250, %mul3A_1360 : vector<16xf32>
      scf.yield %add3A_1254, %add3A_1261, %add3A_1268, %add3A_1275, %add3A_1282, %add3A_1289, %add3A_1296, %add3A_1303, %add3A_1310, %add3A_1317, %add3A_1324, %add3A_1331, %add3A_1338, %add3A_1345, %add3A_1352, %add3A_1359, %add3A_1256, %add3A_1263, %add3A_1270, %add3A_1277, %add3A_1284, %add3A_1291, %add3A_1298, %add3A_1305, %add3A_1312, %add3A_1319, %add3A_1326, %add3A_1333, %add3A_1340, %add3A_1347, %add3A_1354, %add3A_1361 : vector<16xf32>, vector<16xf32>, vector<16xf32>, vector<16xf32>, vector<16xf32>, vector<16xf32>, vector<16xf32>, vector<16xf32>, vector<16xf32>, vector<16xf32>, vector<16xf32>, vector<16xf32>, vector<16xf32>, vector<16xf32>, vector<16xf32>, vector<16xf32>, vector<16xf32>, vector<16xf32>, vector<16xf32>, vector<16xf32>, vector<16xf32>, vector<16xf32>, vector<16xf32>, vector<16xf32>, vector<16xf32>, vector<16xf32>, vector<16xf32>, vector<16xf32>, vector<16xf32>, vector<16xf32>, vector<16xf32>, vector<16xf32>
    }
    %scan3A_33 = arith.constant 200 : i32
    %add3A_34 = arith.constant 0 : i32
    %add3A_35 = arith.addi %add3A, %add3A_34 : i32
    %lt3A = arith.constant 250 : i32
    %lt3A_36 = arith.cmpi slt, %add3A_35, %lt3A : i32
    %convert_element_type3A = arith.extui %lt3A_36 : i1 to i32
    %convert_element_type3A_37 = arith.sitofp %convert_element_type3A : i32 to f32
    %broadcast_in_dim3A_38 = vector.broadcast %convert_element_type3A_37 : f32 to vector<16xf32>
    %sub3A = arith.subf %scan3A_32#0, %broadcast_in_dim3A_1 : vector<16xf32>
    %mul3A_39 = arith.mulf %broadcast_in_dim3A_38, %sub3A : vector<16xf32>
    %add3A_40 = arith.addf %broadcast_in_dim3A_1, %mul3A_39 : vector<16xf32>
    %sub3A_41 = arith.subf %scan3A_32#1, %broadcast_in_dim3A_1 : vector<16xf32>
    %mul3A_42 = arith.mulf %broadcast_in_dim3A_38, %sub3A_41 : vector<16xf32>
    %add3A_43 = arith.addf %broadcast_in_dim3A_1, %mul3A_42 : vector<16xf32>
    %sub3A_44 = arith.subf %scan3A_32#2, %broadcast_in_dim3A_1 : vector<16xf32>
    %mul3A_45 = arith.mulf %broadcast_in_dim3A_38, %sub3A_44 : vector<16xf32>
    %add3A_46 = arith.addf %broadcast_in_dim3A_1, %mul3A_45 : vector<16xf32>
    %sub3A_47 = arith.subf %scan3A_32#3, %broadcast_in_dim3A_1 : vector<16xf32>
    %mul3A_48 = arith.mulf %broadcast_in_dim3A_38, %sub3A_47 : vector<16xf32>
    %add3A_49 = arith.addf %broadcast_in_dim3A_1, %mul3A_48 : vector<16xf32>
    %sub3A_50 = arith.subf %scan3A_32#4, %broadcast_in_dim3A_1 : vector<16xf32>
    %mul3A_51 = arith.mulf %broadcast_in_dim3A_38, %sub3A_50 : vector<16xf32>
    %add3A_52 = arith.addf %broadcast_in_dim3A_1, %mul3A_51 : vector<16xf32>
    %sub3A_53 = arith.subf %scan3A_32#5, %broadcast_in_dim3A_1 : vector<16xf32>
    %mul3A_54 = arith.mulf %broadcast_in_dim3A_38, %sub3A_53 : vector<16xf32>
    %add3A_55 = arith.addf %broadcast_in_dim3A_1, %mul3A_54 : vector<16xf32>
    %sub3A_56 = arith.subf %scan3A_32#6, %broadcast_in_dim3A_1 : vector<16xf32>
    %mul3A_57 = arith.mulf %broadcast_in_dim3A_38, %sub3A_56 : vector<16xf32>
    %add3A_58 = arith.addf %broadcast_in_dim3A_1, %mul3A_57 : vector<16xf32>
    %sub3A_59 = arith.subf %scan3A_32#7, %broadcast_in_dim3A_1 : vector<16xf32>
    %mul3A_60 = arith.mulf %broadcast_in_dim3A_38, %sub3A_59 : vector<16xf32>
    %add3A_61 = arith.addf %broadcast_in_dim3A_1, %mul3A_60 : vector<16xf32>
    %sub3A_62 = arith.subf %scan3A_32#8, %broadcast_in_dim3A_1 : vector<16xf32>
    %mul3A_63 = arith.mulf %broadcast_in_dim3A_38, %sub3A_62 : vector<16xf32>
    %add3A_64 = arith.addf %broadcast_in_dim3A_1, %mul3A_63 : vector<16xf32>
    %sub3A_65 = arith.subf %scan3A_32#9, %broadcast_in_dim3A_1 : vector<16xf32>
    %mul3A_66 = arith.mulf %broadcast_in_dim3A_38, %sub3A_65 : vector<16xf32>
    %add3A_67 = arith.addf %broadcast_in_dim3A_1, %mul3A_66 : vector<16xf32>
    %sub3A_68 = arith.subf %scan3A_32#10, %broadcast_in_dim3A_1 : vector<16xf32>
    %mul3A_69 = arith.mulf %broadcast_in_dim3A_38, %sub3A_68 : vector<16xf32>
    %add3A_70 = arith.addf %broadcast_in_dim3A_1, %mul3A_69 : vector<16xf32>
    %sub3A_71 = arith.subf %scan3A_32#11, %broadcast_in_dim3A_1 : vector<16xf32>
    %mul3A_72 = arith.mulf %broadcast_in_dim3A_38, %sub3A_71 : vector<16xf32>
    %add3A_73 = arith.addf %broadcast_in_dim3A_1, %mul3A_72 : vector<16xf32>
    %sub3A_74 = arith.subf %scan3A_32#12, %broadcast_in_dim3A_1 : vector<16xf32>
    %mul3A_75 = arith.mulf %broadcast_in_dim3A_38, %sub3A_74 : vector<16xf32>
    %add3A_76 = arith.addf %broadcast_in_dim3A_1, %mul3A_75 : vector<16xf32>
    %sub3A_77 = arith.subf %scan3A_32#13, %broadcast_in_dim3A_1 : vector<16xf32>
    %mul3A_78 = arith.mulf %broadcast_in_dim3A_38, %sub3A_77 : vector<16xf32>
    %add3A_79 = arith.addf %broadcast_in_dim3A_1, %mul3A_78 : vector<16xf32>
    %sub3A_80 = arith.subf %scan3A_32#14, %broadcast_in_dim3A_1 : vector<16xf32>
    %mul3A_81 = arith.mulf %broadcast_in_dim3A_38, %sub3A_80 : vector<16xf32>
    %add3A_82 = arith.addf %broadcast_in_dim3A_1, %mul3A_81 : vector<16xf32>
    %sub3A_83 = arith.subf %scan3A_32#15, %broadcast_in_dim3A_1 : vector<16xf32>
    %mul3A_84 = arith.mulf %broadcast_in_dim3A_38, %sub3A_83 : vector<16xf32>
    %add3A_85 = arith.addf %broadcast_in_dim3A_1, %mul3A_84 : vector<16xf32>
    %sub3A_86 = arith.subf %scan3A_32#16, %broadcast_in_dim3A_1 : vector<16xf32>
    %mul3A_87 = arith.mulf %broadcast_in_dim3A_38, %sub3A_86 : vector<16xf32>
    %add3A_88 = arith.addf %broadcast_in_dim3A_1, %mul3A_87 : vector<16xf32>
    %sub3A_89 = arith.subf %scan3A_32#17, %broadcast_in_dim3A_1 : vector<16xf32>
    %mul3A_90 = arith.mulf %broadcast_in_dim3A_38, %sub3A_89 : vector<16xf32>
    %add3A_91 = arith.addf %broadcast_in_dim3A_1, %mul3A_90 : vector<16xf32>
    %sub3A_92 = arith.subf %scan3A_32#18, %broadcast_in_dim3A_1 : vector<16xf32>
    %mul3A_93 = arith.mulf %broadcast_in_dim3A_38, %sub3A_92 : vector<16xf32>
    %add3A_94 = arith.addf %broadcast_in_dim3A_1, %mul3A_93 : vector<16xf32>
    %sub3A_95 = arith.subf %scan3A_32#19, %broadcast_in_dim3A_1 : vector<16xf32>
    %mul3A_96 = arith.mulf %broadcast_in_dim3A_38, %sub3A_95 : vector<16xf32>
    %add3A_97 = arith.addf %broadcast_in_dim3A_1, %mul3A_96 : vector<16xf32>
    %sub3A_98 = arith.subf %scan3A_32#20, %broadcast_in_dim3A_1 : vector<16xf32>
    %mul3A_99 = arith.mulf %broadcast_in_dim3A_38, %sub3A_98 : vector<16xf32>
    %add3A_100 = arith.addf %broadcast_in_dim3A_1, %mul3A_99 : vector<16xf32>
    %sub3A_101 = arith.subf %scan3A_32#21, %broadcast_in_dim3A_1 : vector<16xf32>
    %mul3A_102 = arith.mulf %broadcast_in_dim3A_38, %sub3A_101 : vector<16xf32>
    %add3A_103 = arith.addf %broadcast_in_dim3A_1, %mul3A_102 : vector<16xf32>
    %sub3A_104 = arith.subf %scan3A_32#22, %broadcast_in_dim3A_1 : vector<16xf32>
    %mul3A_105 = arith.mulf %broadcast_in_dim3A_38, %sub3A_104 : vector<16xf32>
    %add3A_106 = arith.addf %broadcast_in_dim3A_1, %mul3A_105 : vector<16xf32>
    %sub3A_107 = arith.subf %scan3A_32#23, %broadcast_in_dim3A_1 : vector<16xf32>
    %mul3A_108 = arith.mulf %broadcast_in_dim3A_38, %sub3A_107 : vector<16xf32>
    %add3A_109 = arith.addf %broadcast_in_dim3A_1, %mul3A_108 : vector<16xf32>
    %sub3A_110 = arith.subf %scan3A_32#24, %broadcast_in_dim3A_1 : vector<16xf32>
    %mul3A_111 = arith.mulf %broadcast_in_dim3A_38, %sub3A_110 : vector<16xf32>
    %add3A_112 = arith.addf %broadcast_in_dim3A_1, %mul3A_111 : vector<16xf32>
    %sub3A_113 = arith.subf %scan3A_32#25, %broadcast_in_dim3A_1 : vector<16xf32>
    %mul3A_114 = arith.mulf %broadcast_in_dim3A_38, %sub3A_113 : vector<16xf32>
    %add3A_115 = arith.addf %broadcast_in_dim3A_1, %mul3A_114 : vector<16xf32>
    %sub3A_116 = arith.subf %scan3A_32#26, %broadcast_in_dim3A_1 : vector<16xf32>
    %mul3A_117 = arith.mulf %broadcast_in_dim3A_38, %sub3A_116 : vector<16xf32>
    %add3A_118 = arith.addf %broadcast_in_dim3A_1, %mul3A_117 : vector<16xf32>
    %sub3A_119 = arith.subf %scan3A_32#27, %broadcast_in_dim3A_1 : vector<16xf32>
    %mul3A_120 = arith.mulf %broadcast_in_dim3A_38, %sub3A_119 : vector<16xf32>
    %add3A_121 = arith.addf %broadcast_in_dim3A_1, %mul3A_120 : vector<16xf32>
    %sub3A_122 = arith.subf %scan3A_32#28, %broadcast_in_dim3A_1 : vector<16xf32>
    %mul3A_123 = arith.mulf %broadcast_in_dim3A_38, %sub3A_122 : vector<16xf32>
    %add3A_124 = arith.addf %broadcast_in_dim3A_1, %mul3A_123 : vector<16xf32>
    %sub3A_125 = arith.subf %scan3A_32#29, %broadcast_in_dim3A_1 : vector<16xf32>
    %mul3A_126 = arith.mulf %broadcast_in_dim3A_38, %sub3A_125 : vector<16xf32>
    %add3A_127 = arith.addf %broadcast_in_dim3A_1, %mul3A_126 : vector<16xf32>
    %sub3A_128 = arith.subf %scan3A_32#30, %broadcast_in_dim3A_1 : vector<16xf32>
    %mul3A_129 = arith.mulf %broadcast_in_dim3A_38, %sub3A_128 : vector<16xf32>
    %add3A_130 = arith.addf %broadcast_in_dim3A_1, %mul3A_129 : vector<16xf32>
    %sub3A_131 = arith.subf %scan3A_32#31, %broadcast_in_dim3A_1 : vector<16xf32>
    %mul3A_132 = arith.mulf %broadcast_in_dim3A_38, %sub3A_131 : vector<16xf32>
    %add3A_133 = arith.addf %broadcast_in_dim3A_1, %mul3A_132 : vector<16xf32>
    %add3A_134 = arith.constant 64 : i32
    %add3A_135 = arith.addi %add3A, %add3A_134 : i32
    %min3A_136 = arith.constant 249 : i32
    %min3A_137 = arith.minsi %add3A_135, %min3A_136 : i32
    %mul3A_138 = arith.constant 200 : i32
    %mul3A_139 = arith.muli %min3A_137, %mul3A_138 : i32
    %dma_start3A_140 = arith.constant 0 : i32
    %dma_start3A_141 = tpu.memref_slice %arg2[%mul3A_139, %dma_start3A_140] : memref<50000x256xf32, #tpu.memory_space<hbm>> -> memref<200x256xf32, #tpu.memory_space<hbm>>
    %dma_start3A_142 = arith.constant 0 : i32
    %dma_start3A_143 = tpu.memref_slice %arg2[%mul3A_139, %dma_start3A_142] : memref<50000x256xf32, #tpu.memory_space<hbm>> -> memref<200x256xf32, #tpu.memory_space<hbm>>
    tpu.enqueue_dma source(%dma_start3A_143 : memref<200x256xf32, #tpu.memory_space<hbm>>) target(%arg4 : memref<200x256xf32, #tpu.memory_space<vmem>>) target_semaphore(%arg7 : memref<!tpu.dma_semaphore, #tpu.memory_space<semaphore_mem>>)
    %add3A_144 = arith.constant 32 : i32
    %add3A_145 = arith.addi %add3A, %add3A_144 : i32
    %min3A_146 = arith.constant 249 : i32
    %min3A_147 = arith.minsi %add3A_145, %min3A_146 : i32
    %mul3A_148 = arith.constant 200 : i32
    %mul3A_149 = arith.muli %min3A_147, %mul3A_148 : i32
    %dma_wait3A_150 = arith.constant 0 : i32
    %dma_wait3A_151 = tpu.memref_slice %arg2[%mul3A_149, %dma_wait3A_150] : memref<50000x256xf32, #tpu.memory_space<hbm>> -> memref<200x256xf32, #tpu.memory_space<hbm>>
    %dma_wait3A_152 = arith.constant 0 : i32
    %dma_wait3A_153 = tpu.memref_slice %arg2[%mul3A_149, %dma_wait3A_152] : memref<50000x256xf32, #tpu.memory_space<hbm>> -> memref<200x256xf32, #tpu.memory_space<hbm>>
    tpu.wait_dma2 semaphore(%arg8 : memref<!tpu.dma_semaphore, #tpu.memory_space<semaphore_mem>>) src(%dma_wait3A_153 : memref<200x256xf32, #tpu.memory_space<hbm>>) dst(%arg5 : memref<200x256xf32, #tpu.memory_space<vmem>>)
    %scan3A_154 = arith.constant 0 : i32
    %scan3A_155 = arith.constant 200 : i32
    %scan3A_156 = arith.addi %scan3A_154, %scan3A_155 : i32
    %scan3A_157 = arith.constant 1 : i32
    %scan3A_158:32 = scf.for %scan3A_1218 = %scan3A_154 to %scan3A_156 step %scan3A_157 iter_args(%scan3A_1219 = %add3A_40, %scan3A_1220 = %add3A_43, %scan3A_1221 = %add3A_46, %scan3A_1222 = %add3A_49, %scan3A_1223 = %add3A_52, %scan3A_1224 = %add3A_55, %scan3A_1225 = %add3A_58, %scan3A_1226 = %add3A_61, %scan3A_1227 = %add3A_64, %scan3A_1228 = %add3A_67, %scan3A_1229 = %add3A_70, %scan3A_1230 = %add3A_73, %scan3A_1231 = %add3A_76, %scan3A_1232 = %add3A_79, %scan3A_1233 = %add3A_82, %scan3A_1234 = %add3A_85, %scan3A_1235 = %add3A_88, %scan3A_1236 = %add3A_91, %scan3A_1237 = %add3A_94, %scan3A_1238 = %add3A_97, %scan3A_1239 = %add3A_100, %scan3A_1240 = %add3A_103, %scan3A_1241 = %add3A_106, %scan3A_1242 = %add3A_109, %scan3A_1243 = %add3A_112, %scan3A_1244 = %add3A_115, %scan3A_1245 = %add3A_118, %scan3A_1246 = %add3A_121, %scan3A_1247 = %add3A_124, %scan3A_1248 = %add3A_127, %scan3A_1249 = %add3A_130, %scan3A_1250 = %add3A_133) -> (vector<16xf32>, vector<16xf32>, vector<16xf32>, vector<16xf32>, vector<16xf32>, vector<16xf32>, vector<16xf32>, vector<16xf32>, vector<16xf32>, vector<16xf32>, vector<16xf32>, vector<16xf32>, vector<16xf32>, vector<16xf32>, vector<16xf32>, vector<16xf32>, vector<16xf32>, vector<16xf32>, vector<16xf32>, vector<16xf32>, vector<16xf32>, vector<16xf32>, vector<16xf32>, vector<16xf32>, vector<16xf32>, vector<16xf32>, vector<16xf32>, vector<16xf32>, vector<16xf32>, vector<16xf32>, vector<16xf32>, vector<16xf32>)  : i32 {
      %get3A = arith.index_cast %scan3A_1218 : i32 to index
      %get3A_1251 = arith.constant 0 : index
      %get3A_1252 = tpu.vector_load %arg5[%get3A, %get3A_1251] {strides = array<i32>} : memref<200x256xf32, #tpu.memory_space<vmem>>, vector<1x16xf32>,
      %get3A_1253 = vector.shape_cast %get3A_1252 : vector<1x16xf32> to vector<16xf32>
      %add3A_1254 = arith.addf %scan3A_1219, %get3A_1253 : vector<16xf32>
      %mul3A_1255 = arith.mulf %get3A_1253, %get3A_1253 : vector<16xf32>
      %add3A_1256 = arith.addf %scan3A_1235, %mul3A_1255 : vector<16xf32>
      %get3A_1257 = arith.index_cast %scan3A_1218 : i32 to index
      %get3A_1258 = arith.constant 16 : index
      %get3A_1259 = tpu.vector_load %arg5[%get3A_1257, %get3A_1258] {strides = array<i32>} : memref<200x256xf32, #tpu.memory_space<vmem>>, vector<1x16xf32>,
      %get3A_1260 = vector.shape_cast %get3A_1259 : vector<1x16xf32> to vector<16xf32>
      %add3A_1261 = arith.addf %scan3A_1220, %get3A_1260 : vector<16xf32>
      %mul3A_1262 = arith.mulf %get3A_1260, %get3A_1260 : vector<16xf32>
      %add3A_1263 = arith.addf %scan3A_1236, %mul3A_1262 : vector<16xf32>
      %get3A_1264 = arith.index_cast %scan3A_1218 : i32 to index
      %get3A_1265 = arith.constant 32 : index
      %get3A_1266 = tpu.vector_load %arg5[%get3A_1264, %get3A_1265] {strides = array<i32>} : memref<200x256xf32, #tpu.memory_space<vmem>>, vector<1x16xf32>,
      %get3A_1267 = vector.shape_cast %get3A_1266 : vector<1x16xf32> to vector<16xf32>
      %add3A_1268 = arith.addf %scan3A_1221, %get3A_1267 : vector<16xf32>
      %mul3A_1269 = arith.mulf %get3A_1267, %get3A_1267 : vector<16xf32>
      %add3A_1270 = arith.addf %scan3A_1237, %mul3A_1269 : vector<16xf32>
      %get3A_1271 = arith.index_cast %scan3A_1218 : i32 to index
      %get3A_1272 = arith.constant 48 : index
      %get3A_1273 = tpu.vector_load %arg5[%get3A_1271, %get3A_1272] {strides = array<i32>} : memref<200x256xf32, #tpu.memory_space<vmem>>, vector<1x16xf32>,
      %get3A_1274 = vector.shape_cast %get3A_1273 : vector<1x16xf32> to vector<16xf32>
      %add3A_1275 = arith.addf %scan3A_1222, %get3A_1274 : vector<16xf32>
      %mul3A_1276 = arith.mulf %get3A_1274, %get3A_1274 : vector<16xf32>
      %add3A_1277 = arith.addf %scan3A_1238, %mul3A_1276 : vector<16xf32>
      %get3A_1278 = arith.index_cast %scan3A_1218 : i32 to index
      %get3A_1279 = arith.constant 64 : index
      %get3A_1280 = tpu.vector_load %arg5[%get3A_1278, %get3A_1279] {strides = array<i32>} : memref<200x256xf32, #tpu.memory_space<vmem>>, vector<1x16xf32>,
      %get3A_1281 = vector.shape_cast %get3A_1280 : vector<1x16xf32> to vector<16xf32>
      %add3A_1282 = arith.addf %scan3A_1223, %get3A_1281 : vector<16xf32>
      %mul3A_1283 = arith.mulf %get3A_1281, %get3A_1281 : vector<16xf32>
      %add3A_1284 = arith.addf %scan3A_1239, %mul3A_1283 : vector<16xf32>
      %get3A_1285 = arith.index_cast %scan3A_1218 : i32 to index
      %get3A_1286 = arith.constant 80 : index
      %get3A_1287 = tpu.vector_load %arg5[%get3A_1285, %get3A_1286] {strides = array<i32>} : memref<200x256xf32, #tpu.memory_space<vmem>>, vector<1x16xf32>,
      %get3A_1288 = vector.shape_cast %get3A_1287 : vector<1x16xf32> to vector<16xf32>
      %add3A_1289 = arith.addf %scan3A_1224, %get3A_1288 : vector<16xf32>
      %mul3A_1290 = arith.mulf %get3A_1288, %get3A_1288 : vector<16xf32>
      %add3A_1291 = arith.addf %scan3A_1240, %mul3A_1290 : vector<16xf32>
      %get3A_1292 = arith.index_cast %scan3A_1218 : i32 to index
      %get3A_1293 = arith.constant 96 : index
      %get3A_1294 = tpu.vector_load %arg5[%get3A_1292, %get3A_1293] {strides = array<i32>} : memref<200x256xf32, #tpu.memory_space<vmem>>, vector<1x16xf32>,
      %get3A_1295 = vector.shape_cast %get3A_1294 : vector<1x16xf32> to vector<16xf32>
      %add3A_1296 = arith.addf %scan3A_1225, %get3A_1295 : vector<16xf32>
      %mul3A_1297 = arith.mulf %get3A_1295, %get3A_1295 : vector<16xf32>
      %add3A_1298 = arith.addf %scan3A_1241, %mul3A_1297 : vector<16xf32>
      %get3A_1299 = arith.index_cast %scan3A_1218 : i32 to index
      %get3A_1300 = arith.constant 112 : index
      %get3A_1301 = tpu.vector_load %arg5[%get3A_1299, %get3A_1300] {strides = array<i32>} : memref<200x256xf32, #tpu.memory_space<vmem>>, vector<1x16xf32>,
      %get3A_1302 = vector.shape_cast %get3A_1301 : vector<1x16xf32> to vector<16xf32>
      %add3A_1303 = arith.addf %scan3A_1226, %get3A_1302 : vector<16xf32>
      %mul3A_1304 = arith.mulf %get3A_1302, %get3A_1302 : vector<16xf32>
      %add3A_1305 = arith.addf %scan3A_1242, %mul3A_1304 : vector<16xf32>
      %get3A_1306 = arith.index_cast %scan3A_1218 : i32 to index
      %get3A_1307 = arith.constant 128 : index
      %get3A_1308 = tpu.vector_load %arg5[%get3A_1306, %get3A_1307] {strides = array<i32>} : memref<200x256xf32, #tpu.memory_space<vmem>>, vector<1x16xf32>,
      %get3A_1309 = vector.shape_cast %get3A_1308 : vector<1x16xf32> to vector<16xf32>
      %add3A_1310 = arith.addf %scan3A_1227, %get3A_1309 : vector<16xf32>
      %mul3A_1311 = arith.mulf %get3A_1309, %get3A_1309 : vector<16xf32>
      %add3A_1312 = arith.addf %scan3A_1243, %mul3A_1311 : vector<16xf32>
      %get3A_1313 = arith.index_cast %scan3A_1218 : i32 to index
      %get3A_1314 = arith.constant 144 : index
      %get3A_1315 = tpu.vector_load %arg5[%get3A_1313, %get3A_1314] {strides = array<i32>} : memref<200x256xf32, #tpu.memory_space<vmem>>, vector<1x16xf32>,
      %get3A_1316 = vector.shape_cast %get3A_1315 : vector<1x16xf32> to vector<16xf32>
      %add3A_1317 = arith.addf %scan3A_1228, %get3A_1316 : vector<16xf32>
      %mul3A_1318 = arith.mulf %get3A_1316, %get3A_1316 : vector<16xf32>
      %add3A_1319 = arith.addf %scan3A_1244, %mul3A_1318 : vector<16xf32>
      %get3A_1320 = arith.index_cast %scan3A_1218 : i32 to index
      %get3A_1321 = arith.constant 160 : index
      %get3A_1322 = tpu.vector_load %arg5[%get3A_1320, %get3A_1321] {strides = array<i32>} : memref<200x256xf32, #tpu.memory_space<vmem>>, vector<1x16xf32>,
      %get3A_1323 = vector.shape_cast %get3A_1322 : vector<1x16xf32> to vector<16xf32>
      %add3A_1324 = arith.addf %scan3A_1229, %get3A_1323 : vector<16xf32>
      %mul3A_1325 = arith.mulf %get3A_1323, %get3A_1323 : vector<16xf32>
      %add3A_1326 = arith.addf %scan3A_1245, %mul3A_1325 : vector<16xf32>
      %get3A_1327 = arith.index_cast %scan3A_1218 : i32 to index
      %get3A_1328 = arith.constant 176 : index
      %get3A_1329 = tpu.vector_load %arg5[%get3A_1327, %get3A_1328] {strides = array<i32>} : memref<200x256xf32, #tpu.memory_space<vmem>>, vector<1x16xf32>,
      %get3A_1330 = vector.shape_cast %get3A_1329 : vector<1x16xf32> to vector<16xf32>
      %add3A_1331 = arith.addf %scan3A_1230, %get3A_1330 : vector<16xf32>
      %mul3A_1332 = arith.mulf %get3A_1330, %get3A_1330 : vector<16xf32>
      %add3A_1333 = arith.addf %scan3A_1246, %mul3A_1332 : vector<16xf32>
      %get3A_1334 = arith.index_cast %scan3A_1218 : i32 to index
      %get3A_1335 = arith.constant 192 : index
      %get3A_1336 = tpu.vector_load %arg5[%get3A_1334, %get3A_1335] {strides = array<i32>} : memref<200x256xf32, #tpu.memory_space<vmem>>, vector<1x16xf32>,
      %get3A_1337 = vector.shape_cast %get3A_1336 : vector<1x16xf32> to vector<16xf32>
      %add3A_1338 = arith.addf %scan3A_1231, %get3A_1337 : vector<16xf32>
      %mul3A_1339 = arith.mulf %get3A_1337, %get3A_1337 : vector<16xf32>
      %add3A_1340 = arith.addf %scan3A_1247, %mul3A_1339 : vector<16xf32>
      %get3A_1341 = arith.index_cast %scan3A_1218 : i32 to index
      %get3A_1342 = arith.constant 208 : index
      %get3A_1343 = tpu.vector_load %arg5[%get3A_1341, %get3A_1342] {strides = array<i32>} : memref<200x256xf32, #tpu.memory_space<vmem>>, vector<1x16xf32>,
      %get3A_1344 = vector.shape_cast %get3A_1343 : vector<1x16xf32> to vector<16xf32>
      %add3A_1345 = arith.addf %scan3A_1232, %get3A_1344 : vector<16xf32>
      %mul3A_1346 = arith.mulf %get3A_1344, %get3A_1344 : vector<16xf32>
      %add3A_1347 = arith.addf %scan3A_1248, %mul3A_1346 : vector<16xf32>
      %get3A_1348 = arith.index_cast %scan3A_1218 : i32 to index
      %get3A_1349 = arith.constant 224 : index
      %get3A_1350 = tpu.vector_load %arg5[%get3A_1348, %get3A_1349] {strides = array<i32>} : memref<200x256xf32, #tpu.memory_space<vmem>>, vector<1x16xf32>,
      %get3A_1351 = vector.shape_cast %get3A_1350 : vector<1x16xf32> to vector<16xf32>
      %add3A_1352 = arith.addf %scan3A_1233, %get3A_1351 : vector<16xf32>
      %mul3A_1353 = arith.mulf %get3A_1351, %get3A_1351 : vector<16xf32>
      %add3A_1354 = arith.addf %scan3A_1249, %mul3A_1353 : vector<16xf32>
      %get3A_1355 = arith.index_cast %scan3A_1218 : i32 to index
      %get3A_1356 = arith.constant 240 : index
      %get3A_1357 = tpu.vector_load %arg5[%get3A_1355, %get3A_1356] {strides = array<i32>} : memref<200x256xf32, #tpu.memory_space<vmem>>, vector<1x16xf32>,
      %get3A_1358 = vector.shape_cast %get3A_1357 : vector<1x16xf32> to vector<16xf32>
      %add3A_1359 = arith.addf %scan3A_1234, %get3A_1358 : vector<16xf32>
      %mul3A_1360 = arith.mulf %get3A_1358, %get3A_1358 : vector<16xf32>
      %add3A_1361 = arith.addf %scan3A_1250, %mul3A_1360 : vector<16xf32>
      scf.yield %add3A_1254, %add3A_1261, %add3A_1268, %add3A_1275, %add3A_1282, %add3A_1289, %add3A_1296, %add3A_1303, %add3A_1310, %add3A_1317, %add3A_1324, %add3A_1331, %add3A_1338, %add3A_1345, %add3A_1352, %add3A_1359, %add3A_1256, %add3A_1263, %add3A_1270, %add3A_1277, %add3A_1284, %add3A_1291, %add3A_1298, %add3A_1305, %add3A_1312, %add3A_1319, %add3A_1326, %add3A_1333, %add3A_1340, %add3A_1347, %add3A_1354, %add3A_1361 : vector<16xf32>, vector<16xf32>, vector<16xf32>, vector<16xf32>, vector<16xf32>, vector<16xf32>, vector<16xf32>, vector<16xf32>, vector<16xf32>, vector<16xf32>, vector<16xf32>, vector<16xf32>, vector<16xf32>, vector<16xf32>, vector<16xf32>, vector<16xf32>, vector<16xf32>, vector<16xf32>, vector<16xf32>, vector<16xf32>, vector<16xf32>, vector<16xf32>, vector<16xf32>, vector<16xf32>, vector<16xf32>, vector<16xf32>, vector<16xf32>, vector<16xf32>, vector<16xf32>, vector<16xf32>, vector<16xf32>, vector<16xf32>
    }
    %scan3A_159 = arith.constant 200 : i32
    %add3A_160 = arith.constant 32 : i32
    %add3A_161 = arith.addi %add3A, %add3A_160 : i32
    %lt3A_162 = arith.constant 250 : i32
    %lt3A_163 = arith.cmpi slt, %add3A_161, %lt3A_162 : i32
    %convert_element_type3A_164 = arith.extui %lt3A_163 : i1 to i32
    %convert_element_type3A_165 = arith.sitofp %convert_element_type3A_164 : i32 to f32
    %broadcast_in_dim3A_166 = vector.broadcast %convert_element_type3A_165 : f32 to vector<16xf32>
    %sub3A_167 = arith.subf %scan3A_158#0, %add3A_40 : vector<16xf32>
    %mul3A_168 = arith.mulf %broadcast_in_dim3A_166, %sub3A_167 : vector<16xf32>
    %add3A_169 = arith.addf %add3A_40, %mul3A_168 : vector<16xf32>
    %sub3A_170 = arith.subf %scan3A_158#1, %add3A_43 : vector<16xf32>
    %mul3A_171 = arith.mulf %broadcast_in_dim3A_166, %sub3A_170 : vector<16xf32>
    %add3A_172 = arith.addf %add3A_43, %mul3A_171 : vector<16xf32>
    %sub3A_173 = arith.subf %scan3A_158#2, %add3A_46 : vector<16xf32>
    %mul3A_174 = arith.mulf %broadcast_in_dim3A_166, %sub3A_173 : vector<16xf32>
    %add3A_175 = arith.addf %add3A_46, %mul3A_174 : vector<16xf32>
    %sub3A_176 = arith.subf %scan3A_158#3, %add3A_49 : vector<16xf32>
    %mul3A_177 = arith.mulf %broadcast_in_dim3A_166, %sub3A_176 : vector<16xf32>
    %add3A_178 = arith.addf %add3A_49, %mul3A_177 : vector<16xf32>
    %sub3A_179 = arith.subf %scan3A_158#4, %add3A_52 : vector<16xf32>
    %mul3A_180 = arith.mulf %broadcast_in_dim3A_166, %sub3A_179 : vector<16xf32>
    %add3A_181 = arith.addf %add3A_52, %mul3A_180 : vector<16xf32>
    %sub3A_182 = arith.subf %scan3A_158#5, %add3A_55 : vector<16xf32>
    %mul3A_183 = arith.mulf %broadcast_in_dim3A_166, %sub3A_182 : vector<16xf32>
    %add3A_184 = arith.addf %add3A_55, %mul3A_183 : vector<16xf32>
    %sub3A_185 = arith.subf %scan3A_158#6, %add3A_58 : vector<16xf32>
    %mul3A_186 = arith.mulf %broadcast_in_dim3A_166, %sub3A_185 : vector<16xf32>
    %add3A_187 = arith.addf %add3A_58, %mul3A_186 : vector<16xf32>
    %sub3A_188 = arith.subf %scan3A_158#7, %add3A_61 : vector<16xf32>
    %mul3A_189 = arith.mulf %broadcast_in_dim3A_166, %sub3A_188 : vector<16xf32>
    %add3A_190 = arith.addf %add3A_61, %mul3A_189 : vector<16xf32>
    %sub3A_191 = arith.subf %scan3A_158#8, %add3A_64 : vector<16xf32>
    %mul3A_192 = arith.mulf %broadcast_in_dim3A_166, %sub3A_191 : vector<16xf32>
    %add3A_193 = arith.addf %add3A_64, %mul3A_192 : vector<16xf32>
    %sub3A_194 = arith.subf %scan3A_158#9, %add3A_67 : vector<16xf32>
    %mul3A_195 = arith.mulf %broadcast_in_dim3A_166, %sub3A_194 : vector<16xf32>
    %add3A_196 = arith.addf %add3A_67, %mul3A_195 : vector<16xf32>
    %sub3A_197 = arith.subf %scan3A_158#10, %add3A_70 : vector<16xf32>
    %mul3A_198 = arith.mulf %broadcast_in_dim3A_166, %sub3A_197 : vector<16xf32>
    %add3A_199 = arith.addf %add3A_70, %mul3A_198 : vector<16xf32>
    %sub3A_200 = arith.subf %scan3A_158#11, %add3A_73 : vector<16xf32>
    %mul3A_201 = arith.mulf %broadcast_in_dim3A_166, %sub3A_200 : vector<16xf32>
    %add3A_202 = arith.addf %add3A_73, %mul3A_201 : vector<16xf32>
    %sub3A_203 = arith.subf %scan3A_158#12, %add3A_76 : vector<16xf32>
    %mul3A_204 = arith.mulf %broadcast_in_dim3A_166, %sub3A_203 : vector<16xf32>
    %add3A_205 = arith.addf %add3A_76, %mul3A_204 : vector<16xf32>
    %sub3A_206 = arith.subf %scan3A_158#13, %add3A_79 : vector<16xf32>
    %mul3A_207 = arith.mulf %broadcast_in_dim3A_166, %sub3A_206 : vector<16xf32>
    %add3A_208 = arith.addf %add3A_79, %mul3A_207 : vector<16xf32>
    %sub3A_209 = arith.subf %scan3A_158#14, %add3A_82 : vector<16xf32>
    %mul3A_210 = arith.mulf %broadcast_in_dim3A_166, %sub3A_209 : vector<16xf32>
    %add3A_211 = arith.addf %add3A_82, %mul3A_210 : vector<16xf32>
    %sub3A_212 = arith.subf %scan3A_158#15, %add3A_85 : vector<16xf32>
    %mul3A_213 = arith.mulf %broadcast_in_dim3A_166, %sub3A_212 : vector<16xf32>
    %add3A_214 = arith.addf %add3A_85, %mul3A_213 : vector<16xf32>
    %sub3A_215 = arith.subf %scan3A_158#16, %add3A_88 : vector<16xf32>
    %mul3A_216 = arith.mulf %broadcast_in_dim3A_166, %sub3A_215 : vector<16xf32>
    %add3A_217 = arith.addf %add3A_88, %mul3A_216 : vector<16xf32>
    %sub3A_218 = arith.subf %scan3A_158#17, %add3A_91 : vector<16xf32>
    %mul3A_219 = arith.mulf %broadcast_in_dim3A_166, %sub3A_218 : vector<16xf32>
    %add3A_220 = arith.addf %add3A_91, %mul3A_219 : vector<16xf32>
    %sub3A_221 = arith.subf %scan3A_158#18, %add3A_94 : vector<16xf32>
    %mul3A_222 = arith.mulf %broadcast_in_dim3A_166, %sub3A_221 : vector<16xf32>
    %add3A_223 = arith.addf %add3A_94, %mul3A_222 : vector<16xf32>
    %sub3A_224 = arith.subf %scan3A_158#19, %add3A_97 : vector<16xf32>
    %mul3A_225 = arith.mulf %broadcast_in_dim3A_166, %sub3A_224 : vector<16xf32>
    %add3A_226 = arith.addf %add3A_97, %mul3A_225 : vector<16xf32>
    %sub3A_227 = arith.subf %scan3A_158#20, %add3A_100 : vector<16xf32>
    %mul3A_228 = arith.mulf %broadcast_in_dim3A_166, %sub3A_227 : vector<16xf32>
    %add3A_229 = arith.addf %add3A_100, %mul3A_228 : vector<16xf32>
    %sub3A_230 = arith.subf %scan3A_158#21, %add3A_103 : vector<16xf32>
    %mul3A_231 = arith.mulf %broadcast_in_dim3A_166, %sub3A_230 : vector<16xf32>
    %add3A_232 = arith.addf %add3A_103, %mul3A_231 : vector<16xf32>
    %sub3A_233 = arith.subf %scan3A_158#22, %add3A_106 : vector<16xf32>
    %mul3A_234 = arith.mulf %broadcast_in_dim3A_166, %sub3A_233 : vector<16xf32>
    %add3A_235 = arith.addf %add3A_106, %mul3A_234 : vector<16xf32>
    %sub3A_236 = arith.subf %scan3A_158#23, %add3A_109 : vector<16xf32>
    %mul3A_237 = arith.mulf %broadcast_in_dim3A_166, %sub3A_236 : vector<16xf32>
    %add3A_238 = arith.addf %add3A_109, %mul3A_237 : vector<16xf32>
    %sub3A_239 = arith.subf %scan3A_158#24, %add3A_112 : vector<16xf32>
    %mul3A_240 = arith.mulf %broadcast_in_dim3A_166, %sub3A_239 : vector<16xf32>
    %add3A_241 = arith.addf %add3A_112, %mul3A_240 : vector<16xf32>
    %sub3A_242 = arith.subf %scan3A_158#25, %add3A_115 : vector<16xf32>
    %mul3A_243 = arith.mulf %broadcast_in_dim3A_166, %sub3A_242 : vector<16xf32>
    %add3A_244 = arith.addf %add3A_115, %mul3A_243 : vector<16xf32>
    %sub3A_245 = arith.subf %scan3A_158#26, %add3A_118 : vector<16xf32>
    %mul3A_246 = arith.mulf %broadcast_in_dim3A_166, %sub3A_245 : vector<16xf32>
    %add3A_247 = arith.addf %add3A_118, %mul3A_246 : vector<16xf32>
    %sub3A_248 = arith.subf %scan3A_158#27, %add3A_121 : vector<16xf32>
    %mul3A_249 = arith.mulf %broadcast_in_dim3A_166, %sub3A_248 : vector<16xf32>
    %add3A_250 = arith.addf %add3A_121, %mul3A_249 : vector<16xf32>
    %sub3A_251 = arith.subf %scan3A_158#28, %add3A_124 : vector<16xf32>
    %mul3A_252 = arith.mulf %broadcast_in_dim3A_166, %sub3A_251 : vector<16xf32>
    %add3A_253 = arith.addf %add3A_124, %mul3A_252 : vector<16xf32>
    %sub3A_254 = arith.subf %scan3A_158#29, %add3A_127 : vector<16xf32>
    %mul3A_255 = arith.mulf %broadcast_in_dim3A_166, %sub3A_254 : vector<16xf32>
    %add3A_256 = arith.addf %add3A_127, %mul3A_255 : vector<16xf32>
    %sub3A_257 = arith.subf %scan3A_158#30, %add3A_130 : vector<16xf32>
    %mul3A_258 = arith.mulf %broadcast_in_dim3A_166, %sub3A_257 : vector<16xf32>
    %add3A_259 = arith.addf %add3A_130, %mul3A_258 : vector<16xf32>
    %sub3A_260 = arith.subf %scan3A_158#31, %add3A_133 : vector<16xf32>
    %mul3A_261 = arith.mulf %broadcast_in_dim3A_166, %sub3A_260 : vector<16xf32>
    %add3A_262 = arith.addf %add3A_133, %mul3A_261 : vector<16xf32>
    %add3A_263 = arith.constant 96 : i32
    %add3A_264 = arith.addi %add3A, %add3A_263 : i32
    %min3A_265 = arith.constant 249 : i32
    %min3A_266 = arith.minsi %add3A_264, %min3A_265 : i32
    %mul3A_267 = arith.constant 200 : i32
    %mul3A_268 = arith.muli %min3A_266, %mul3A_267 : i32
    %dma_start3A_269 = arith.constant 0 : i32
    %dma_start3A_270 = tpu.memref_slice %arg2[%mul3A_268, %dma_start3A_269] : memref<50000x256xf32, #tpu.memory_space<hbm>> -> memref<200x256xf32, #tpu.memory_space<hbm>>
    %dma_start3A_271 = arith.constant 0 : i32
    %dma_start3A_272 = tpu.memref_slice %arg2[%mul3A_268, %dma_start3A_271] : memref<50000x256xf32, #tpu.memory_space<hbm>> -> memref<200x256xf32, #tpu.memory_space<hbm>>
    tpu.enqueue_dma source(%dma_start3A_272 : memref<200x256xf32, #tpu.memory_space<hbm>>) target(%arg5 : memref<200x256xf32, #tpu.memory_space<vmem>>) target_semaphore(%arg8 : memref<!tpu.dma_semaphore, #tpu.memory_space<semaphore_mem>>)
    %add3A_273 = arith.constant 64 : i32
    %add3A_274 = arith.addi %add3A, %add3A_273 : i32
    %min3A_275 = arith.constant 249 : i32
    %min3A_276 = arith.minsi %add3A_274, %min3A_275 : i32
    %mul3A_277 = arith.constant 200 : i32
    %mul3A_278 = arith.muli %min3A_276, %mul3A_277 : i32
    %dma_wait3A_279 = arith.constant 0 : i32
    %dma_wait3A_280 = tpu.memref_slice %arg2[%mul3A_278, %dma_wait3A_279] : memref<50000x256xf32, #tpu.memory_space<hbm>> -> memref<200x256xf32, #tpu.memory_space<hbm>>
    %dma_wait3A_281 = arith.constant 0 : i32
    %dma_wait3A_282 = tpu.memref_slice %arg2[%mul3A_278, %dma_wait3A_281] : memref<50000x256xf32, #tpu.memory_space<hbm>> -> memref<200x256xf32, #tpu.memory_space<hbm>>
    tpu.wait_dma2 semaphore(%arg7 : memref<!tpu.dma_semaphore, #tpu.memory_space<semaphore_mem>>) src(%dma_wait3A_282 : memref<200x256xf32, #tpu.memory_space<hbm>>) dst(%arg4 : memref<200x256xf32, #tpu.memory_space<vmem>>)
    %scan3A_283 = arith.constant 0 : i32
    %scan3A_284 = arith.constant 200 : i32
    %scan3A_285 = arith.addi %scan3A_283, %scan3A_284 : i32
    %scan3A_286 = arith.constant 1 : i32
    %scan3A_287:32 = scf.for %scan3A_1218 = %scan3A_283 to %scan3A_285 step %scan3A_286 iter_args(%scan3A_1219 = %add3A_169, %scan3A_1220 = %add3A_172, %scan3A_1221 = %add3A_175, %scan3A_1222 = %add3A_178, %scan3A_1223 = %add3A_181, %scan3A_1224 = %add3A_184, %scan3A_1225 = %add3A_187, %scan3A_1226 = %add3A_190, %scan3A_1227 = %add3A_193, %scan3A_1228 = %add3A_196, %scan3A_1229 = %add3A_199, %scan3A_1230 = %add3A_202, %scan3A_1231 = %add3A_205, %scan3A_1232 = %add3A_208, %scan3A_1233 = %add3A_211, %scan3A_1234 = %add3A_214, %scan3A_1235 = %add3A_217, %scan3A_1236 = %add3A_220, %scan3A_1237 = %add3A_223, %scan3A_1238 = %add3A_226, %scan3A_1239 = %add3A_229, %scan3A_1240 = %add3A_232, %scan3A_1241 = %add3A_235, %scan3A_1242 = %add3A_238, %scan3A_1243 = %add3A_241, %scan3A_1244 = %add3A_244, %scan3A_1245 = %add3A_247, %scan3A_1246 = %add3A_250, %scan3A_1247 = %add3A_253, %scan3A_1248 = %add3A_256, %scan3A_1249 = %add3A_259, %scan3A_1250 = %add3A_262) -> (vector<16xf32>, vector<16xf32>, vector<16xf32>, vector<16xf32>, vector<16xf32>, vector<16xf32>, vector<16xf32>, vector<16xf32>, vector<16xf32>, vector<16xf32>, vector<16xf32>, vector<16xf32>, vector<16xf32>, vector<16xf32>, vector<16xf32>, vector<16xf32>, vector<16xf32>, vector<16xf32>, vector<16xf32>, vector<16xf32>, vector<16xf32>, vector<16xf32>, vector<16xf32>, vector<16xf32>, vector<16xf32>, vector<16xf32>, vector<16xf32>, vector<16xf32>, vector<16xf32>, vector<16xf32>, vector<16xf32>, vector<16xf32>)  : i32 {
      %get3A = arith.index_cast %scan3A_1218 : i32 to index
      %get3A_1251 = arith.constant 0 : index
      %get3A_1252 = tpu.vector_load %arg4[%get3A, %get3A_1251] {strides = array<i32>} : memref<200x256xf32, #tpu.memory_space<vmem>>, vector<1x16xf32>,
      %get3A_1253 = vector.shape_cast %get3A_1252 : vector<1x16xf32> to vector<16xf32>
      %add3A_1254 = arith.addf %scan3A_1219, %get3A_1253 : vector<16xf32>
      %mul3A_1255 = arith.mulf %get3A_1253, %get3A_1253 : vector<16xf32>
      %add3A_1256 = arith.addf %scan3A_1235, %mul3A_1255 : vector<16xf32>
      %get3A_1257 = arith.index_cast %scan3A_1218 : i32 to index
      %get3A_1258 = arith.constant 16 : index
      %get3A_1259 = tpu.vector_load %arg4[%get3A_1257, %get3A_1258] {strides = array<i32>} : memref<200x256xf32, #tpu.memory_space<vmem>>, vector<1x16xf32>,
      %get3A_1260 = vector.shape_cast %get3A_1259 : vector<1x16xf32> to vector<16xf32>
      %add3A_1261 = arith.addf %scan3A_1220, %get3A_1260 : vector<16xf32>
      %mul3A_1262 = arith.mulf %get3A_1260, %get3A_1260 : vector<16xf32>
      %add3A_1263 = arith.addf %scan3A_1236, %mul3A_1262 : vector<16xf32>
      %get3A_1264 = arith.index_cast %scan3A_1218 : i32 to index
      %get3A_1265 = arith.constant 32 : index
      %get3A_1266 = tpu.vector_load %arg4[%get3A_1264, %get3A_1265] {strides = array<i32>} : memref<200x256xf32, #tpu.memory_space<vmem>>, vector<1x16xf32>,
      %get3A_1267 = vector.shape_cast %get3A_1266 : vector<1x16xf32> to vector<16xf32>
      %add3A_1268 = arith.addf %scan3A_1221, %get3A_1267 : vector<16xf32>
      %mul3A_1269 = arith.mulf %get3A_1267, %get3A_1267 : vector<16xf32>
      %add3A_1270 = arith.addf %scan3A_1237, %mul3A_1269 : vector<16xf32>
      %get3A_1271 = arith.index_cast %scan3A_1218 : i32 to index
      %get3A_1272 = arith.constant 48 : index
      %get3A_1273 = tpu.vector_load %arg4[%get3A_1271, %get3A_1272] {strides = array<i32>} : memref<200x256xf32, #tpu.memory_space<vmem>>, vector<1x16xf32>,
      %get3A_1274 = vector.shape_cast %get3A_1273 : vector<1x16xf32> to vector<16xf32>
      %add3A_1275 = arith.addf %scan3A_1222, %get3A_1274 : vector<16xf32>
      %mul3A_1276 = arith.mulf %get3A_1274, %get3A_1274 : vector<16xf32>
      %add3A_1277 = arith.addf %scan3A_1238, %mul3A_1276 : vector<16xf32>
      %get3A_1278 = arith.index_cast %scan3A_1218 : i32 to index
      %get3A_1279 = arith.constant 64 : index
      %get3A_1280 = tpu.vector_load %arg4[%get3A_1278, %get3A_1279] {strides = array<i32>} : memref<200x256xf32, #tpu.memory_space<vmem>>, vector<1x16xf32>,
      %get3A_1281 = vector.shape_cast %get3A_1280 : vector<1x16xf32> to vector<16xf32>
      %add3A_1282 = arith.addf %scan3A_1223, %get3A_1281 : vector<16xf32>
      %mul3A_1283 = arith.mulf %get3A_1281, %get3A_1281 : vector<16xf32>
      %add3A_1284 = arith.addf %scan3A_1239, %mul3A_1283 : vector<16xf32>
      %get3A_1285 = arith.index_cast %scan3A_1218 : i32 to index
      %get3A_1286 = arith.constant 80 : index
      %get3A_1287 = tpu.vector_load %arg4[%get3A_1285, %get3A_1286] {strides = array<i32>} : memref<200x256xf32, #tpu.memory_space<vmem>>, vector<1x16xf32>,
      %get3A_1288 = vector.shape_cast %get3A_1287 : vector<1x16xf32> to vector<16xf32>
      %add3A_1289 = arith.addf %scan3A_1224, %get3A_1288 : vector<16xf32>
      %mul3A_1290 = arith.mulf %get3A_1288, %get3A_1288 : vector<16xf32>
      %add3A_1291 = arith.addf %scan3A_1240, %mul3A_1290 : vector<16xf32>
      %get3A_1292 = arith.index_cast %scan3A_1218 : i32 to index
      %get3A_1293 = arith.constant 96 : index
      %get3A_1294 = tpu.vector_load %arg4[%get3A_1292, %get3A_1293] {strides = array<i32>} : memref<200x256xf32, #tpu.memory_space<vmem>>, vector<1x16xf32>,
      %get3A_1295 = vector.shape_cast %get3A_1294 : vector<1x16xf32> to vector<16xf32>
      %add3A_1296 = arith.addf %scan3A_1225, %get3A_1295 : vector<16xf32>
      %mul3A_1297 = arith.mulf %get3A_1295, %get3A_1295 : vector<16xf32>
      %add3A_1298 = arith.addf %scan3A_1241, %mul3A_1297 : vector<16xf32>
      %get3A_1299 = arith.index_cast %scan3A_1218 : i32 to index
      %get3A_1300 = arith.constant 112 : index
      %get3A_1301 = tpu.vector_load %arg4[%get3A_1299, %get3A_1300] {strides = array<i32>} : memref<200x256xf32, #tpu.memory_space<vmem>>, vector<1x16xf32>,
      %get3A_1302 = vector.shape_cast %get3A_1301 : vector<1x16xf32> to vector<16xf32>
      %add3A_1303 = arith.addf %scan3A_1226, %get3A_1302 : vector<16xf32>
      %mul3A_1304 = arith.mulf %get3A_1302, %get3A_1302 : vector<16xf32>
      %add3A_1305 = arith.addf %scan3A_1242, %mul3A_1304 : vector<16xf32>
      %get3A_1306 = arith.index_cast %scan3A_1218 : i32 to index
      %get3A_1307 = arith.constant 128 : index
      %get3A_1308 = tpu.vector_load %arg4[%get3A_1306, %get3A_1307] {strides = array<i32>} : memref<200x256xf32, #tpu.memory_space<vmem>>, vector<1x16xf32>,
      %get3A_1309 = vector.shape_cast %get3A_1308 : vector<1x16xf32> to vector<16xf32>
      %add3A_1310 = arith.addf %scan3A_1227, %get3A_1309 : vector<16xf32>
      %mul3A_1311 = arith.mulf %get3A_1309, %get3A_1309 : vector<16xf32>
      %add3A_1312 = arith.addf %scan3A_1243, %mul3A_1311 : vector<16xf32>
      %get3A_1313 = arith.index_cast %scan3A_1218 : i32 to index
      %get3A_1314 = arith.constant 144 : index
      %get3A_1315 = tpu.vector_load %arg4[%get3A_1313, %get3A_1314] {strides = array<i32>} : memref<200x256xf32, #tpu.memory_space<vmem>>, vector<1x16xf32>,
      %get3A_1316 = vector.shape_cast %get3A_1315 : vector<1x16xf32> to vector<16xf32>
      %add3A_1317 = arith.addf %scan3A_1228, %get3A_1316 : vector<16xf32>
      %mul3A_1318 = arith.mulf %get3A_1316, %get3A_1316 : vector<16xf32>
      %add3A_1319 = arith.addf %scan3A_1244, %mul3A_1318 : vector<16xf32>
      %get3A_1320 = arith.index_cast %scan3A_1218 : i32 to index
      %get3A_1321 = arith.constant 160 : index
      %get3A_1322 = tpu.vector_load %arg4[%get3A_1320, %get3A_1321] {strides = array<i32>} : memref<200x256xf32, #tpu.memory_space<vmem>>, vector<1x16xf32>,
      %get3A_1323 = vector.shape_cast %get3A_1322 : vector<1x16xf32> to vector<16xf32>
      %add3A_1324 = arith.addf %scan3A_1229, %get3A_1323 : vector<16xf32>
      %mul3A_1325 = arith.mulf %get3A_1323, %get3A_1323 : vector<16xf32>
      %add3A_1326 = arith.addf %scan3A_1245, %mul3A_1325 : vector<16xf32>
      %get3A_1327 = arith.index_cast %scan3A_1218 : i32 to index
      %get3A_1328 = arith.constant 176 : index
      %get3A_1329 = tpu.vector_load %arg4[%get3A_1327, %get3A_1328] {strides = array<i32>} : memref<200x256xf32, #tpu.memory_space<vmem>>, vector<1x16xf32>,
      %get3A_1330 = vector.shape_cast %get3A_1329 : vector<1x16xf32> to vector<16xf32>
      %add3A_1331 = arith.addf %scan3A_1230, %get3A_1330 : vector<16xf32>
      %mul3A_1332 = arith.mulf %get3A_1330, %get3A_1330 : vector<16xf32>
      %add3A_1333 = arith.addf %scan3A_1246, %mul3A_1332 : vector<16xf32>
      %get3A_1334 = arith.index_cast %scan3A_1218 : i32 to index
      %get3A_1335 = arith.constant 192 : index
      %get3A_1336 = tpu.vector_load %arg4[%get3A_1334, %get3A_1335] {strides = array<i32>} : memref<200x256xf32, #tpu.memory_space<vmem>>, vector<1x16xf32>,
      %get3A_1337 = vector.shape_cast %get3A_1336 : vector<1x16xf32> to vector<16xf32>
      %add3A_1338 = arith.addf %scan3A_1231, %get3A_1337 : vector<16xf32>
      %mul3A_1339 = arith.mulf %get3A_1337, %get3A_1337 : vector<16xf32>
      %add3A_1340 = arith.addf %scan3A_1247, %mul3A_1339 : vector<16xf32>
      %get3A_1341 = arith.index_cast %scan3A_1218 : i32 to index
      %get3A_1342 = arith.constant 208 : index
      %get3A_1343 = tpu.vector_load %arg4[%get3A_1341, %get3A_1342] {strides = array<i32>} : memref<200x256xf32, #tpu.memory_space<vmem>>, vector<1x16xf32>,
      %get3A_1344 = vector.shape_cast %get3A_1343 : vector<1x16xf32> to vector<16xf32>
      %add3A_1345 = arith.addf %scan3A_1232, %get3A_1344 : vector<16xf32>
      %mul3A_1346 = arith.mulf %get3A_1344, %get3A_1344 : vector<16xf32>
      %add3A_1347 = arith.addf %scan3A_1248, %mul3A_1346 : vector<16xf32>
      %get3A_1348 = arith.index_cast %scan3A_1218 : i32 to index
      %get3A_1349 = arith.constant 224 : index
      %get3A_1350 = tpu.vector_load %arg4[%get3A_1348, %get3A_1349] {strides = array<i32>} : memref<200x256xf32, #tpu.memory_space<vmem>>, vector<1x16xf32>,
      %get3A_1351 = vector.shape_cast %get3A_1350 : vector<1x16xf32> to vector<16xf32>
      %add3A_1352 = arith.addf %scan3A_1233, %get3A_1351 : vector<16xf32>
      %mul3A_1353 = arith.mulf %get3A_1351, %get3A_1351 : vector<16xf32>
      %add3A_1354 = arith.addf %scan3A_1249, %mul3A_1353 : vector<16xf32>
      %get3A_1355 = arith.index_cast %scan3A_1218 : i32 to index
      %get3A_1356 = arith.constant 240 : index
      %get3A_1357 = tpu.vector_load %arg4[%get3A_1355, %get3A_1356] {strides = array<i32>} : memref<200x256xf32, #tpu.memory_space<vmem>>, vector<1x16xf32>,
      %get3A_1358 = vector.shape_cast %get3A_1357 : vector<1x16xf32> to vector<16xf32>
      %add3A_1359 = arith.addf %scan3A_1234, %get3A_1358 : vector<16xf32>
      %mul3A_1360 = arith.mulf %get3A_1358, %get3A_1358 : vector<16xf32>
      %add3A_1361 = arith.addf %scan3A_1250, %mul3A_1360 : vector<16xf32>
      scf.yield %add3A_1254, %add3A_1261, %add3A_1268, %add3A_1275, %add3A_1282, %add3A_1289, %add3A_1296, %add3A_1303, %add3A_1310, %add3A_1317, %add3A_1324, %add3A_1331, %add3A_1338, %add3A_1345, %add3A_1352, %add3A_1359, %add3A_1256, %add3A_1263, %add3A_1270, %add3A_1277, %add3A_1284, %add3A_1291, %add3A_1298, %add3A_1305, %add3A_1312, %add3A_1319, %add3A_1326, %add3A_1333, %add3A_1340, %add3A_1347, %add3A_1354, %add3A_1361 : vector<16xf32>, vector<16xf32>, vector<16xf32>, vector<16xf32>, vector<16xf32>, vector<16xf32>, vector<16xf32>, vector<16xf32>, vector<16xf32>, vector<16xf32>, vector<16xf32>, vector<16xf32>, vector<16xf32>, vector<16xf32>, vector<16xf32>, vector<16xf32>, vector<16xf32>, vector<16xf32>, vector<16xf32>, vector<16xf32>, vector<16xf32>, vector<16xf32>, vector<16xf32>, vector<16xf32>, vector<16xf32>, vector<16xf32>, vector<16xf32>, vector<16xf32>, vector<16xf32>, vector<16xf32>, vector<16xf32>, vector<16xf32>
    }
    %scan3A_288 = arith.constant 200 : i32
    %add3A_289 = arith.constant 64 : i32
    %add3A_290 = arith.addi %add3A, %add3A_289 : i32
    %lt3A_291 = arith.constant 250 : i32
    %lt3A_292 = arith.cmpi slt, %add3A_290, %lt3A_291 : i32
    %convert_element_type3A_293 = arith.extui %lt3A_292 : i1 to i32
    %convert_element_type3A_294 = arith.sitofp %convert_element_type3A_293 : i32 to f32
    %broadcast_in_dim3A_295 = vector.broadcast %convert_element_type3A_294 : f32 to vector<16xf32>
    %sub3A_296 = arith.subf %scan3A_287#0, %add3A_169 : vector<16xf32>
    %mul3A_297 = arith.mulf %broadcast_in_dim3A_295, %sub3A_296 : vector<16xf32>
    %add3A_298 = arith.addf %add3A_169, %mul3A_297 : vector<16xf32>
    %sub3A_299 = arith.subf %scan3A_287#1, %add3A_172 : vector<16xf32>
    %mul3A_300 = arith.mulf %broadcast_in_dim3A_295, %sub3A_299 : vector<16xf32>
    %add3A_301 = arith.addf %add3A_172, %mul3A_300 : vector<16xf32>
    %sub3A_302 = arith.subf %scan3A_287#2, %add3A_175 : vector<16xf32>
    %mul3A_303 = arith.mulf %broadcast_in_dim3A_295, %sub3A_302 : vector<16xf32>
    %add3A_304 = arith.addf %add3A_175, %mul3A_303 : vector<16xf32>
    %sub3A_305 = arith.subf %scan3A_287#3, %add3A_178 : vector<16xf32>
    %mul3A_306 = arith.mulf %broadcast_in_dim3A_295, %sub3A_305 : vector<16xf32>
    %add3A_307 = arith.addf %add3A_178, %mul3A_306 : vector<16xf32>
    %sub3A_308 = arith.subf %scan3A_287#4, %add3A_181 : vector<16xf32>
    %mul3A_309 = arith.mulf %broadcast_in_dim3A_295, %sub3A_308 : vector<16xf32>
    %add3A_310 = arith.addf %add3A_181, %mul3A_309 : vector<16xf32>
    %sub3A_311 = arith.subf %scan3A_287#5, %add3A_184 : vector<16xf32>
    %mul3A_312 = arith.mulf %broadcast_in_dim3A_295, %sub3A_311 : vector<16xf32>
    %add3A_313 = arith.addf %add3A_184, %mul3A_312 : vector<16xf32>
    %sub3A_314 = arith.subf %scan3A_287#6, %add3A_187 : vector<16xf32>
    %mul3A_315 = arith.mulf %broadcast_in_dim3A_295, %sub3A_314 : vector<16xf32>
    %add3A_316 = arith.addf %add3A_187, %mul3A_315 : vector<16xf32>
    %sub3A_317 = arith.subf %scan3A_287#7, %add3A_190 : vector<16xf32>
    %mul3A_318 = arith.mulf %broadcast_in_dim3A_295, %sub3A_317 : vector<16xf32>
    %add3A_319 = arith.addf %add3A_190, %mul3A_318 : vector<16xf32>
    %sub3A_320 = arith.subf %scan3A_287#8, %add3A_193 : vector<16xf32>
    %mul3A_321 = arith.mulf %broadcast_in_dim3A_295, %sub3A_320 : vector<16xf32>
    %add3A_322 = arith.addf %add3A_193, %mul3A_321 : vector<16xf32>
    %sub3A_323 = arith.subf %scan3A_287#9, %add3A_196 : vector<16xf32>
    %mul3A_324 = arith.mulf %broadcast_in_dim3A_295, %sub3A_323 : vector<16xf32>
    %add3A_325 = arith.addf %add3A_196, %mul3A_324 : vector<16xf32>
    %sub3A_326 = arith.subf %scan3A_287#10, %add3A_199 : vector<16xf32>
    %mul3A_327 = arith.mulf %broadcast_in_dim3A_295, %sub3A_326 : vector<16xf32>
    %add3A_328 = arith.addf %add3A_199, %mul3A_327 : vector<16xf32>
    %sub3A_329 = arith.subf %scan3A_287#11, %add3A_202 : vector<16xf32>
    %mul3A_330 = arith.mulf %broadcast_in_dim3A_295, %sub3A_329 : vector<16xf32>
    %add3A_331 = arith.addf %add3A_202, %mul3A_330 : vector<16xf32>
    %sub3A_332 = arith.subf %scan3A_287#12, %add3A_205 : vector<16xf32>
    %mul3A_333 = arith.mulf %broadcast_in_dim3A_295, %sub3A_332 : vector<16xf32>
    %add3A_334 = arith.addf %add3A_205, %mul3A_333 : vector<16xf32>
    %sub3A_335 = arith.subf %scan3A_287#13, %add3A_208 : vector<16xf32>
    %mul3A_336 = arith.mulf %broadcast_in_dim3A_295, %sub3A_335 : vector<16xf32>
    %add3A_337 = arith.addf %add3A_208, %mul3A_336 : vector<16xf32>
    %sub3A_338 = arith.subf %scan3A_287#14, %add3A_211 : vector<16xf32>
    %mul3A_339 = arith.mulf %broadcast_in_dim3A_295, %sub3A_338 : vector<16xf32>
    %add3A_340 = arith.addf %add3A_211, %mul3A_339 : vector<16xf32>
    %sub3A_341 = arith.subf %scan3A_287#15, %add3A_214 : vector<16xf32>
    %mul3A_342 = arith.mulf %broadcast_in_dim3A_295, %sub3A_341 : vector<16xf32>
    %add3A_343 = arith.addf %add3A_214, %mul3A_342 : vector<16xf32>
    %sub3A_344 = arith.subf %scan3A_287#16, %add3A_217 : vector<16xf32>
    %mul3A_345 = arith.mulf %broadcast_in_dim3A_295, %sub3A_344 : vector<16xf32>
    %add3A_346 = arith.addf %add3A_217, %mul3A_345 : vector<16xf32>
    %sub3A_347 = arith.subf %scan3A_287#17, %add3A_220 : vector<16xf32>
    %mul3A_348 = arith.mulf %broadcast_in_dim3A_295, %sub3A_347 : vector<16xf32>
    %add3A_349 = arith.addf %add3A_220, %mul3A_348 : vector<16xf32>
    %sub3A_350 = arith.subf %scan3A_287#18, %add3A_223 : vector<16xf32>
    %mul3A_351 = arith.mulf %broadcast_in_dim3A_295, %sub3A_350 : vector<16xf32>
    %add3A_352 = arith.addf %add3A_223, %mul3A_351 : vector<16xf32>
    %sub3A_353 = arith.subf %scan3A_287#19, %add3A_226 : vector<16xf32>
    %mul3A_354 = arith.mulf %broadcast_in_dim3A_295, %sub3A_353 : vector<16xf32>
    %add3A_355 = arith.addf %add3A_226, %mul3A_354 : vector<16xf32>
    %sub3A_356 = arith.subf %scan3A_287#20, %add3A_229 : vector<16xf32>
    %mul3A_357 = arith.mulf %broadcast_in_dim3A_295, %sub3A_356 : vector<16xf32>
    %add3A_358 = arith.addf %add3A_229, %mul3A_357 : vector<16xf32>
    %sub3A_359 = arith.subf %scan3A_287#21, %add3A_232 : vector<16xf32>
    %mul3A_360 = arith.mulf %broadcast_in_dim3A_295, %sub3A_359 : vector<16xf32>
    %add3A_361 = arith.addf %add3A_232, %mul3A_360 : vector<16xf32>
    %sub3A_362 = arith.subf %scan3A_287#22, %add3A_235 : vector<16xf32>
    %mul3A_363 = arith.mulf %broadcast_in_dim3A_295, %sub3A_362 : vector<16xf32>
    %add3A_364 = arith.addf %add3A_235, %mul3A_363 : vector<16xf32>
    %sub3A_365 = arith.subf %scan3A_287#23, %add3A_238 : vector<16xf32>
    %mul3A_366 = arith.mulf %broadcast_in_dim3A_295, %sub3A_365 : vector<16xf32>
    %add3A_367 = arith.addf %add3A_238, %mul3A_366 : vector<16xf32>
    %sub3A_368 = arith.subf %scan3A_287#24, %add3A_241 : vector<16xf32>
    %mul3A_369 = arith.mulf %broadcast_in_dim3A_295, %sub3A_368 : vector<16xf32>
    %add3A_370 = arith.addf %add3A_241, %mul3A_369 : vector<16xf32>
    %sub3A_371 = arith.subf %scan3A_287#25, %add3A_244 : vector<16xf32>
    %mul3A_372 = arith.mulf %broadcast_in_dim3A_295, %sub3A_371 : vector<16xf32>
    %add3A_373 = arith.addf %add3A_244, %mul3A_372 : vector<16xf32>
    %sub3A_374 = arith.subf %scan3A_287#26, %add3A_247 : vector<16xf32>
    %mul3A_375 = arith.mulf %broadcast_in_dim3A_295, %sub3A_374 : vector<16xf32>
    %add3A_376 = arith.addf %add3A_247, %mul3A_375 : vector<16xf32>
    %sub3A_377 = arith.subf %scan3A_287#27, %add3A_250 : vector<16xf32>
    %mul3A_378 = arith.mulf %broadcast_in_dim3A_295, %sub3A_377 : vector<16xf32>
    %add3A_379 = arith.addf %add3A_250, %mul3A_378 : vector<16xf32>
    %sub3A_380 = arith.subf %scan3A_287#28, %add3A_253 : vector<16xf32>
    %mul3A_381 = arith.mulf %broadcast_in_dim3A_295, %sub3A_380 : vector<16xf32>
    %add3A_382 = arith.addf %add3A_253, %mul3A_381 : vector<16xf32>
    %sub3A_383 = arith.subf %scan3A_287#29, %add3A_256 : vector<16xf32>
    %mul3A_384 = arith.mulf %broadcast_in_dim3A_295, %sub3A_383 : vector<16xf32>
    %add3A_385 = arith.addf %add3A_256, %mul3A_384 : vector<16xf32>
    %sub3A_386 = arith.subf %scan3A_287#30, %add3A_259 : vector<16xf32>
    %mul3A_387 = arith.mulf %broadcast_in_dim3A_295, %sub3A_386 : vector<16xf32>
    %add3A_388 = arith.addf %add3A_259, %mul3A_387 : vector<16xf32>
    %sub3A_389 = arith.subf %scan3A_287#31, %add3A_262 : vector<16xf32>
    %mul3A_390 = arith.mulf %broadcast_in_dim3A_295, %sub3A_389 : vector<16xf32>
    %add3A_391 = arith.addf %add3A_262, %mul3A_390 : vector<16xf32>
    %add3A_392 = arith.constant 128 : i32
    %add3A_393 = arith.addi %add3A, %add3A_392 : i32
    %min3A_394 = arith.constant 249 : i32
    %min3A_395 = arith.minsi %add3A_393, %min3A_394 : i32
    %mul3A_396 = arith.constant 200 : i32
    %mul3A_397 = arith.muli %min3A_395, %mul3A_396 : i32
    %dma_start3A_398 = arith.constant 0 : i32
    %dma_start3A_399 = tpu.memref_slice %arg2[%mul3A_397, %dma_start3A_398] : memref<50000x256xf32, #tpu.memory_space<hbm>> -> memref<200x256xf32, #tpu.memory_space<hbm>>
    %dma_start3A_400 = arith.constant 0 : i32
    %dma_start3A_401 = tpu.memref_slice %arg2[%mul3A_397, %dma_start3A_400] : memref<50000x256xf32, #tpu.memory_space<hbm>> -> memref<200x256xf32, #tpu.memory_space<hbm>>
    tpu.enqueue_dma source(%dma_start3A_401 : memref<200x256xf32, #tpu.memory_space<hbm>>) target(%arg4 : memref<200x256xf32, #tpu.memory_space<vmem>>) target_semaphore(%arg7 : memref<!tpu.dma_semaphore, #tpu.memory_space<semaphore_mem>>)
    %add3A_402 = arith.constant 96 : i32
    %add3A_403 = arith.addi %add3A, %add3A_402 : i32
    %min3A_404 = arith.constant 249 : i32
    %min3A_405 = arith.minsi %add3A_403, %min3A_404 : i32
    %mul3A_406 = arith.constant 200 : i32
    %mul3A_407 = arith.muli %min3A_405, %mul3A_406 : i32
    %dma_wait3A_408 = arith.constant 0 : i32
    %dma_wait3A_409 = tpu.memref_slice %arg2[%mul3A_407, %dma_wait3A_408] : memref<50000x256xf32, #tpu.memory_space<hbm>> -> memref<200x256xf32, #tpu.memory_space<hbm>>
    %dma_wait3A_410 = arith.constant 0 : i32
    %dma_wait3A_411 = tpu.memref_slice %arg2[%mul3A_407, %dma_wait3A_410] : memref<50000x256xf32, #tpu.memory_space<hbm>> -> memref<200x256xf32, #tpu.memory_space<hbm>>
    tpu.wait_dma2 semaphore(%arg8 : memref<!tpu.dma_semaphore, #tpu.memory_space<semaphore_mem>>) src(%dma_wait3A_411 : memref<200x256xf32, #tpu.memory_space<hbm>>) dst(%arg5 : memref<200x256xf32, #tpu.memory_space<vmem>>)
    %scan3A_412 = arith.constant 0 : i32
    %scan3A_413 = arith.constant 200 : i32
    %scan3A_414 = arith.addi %scan3A_412, %scan3A_413 : i32
    %scan3A_415 = arith.constant 1 : i32
    %scan3A_416:32 = scf.for %scan3A_1218 = %scan3A_412 to %scan3A_414 step %scan3A_415 iter_args(%scan3A_1219 = %add3A_298, %scan3A_1220 = %add3A_301, %scan3A_1221 = %add3A_304, %scan3A_1222 = %add3A_307, %scan3A_1223 = %add3A_310, %scan3A_1224 = %add3A_313, %scan3A_1225 = %add3A_316, %scan3A_1226 = %add3A_319, %scan3A_1227 = %add3A_322, %scan3A_1228 = %add3A_325, %scan3A_1229 = %add3A_328, %scan3A_1230 = %add3A_331, %scan3A_1231 = %add3A_334, %scan3A_1232 = %add3A_337, %scan3A_1233 = %add3A_340, %scan3A_1234 = %add3A_343, %scan3A_1235 = %add3A_346, %scan3A_1236 = %add3A_349, %scan3A_1237 = %add3A_352, %scan3A_1238 = %add3A_355, %scan3A_1239 = %add3A_358, %scan3A_1240 = %add3A_361, %scan3A_1241 = %add3A_364, %scan3A_1242 = %add3A_367, %scan3A_1243 = %add3A_370, %scan3A_1244 = %add3A_373, %scan3A_1245 = %add3A_376, %scan3A_1246 = %add3A_379, %scan3A_1247 = %add3A_382, %scan3A_1248 = %add3A_385, %scan3A_1249 = %add3A_388, %scan3A_1250 = %add3A_391) -> (vector<16xf32>, vector<16xf32>, vector<16xf32>, vector<16xf32>, vector<16xf32>, vector<16xf32>, vector<16xf32>, vector<16xf32>, vector<16xf32>, vector<16xf32>, vector<16xf32>, vector<16xf32>, vector<16xf32>, vector<16xf32>, vector<16xf32>, vector<16xf32>, vector<16xf32>, vector<16xf32>, vector<16xf32>, vector<16xf32>, vector<16xf32>, vector<16xf32>, vector<16xf32>, vector<16xf32>, vector<16xf32>, vector<16xf32>, vector<16xf32>, vector<16xf32>, vector<16xf32>, vector<16xf32>, vector<16xf32>, vector<16xf32>)  : i32 {
      %get3A = arith.index_cast %scan3A_1218 : i32 to index
      %get3A_1251 = arith.constant 0 : index
      %get3A_1252 = tpu.vector_load %arg5[%get3A, %get3A_1251] {strides = array<i32>} : memref<200x256xf32, #tpu.memory_space<vmem>>, vector<1x16xf32>,
      %get3A_1253 = vector.shape_cast %get3A_1252 : vector<1x16xf32> to vector<16xf32>
      %add3A_1254 = arith.addf %scan3A_1219, %get3A_1253 : vector<16xf32>
      %mul3A_1255 = arith.mulf %get3A_1253, %get3A_1253 : vector<16xf32>
      %add3A_1256 = arith.addf %scan3A_1235, %mul3A_1255 : vector<16xf32>
      %get3A_1257 = arith.index_cast %scan3A_1218 : i32 to index
      %get3A_1258 = arith.constant 16 : index
      %get3A_1259 = tpu.vector_load %arg5[%get3A_1257, %get3A_1258] {strides = array<i32>} : memref<200x256xf32, #tpu.memory_space<vmem>>, vector<1x16xf32>,
      %get3A_1260 = vector.shape_cast %get3A_1259 : vector<1x16xf32> to vector<16xf32>
      %add3A_1261 = arith.addf %scan3A_1220, %get3A_1260 : vector<16xf32>
      %mul3A_1262 = arith.mulf %get3A_1260, %get3A_1260 : vector<16xf32>
      %add3A_1263 = arith.addf %scan3A_1236, %mul3A_1262 : vector<16xf32>
      %get3A_1264 = arith.index_cast %scan3A_1218 : i32 to index
      %get3A_1265 = arith.constant 32 : index
      %get3A_1266 = tpu.vector_load %arg5[%get3A_1264, %get3A_1265] {strides = array<i32>} : memref<200x256xf32, #tpu.memory_space<vmem>>, vector<1x16xf32>,
      %get3A_1267 = vector.shape_cast %get3A_1266 : vector<1x16xf32> to vector<16xf32>
      %add3A_1268 = arith.addf %scan3A_1221, %get3A_1267 : vector<16xf32>
      %mul3A_1269 = arith.mulf %get3A_1267, %get3A_1267 : vector<16xf32>
      %add3A_1270 = arith.addf %scan3A_1237, %mul3A_1269 : vector<16xf32>
      %get3A_1271 = arith.index_cast %scan3A_1218 : i32 to index
      %get3A_1272 = arith.constant 48 : index
      %get3A_1273 = tpu.vector_load %arg5[%get3A_1271, %get3A_1272] {strides = array<i32>} : memref<200x256xf32, #tpu.memory_space<vmem>>, vector<1x16xf32>,
      %get3A_1274 = vector.shape_cast %get3A_1273 : vector<1x16xf32> to vector<16xf32>
      %add3A_1275 = arith.addf %scan3A_1222, %get3A_1274 : vector<16xf32>
      %mul3A_1276 = arith.mulf %get3A_1274, %get3A_1274 : vector<16xf32>
      %add3A_1277 = arith.addf %scan3A_1238, %mul3A_1276 : vector<16xf32>
      %get3A_1278 = arith.index_cast %scan3A_1218 : i32 to index
      %get3A_1279 = arith.constant 64 : index
      %get3A_1280 = tpu.vector_load %arg5[%get3A_1278, %get3A_1279] {strides = array<i32>} : memref<200x256xf32, #tpu.memory_space<vmem>>, vector<1x16xf32>,
      %get3A_1281 = vector.shape_cast %get3A_1280 : vector<1x16xf32> to vector<16xf32>
      %add3A_1282 = arith.addf %scan3A_1223, %get3A_1281 : vector<16xf32>
      %mul3A_1283 = arith.mulf %get3A_1281, %get3A_1281 : vector<16xf32>
      %add3A_1284 = arith.addf %scan3A_1239, %mul3A_1283 : vector<16xf32>
      %get3A_1285 = arith.index_cast %scan3A_1218 : i32 to index
      %get3A_1286 = arith.constant 80 : index
      %get3A_1287 = tpu.vector_load %arg5[%get3A_1285, %get3A_1286] {strides = array<i32>} : memref<200x256xf32, #tpu.memory_space<vmem>>, vector<1x16xf32>,
      %get3A_1288 = vector.shape_cast %get3A_1287 : vector<1x16xf32> to vector<16xf32>
      %add3A_1289 = arith.addf %scan3A_1224, %get3A_1288 : vector<16xf32>
      %mul3A_1290 = arith.mulf %get3A_1288, %get3A_1288 : vector<16xf32>
      %add3A_1291 = arith.addf %scan3A_1240, %mul3A_1290 : vector<16xf32>
      %get3A_1292 = arith.index_cast %scan3A_1218 : i32 to index
      %get3A_1293 = arith.constant 96 : index
      %get3A_1294 = tpu.vector_load %arg5[%get3A_1292, %get3A_1293] {strides = array<i32>} : memref<200x256xf32, #tpu.memory_space<vmem>>, vector<1x16xf32>,
      %get3A_1295 = vector.shape_cast %get3A_1294 : vector<1x16xf32> to vector<16xf32>
      %add3A_1296 = arith.addf %scan3A_1225, %get3A_1295 : vector<16xf32>
      %mul3A_1297 = arith.mulf %get3A_1295, %get3A_1295 : vector<16xf32>
      %add3A_1298 = arith.addf %scan3A_1241, %mul3A_1297 : vector<16xf32>
      %get3A_1299 = arith.index_cast %scan3A_1218 : i32 to index
      %get3A_1300 = arith.constant 112 : index
      %get3A_1301 = tpu.vector_load %arg5[%get3A_1299, %get3A_1300] {strides = array<i32>} : memref<200x256xf32, #tpu.memory_space<vmem>>, vector<1x16xf32>,
      %get3A_1302 = vector.shape_cast %get3A_1301 : vector<1x16xf32> to vector<16xf32>
      %add3A_1303 = arith.addf %scan3A_1226, %get3A_1302 : vector<16xf32>
      %mul3A_1304 = arith.mulf %get3A_1302, %get3A_1302 : vector<16xf32>
      %add3A_1305 = arith.addf %scan3A_1242, %mul3A_1304 : vector<16xf32>
      %get3A_1306 = arith.index_cast %scan3A_1218 : i32 to index
      %get3A_1307 = arith.constant 128 : index
      %get3A_1308 = tpu.vector_load %arg5[%get3A_1306, %get3A_1307] {strides = array<i32>} : memref<200x256xf32, #tpu.memory_space<vmem>>, vector<1x16xf32>,
      %get3A_1309 = vector.shape_cast %get3A_1308 : vector<1x16xf32> to vector<16xf32>
      %add3A_1310 = arith.addf %scan3A_1227, %get3A_1309 : vector<16xf32>
      %mul3A_1311 = arith.mulf %get3A_1309, %get3A_1309 : vector<16xf32>
      %add3A_1312 = arith.addf %scan3A_1243, %mul3A_1311 : vector<16xf32>
      %get3A_1313 = arith.index_cast %scan3A_1218 : i32 to index
      %get3A_1314 = arith.constant 144 : index
      %get3A_1315 = tpu.vector_load %arg5[%get3A_1313, %get3A_1314] {strides = array<i32>} : memref<200x256xf32, #tpu.memory_space<vmem>>, vector<1x16xf32>,
      %get3A_1316 = vector.shape_cast %get3A_1315 : vector<1x16xf32> to vector<16xf32>
      %add3A_1317 = arith.addf %scan3A_1228, %get3A_1316 : vector<16xf32>
      %mul3A_1318 = arith.mulf %get3A_1316, %get3A_1316 : vector<16xf32>
      %add3A_1319 = arith.addf %scan3A_1244, %mul3A_1318 : vector<16xf32>
      %get3A_1320 = arith.index_cast %scan3A_1218 : i32 to index
      %get3A_1321 = arith.constant 160 : index
      %get3A_1322 = tpu.vector_load %arg5[%get3A_1320, %get3A_1321] {strides = array<i32>} : memref<200x256xf32, #tpu.memory_space<vmem>>, vector<1x16xf32>,
      %get3A_1323 = vector.shape_cast %get3A_1322 : vector<1x16xf32> to vector<16xf32>
      %add3A_1324 = arith.addf %scan3A_1229, %get3A_1323 : vector<16xf32>
      %mul3A_1325 = arith.mulf %get3A_1323, %get3A_1323 : vector<16xf32>
      %add3A_1326 = arith.addf %scan3A_1245, %mul3A_1325 : vector<16xf32>
      %get3A_1327 = arith.index_cast %scan3A_1218 : i32 to index
      %get3A_1328 = arith.constant 176 : index
      %get3A_1329 = tpu.vector_load %arg5[%get3A_1327, %get3A_1328] {strides = array<i32>} : memref<200x256xf32, #tpu.memory_space<vmem>>, vector<1x16xf32>,
      %get3A_1330 = vector.shape_cast %get3A_1329 : vector<1x16xf32> to vector<16xf32>
      %add3A_1331 = arith.addf %scan3A_1230, %get3A_1330 : vector<16xf32>
      %mul3A_1332 = arith.mulf %get3A_1330, %get3A_1330 : vector<16xf32>
      %add3A_1333 = arith.addf %scan3A_1246, %mul3A_1332 : vector<16xf32>
      %get3A_1334 = arith.index_cast %scan3A_1218 : i32 to index
      %get3A_1335 = arith.constant 192 : index
      %get3A_1336 = tpu.vector_load %arg5[%get3A_1334, %get3A_1335] {strides = array<i32>} : memref<200x256xf32, #tpu.memory_space<vmem>>, vector<1x16xf32>,
      %get3A_1337 = vector.shape_cast %get3A_1336 : vector<1x16xf32> to vector<16xf32>
      %add3A_1338 = arith.addf %scan3A_1231, %get3A_1337 : vector<16xf32>
      %mul3A_1339 = arith.mulf %get3A_1337, %get3A_1337 : vector<16xf32>
      %add3A_1340 = arith.addf %scan3A_1247, %mul3A_1339 : vector<16xf32>
      %get3A_1341 = arith.index_cast %scan3A_1218 : i32 to index
      %get3A_1342 = arith.constant 208 : index
      %get3A_1343 = tpu.vector_load %arg5[%get3A_1341, %get3A_1342] {strides = array<i32>} : memref<200x256xf32, #tpu.memory_space<vmem>>, vector<1x16xf32>,
      %get3A_1344 = vector.shape_cast %get3A_1343 : vector<1x16xf32> to vector<16xf32>
      %add3A_1345 = arith.addf %scan3A_1232, %get3A_1344 : vector<16xf32>
      %mul3A_1346 = arith.mulf %get3A_1344, %get3A_1344 : vector<16xf32>
      %add3A_1347 = arith.addf %scan3A_1248, %mul3A_1346 : vector<16xf32>
      %get3A_1348 = arith.index_cast %scan3A_1218 : i32 to index
      %get3A_1349 = arith.constant 224 : index
      %get3A_1350 = tpu.vector_load %arg5[%get3A_1348, %get3A_1349] {strides = array<i32>} : memref<200x256xf32, #tpu.memory_space<vmem>>, vector<1x16xf32>,
      %get3A_1351 = vector.shape_cast %get3A_1350 : vector<1x16xf32> to vector<16xf32>
      %add3A_1352 = arith.addf %scan3A_1233, %get3A_1351 : vector<16xf32>
      %mul3A_1353 = arith.mulf %get3A_1351, %get3A_1351 : vector<16xf32>
      %add3A_1354 = arith.addf %scan3A_1249, %mul3A_1353 : vector<16xf32>
      %get3A_1355 = arith.index_cast %scan3A_1218 : i32 to index
      %get3A_1356 = arith.constant 240 : index
      %get3A_1357 = tpu.vector_load %arg5[%get3A_1355, %get3A_1356] {strides = array<i32>} : memref<200x256xf32, #tpu.memory_space<vmem>>, vector<1x16xf32>,
      %get3A_1358 = vector.shape_cast %get3A_1357 : vector<1x16xf32> to vector<16xf32>
      %add3A_1359 = arith.addf %scan3A_1234, %get3A_1358 : vector<16xf32>
      %mul3A_1360 = arith.mulf %get3A_1358, %get3A_1358 : vector<16xf32>
      %add3A_1361 = arith.addf %scan3A_1250, %mul3A_1360 : vector<16xf32>
      scf.yield %add3A_1254, %add3A_1261, %add3A_1268, %add3A_1275, %add3A_1282, %add3A_1289, %add3A_1296, %add3A_1303, %add3A_1310, %add3A_1317, %add3A_1324, %add3A_1331, %add3A_1338, %add3A_1345, %add3A_1352, %add3A_1359, %add3A_1256, %add3A_1263, %add3A_1270, %add3A_1277, %add3A_1284, %add3A_1291, %add3A_1298, %add3A_1305, %add3A_1312, %add3A_1319, %add3A_1326, %add3A_1333, %add3A_1340, %add3A_1347, %add3A_1354, %add3A_1361 : vector<16xf32>, vector<16xf32>, vector<16xf32>, vector<16xf32>, vector<16xf32>, vector<16xf32>, vector<16xf32>, vector<16xf32>, vector<16xf32>, vector<16xf32>, vector<16xf32>, vector<16xf32>, vector<16xf32>, vector<16xf32>, vector<16xf32>, vector<16xf32>, vector<16xf32>, vector<16xf32>, vector<16xf32>, vector<16xf32>, vector<16xf32>, vector<16xf32>, vector<16xf32>, vector<16xf32>, vector<16xf32>, vector<16xf32>, vector<16xf32>, vector<16xf32>, vector<16xf32>, vector<16xf32>, vector<16xf32>, vector<16xf32>
    }
    %scan3A_417 = arith.constant 200 : i32
    %add3A_418 = arith.constant 96 : i32
    %add3A_419 = arith.addi %add3A, %add3A_418 : i32
    %lt3A_420 = arith.constant 250 : i32
    %lt3A_421 = arith.cmpi slt, %add3A_419, %lt3A_420 : i32
    %convert_element_type3A_422 = arith.extui %lt3A_421 : i1 to i32
    %convert_element_type3A_423 = arith.sitofp %convert_element_type3A_422 : i32 to f32
    %broadcast_in_dim3A_424 = vector.broadcast %convert_element_type3A_423 : f32 to vector<16xf32>
    %sub3A_425 = arith.subf %scan3A_416#0, %add3A_298 : vector<16xf32>
    %mul3A_426 = arith.mulf %broadcast_in_dim3A_424, %sub3A_425 : vector<16xf32>
    %add3A_427 = arith.addf %add3A_298, %mul3A_426 : vector<16xf32>
    %sub3A_428 = arith.subf %scan3A_416#1, %add3A_301 : vector<16xf32>
    %mul3A_429 = arith.mulf %broadcast_in_dim3A_424, %sub3A_428 : vector<16xf32>
    %add3A_430 = arith.addf %add3A_301, %mul3A_429 : vector<16xf32>
    %sub3A_431 = arith.subf %scan3A_416#2, %add3A_304 : vector<16xf32>
    %mul3A_432 = arith.mulf %broadcast_in_dim3A_424, %sub3A_431 : vector<16xf32>
    %add3A_433 = arith.addf %add3A_304, %mul3A_432 : vector<16xf32>
    %sub3A_434 = arith.subf %scan3A_416#3, %add3A_307 : vector<16xf32>
    %mul3A_435 = arith.mulf %broadcast_in_dim3A_424, %sub3A_434 : vector<16xf32>
    %add3A_436 = arith.addf %add3A_307, %mul3A_435 : vector<16xf32>
    %sub3A_437 = arith.subf %scan3A_416#4, %add3A_310 : vector<16xf32>
    %mul3A_438 = arith.mulf %broadcast_in_dim3A_424, %sub3A_437 : vector<16xf32>
    %add3A_439 = arith.addf %add3A_310, %mul3A_438 : vector<16xf32>
    %sub3A_440 = arith.subf %scan3A_416#5, %add3A_313 : vector<16xf32>
    %mul3A_441 = arith.mulf %broadcast_in_dim3A_424, %sub3A_440 : vector<16xf32>
    %add3A_442 = arith.addf %add3A_313, %mul3A_441 : vector<16xf32>
    %sub3A_443 = arith.subf %scan3A_416#6, %add3A_316 : vector<16xf32>
    %mul3A_444 = arith.mulf %broadcast_in_dim3A_424, %sub3A_443 : vector<16xf32>
    %add3A_445 = arith.addf %add3A_316, %mul3A_444 : vector<16xf32>
    %sub3A_446 = arith.subf %scan3A_416#7, %add3A_319 : vector<16xf32>
    %mul3A_447 = arith.mulf %broadcast_in_dim3A_424, %sub3A_446 : vector<16xf32>
    %add3A_448 = arith.addf %add3A_319, %mul3A_447 : vector<16xf32>
    %sub3A_449 = arith.subf %scan3A_416#8, %add3A_322 : vector<16xf32>
    %mul3A_450 = arith.mulf %broadcast_in_dim3A_424, %sub3A_449 : vector<16xf32>
    %add3A_451 = arith.addf %add3A_322, %mul3A_450 : vector<16xf32>
    %sub3A_452 = arith.subf %scan3A_416#9, %add3A_325 : vector<16xf32>
    %mul3A_453 = arith.mulf %broadcast_in_dim3A_424, %sub3A_452 : vector<16xf32>
    %add3A_454 = arith.addf %add3A_325, %mul3A_453 : vector<16xf32>
    %sub3A_455 = arith.subf %scan3A_416#10, %add3A_328 : vector<16xf32>
    %mul3A_456 = arith.mulf %broadcast_in_dim3A_424, %sub3A_455 : vector<16xf32>
    %add3A_457 = arith.addf %add3A_328, %mul3A_456 : vector<16xf32>
    %sub3A_458 = arith.subf %scan3A_416#11, %add3A_331 : vector<16xf32>
    %mul3A_459 = arith.mulf %broadcast_in_dim3A_424, %sub3A_458 : vector<16xf32>
    %add3A_460 = arith.addf %add3A_331, %mul3A_459 : vector<16xf32>
    %sub3A_461 = arith.subf %scan3A_416#12, %add3A_334 : vector<16xf32>
    %mul3A_462 = arith.mulf %broadcast_in_dim3A_424, %sub3A_461 : vector<16xf32>
    %add3A_463 = arith.addf %add3A_334, %mul3A_462 : vector<16xf32>
    %sub3A_464 = arith.subf %scan3A_416#13, %add3A_337 : vector<16xf32>
    %mul3A_465 = arith.mulf %broadcast_in_dim3A_424, %sub3A_464 : vector<16xf32>
    %add3A_466 = arith.addf %add3A_337, %mul3A_465 : vector<16xf32>
    %sub3A_467 = arith.subf %scan3A_416#14, %add3A_340 : vector<16xf32>
    %mul3A_468 = arith.mulf %broadcast_in_dim3A_424, %sub3A_467 : vector<16xf32>
    %add3A_469 = arith.addf %add3A_340, %mul3A_468 : vector<16xf32>
    %sub3A_470 = arith.subf %scan3A_416#15, %add3A_343 : vector<16xf32>
    %mul3A_471 = arith.mulf %broadcast_in_dim3A_424, %sub3A_470 : vector<16xf32>
    %add3A_472 = arith.addf %add3A_343, %mul3A_471 : vector<16xf32>
    %sub3A_473 = arith.subf %scan3A_416#16, %add3A_346 : vector<16xf32>
    %mul3A_474 = arith.mulf %broadcast_in_dim3A_424, %sub3A_473 : vector<16xf32>
    %add3A_475 = arith.addf %add3A_346, %mul3A_474 : vector<16xf32>
    %sub3A_476 = arith.subf %scan3A_416#17, %add3A_349 : vector<16xf32>
    %mul3A_477 = arith.mulf %broadcast_in_dim3A_424, %sub3A_476 : vector<16xf32>
    %add3A_478 = arith.addf %add3A_349, %mul3A_477 : vector<16xf32>
    %sub3A_479 = arith.subf %scan3A_416#18, %add3A_352 : vector<16xf32>
    %mul3A_480 = arith.mulf %broadcast_in_dim3A_424, %sub3A_479 : vector<16xf32>
    %add3A_481 = arith.addf %add3A_352, %mul3A_480 : vector<16xf32>
    %sub3A_482 = arith.subf %scan3A_416#19, %add3A_355 : vector<16xf32>
    %mul3A_483 = arith.mulf %broadcast_in_dim3A_424, %sub3A_482 : vector<16xf32>
    %add3A_484 = arith.addf %add3A_355, %mul3A_483 : vector<16xf32>
    %sub3A_485 = arith.subf %scan3A_416#20, %add3A_358 : vector<16xf32>
    %mul3A_486 = arith.mulf %broadcast_in_dim3A_424, %sub3A_485 : vector<16xf32>
    %add3A_487 = arith.addf %add3A_358, %mul3A_486 : vector<16xf32>
    %sub3A_488 = arith.subf %scan3A_416#21, %add3A_361 : vector<16xf32>
    %mul3A_489 = arith.mulf %broadcast_in_dim3A_424, %sub3A_488 : vector<16xf32>
    %add3A_490 = arith.addf %add3A_361, %mul3A_489 : vector<16xf32>
    %sub3A_491 = arith.subf %scan3A_416#22, %add3A_364 : vector<16xf32>
    %mul3A_492 = arith.mulf %broadcast_in_dim3A_424, %sub3A_491 : vector<16xf32>
    %add3A_493 = arith.addf %add3A_364, %mul3A_492 : vector<16xf32>
    %sub3A_494 = arith.subf %scan3A_416#23, %add3A_367 : vector<16xf32>
    %mul3A_495 = arith.mulf %broadcast_in_dim3A_424, %sub3A_494 : vector<16xf32>
    %add3A_496 = arith.addf %add3A_367, %mul3A_495 : vector<16xf32>
    %sub3A_497 = arith.subf %scan3A_416#24, %add3A_370 : vector<16xf32>
    %mul3A_498 = arith.mulf %broadcast_in_dim3A_424, %sub3A_497 : vector<16xf32>
    %add3A_499 = arith.addf %add3A_370, %mul3A_498 : vector<16xf32>
    %sub3A_500 = arith.subf %scan3A_416#25, %add3A_373 : vector<16xf32>
    %mul3A_501 = arith.mulf %broadcast_in_dim3A_424, %sub3A_500 : vector<16xf32>
    %add3A_502 = arith.addf %add3A_373, %mul3A_501 : vector<16xf32>
    %sub3A_503 = arith.subf %scan3A_416#26, %add3A_376 : vector<16xf32>
    %mul3A_504 = arith.mulf %broadcast_in_dim3A_424, %sub3A_503 : vector<16xf32>
    %add3A_505 = arith.addf %add3A_376, %mul3A_504 : vector<16xf32>
    %sub3A_506 = arith.subf %scan3A_416#27, %add3A_379 : vector<16xf32>
    %mul3A_507 = arith.mulf %broadcast_in_dim3A_424, %sub3A_506 : vector<16xf32>
    %add3A_508 = arith.addf %add3A_379, %mul3A_507 : vector<16xf32>
    %sub3A_509 = arith.subf %scan3A_416#28, %add3A_382 : vector<16xf32>
    %mul3A_510 = arith.mulf %broadcast_in_dim3A_424, %sub3A_509 : vector<16xf32>
    %add3A_511 = arith.addf %add3A_382, %mul3A_510 : vector<16xf32>
    %sub3A_512 = arith.subf %scan3A_416#29, %add3A_385 : vector<16xf32>
    %mul3A_513 = arith.mulf %broadcast_in_dim3A_424, %sub3A_512 : vector<16xf32>
    %add3A_514 = arith.addf %add3A_385, %mul3A_513 : vector<16xf32>
    %sub3A_515 = arith.subf %scan3A_416#30, %add3A_388 : vector<16xf32>
    %mul3A_516 = arith.mulf %broadcast_in_dim3A_424, %sub3A_515 : vector<16xf32>
    %add3A_517 = arith.addf %add3A_388, %mul3A_516 : vector<16xf32>
    %sub3A_518 = arith.subf %scan3A_416#31, %add3A_391 : vector<16xf32>
    %mul3A_519 = arith.mulf %broadcast_in_dim3A_424, %sub3A_518 : vector<16xf32>
    %add3A_520 = arith.addf %add3A_391, %mul3A_519 : vector<16xf32>
    %add3A_521 = arith.constant 160 : i32
    %add3A_522 = arith.addi %add3A, %add3A_521 : i32
    %min3A_523 = arith.constant 249 : i32
    %min3A_524 = arith.minsi %add3A_522, %min3A_523 : i32
    %mul3A_525 = arith.constant 200 : i32
    %mul3A_526 = arith.muli %min3A_524, %mul3A_525 : i32
    %dma_start3A_527 = arith.constant 0 : i32
    %dma_start3A_528 = tpu.memref_slice %arg2[%mul3A_526, %dma_start3A_527] : memref<50000x256xf32, #tpu.memory_space<hbm>> -> memref<200x256xf32, #tpu.memory_space<hbm>>
    %dma_start3A_529 = arith.constant 0 : i32
    %dma_start3A_530 = tpu.memref_slice %arg2[%mul3A_526, %dma_start3A_529] : memref<50000x256xf32, #tpu.memory_space<hbm>> -> memref<200x256xf32, #tpu.memory_space<hbm>>
    tpu.enqueue_dma source(%dma_start3A_530 : memref<200x256xf32, #tpu.memory_space<hbm>>) target(%arg5 : memref<200x256xf32, #tpu.memory_space<vmem>>) target_semaphore(%arg8 : memref<!tpu.dma_semaphore, #tpu.memory_space<semaphore_mem>>)
    %add3A_531 = arith.constant 128 : i32
    %add3A_532 = arith.addi %add3A, %add3A_531 : i32
    %min3A_533 = arith.constant 249 : i32
    %min3A_534 = arith.minsi %add3A_532, %min3A_533 : i32
    %mul3A_535 = arith.constant 200 : i32
    %mul3A_536 = arith.muli %min3A_534, %mul3A_535 : i32
    %dma_wait3A_537 = arith.constant 0 : i32
    %dma_wait3A_538 = tpu.memref_slice %arg2[%mul3A_536, %dma_wait3A_537] : memref<50000x256xf32, #tpu.memory_space<hbm>> -> memref<200x256xf32, #tpu.memory_space<hbm>>
    %dma_wait3A_539 = arith.constant 0 : i32
    %dma_wait3A_540 = tpu.memref_slice %arg2[%mul3A_536, %dma_wait3A_539] : memref<50000x256xf32, #tpu.memory_space<hbm>> -> memref<200x256xf32, #tpu.memory_space<hbm>>
    tpu.wait_dma2 semaphore(%arg7 : memref<!tpu.dma_semaphore, #tpu.memory_space<semaphore_mem>>) src(%dma_wait3A_540 : memref<200x256xf32, #tpu.memory_space<hbm>>) dst(%arg4 : memref<200x256xf32, #tpu.memory_space<vmem>>)
    %scan3A_541 = arith.constant 0 : i32
    %scan3A_542 = arith.constant 200 : i32
    %scan3A_543 = arith.addi %scan3A_541, %scan3A_542 : i32
    %scan3A_544 = arith.constant 1 : i32
    %scan3A_545:32 = scf.for %scan3A_1218 = %scan3A_541 to %scan3A_543 step %scan3A_544 iter_args(%scan3A_1219 = %add3A_427, %scan3A_1220 = %add3A_430, %scan3A_1221 = %add3A_433, %scan3A_1222 = %add3A_436, %scan3A_1223 = %add3A_439, %scan3A_1224 = %add3A_442, %scan3A_1225 = %add3A_445, %scan3A_1226 = %add3A_448, %scan3A_1227 = %add3A_451, %scan3A_1228 = %add3A_454, %scan3A_1229 = %add3A_457, %scan3A_1230 = %add3A_460, %scan3A_1231 = %add3A_463, %scan3A_1232 = %add3A_466, %scan3A_1233 = %add3A_469, %scan3A_1234 = %add3A_472, %scan3A_1235 = %add3A_475, %scan3A_1236 = %add3A_478, %scan3A_1237 = %add3A_481, %scan3A_1238 = %add3A_484, %scan3A_1239 = %add3A_487, %scan3A_1240 = %add3A_490, %scan3A_1241 = %add3A_493, %scan3A_1242 = %add3A_496, %scan3A_1243 = %add3A_499, %scan3A_1244 = %add3A_502, %scan3A_1245 = %add3A_505, %scan3A_1246 = %add3A_508, %scan3A_1247 = %add3A_511, %scan3A_1248 = %add3A_514, %scan3A_1249 = %add3A_517, %scan3A_1250 = %add3A_520) -> (vector<16xf32>, vector<16xf32>, vector<16xf32>, vector<16xf32>, vector<16xf32>, vector<16xf32>, vector<16xf32>, vector<16xf32>, vector<16xf32>, vector<16xf32>, vector<16xf32>, vector<16xf32>, vector<16xf32>, vector<16xf32>, vector<16xf32>, vector<16xf32>, vector<16xf32>, vector<16xf32>, vector<16xf32>, vector<16xf32>, vector<16xf32>, vector<16xf32>, vector<16xf32>, vector<16xf32>, vector<16xf32>, vector<16xf32>, vector<16xf32>, vector<16xf32>, vector<16xf32>, vector<16xf32>, vector<16xf32>, vector<16xf32>)  : i32 {
      %get3A = arith.index_cast %scan3A_1218 : i32 to index
      %get3A_1251 = arith.constant 0 : index
      %get3A_1252 = tpu.vector_load %arg4[%get3A, %get3A_1251] {strides = array<i32>} : memref<200x256xf32, #tpu.memory_space<vmem>>, vector<1x16xf32>,
      %get3A_1253 = vector.shape_cast %get3A_1252 : vector<1x16xf32> to vector<16xf32>
      %add3A_1254 = arith.addf %scan3A_1219, %get3A_1253 : vector<16xf32>
      %mul3A_1255 = arith.mulf %get3A_1253, %get3A_1253 : vector<16xf32>
      %add3A_1256 = arith.addf %scan3A_1235, %mul3A_1255 : vector<16xf32>
      %get3A_1257 = arith.index_cast %scan3A_1218 : i32 to index
      %get3A_1258 = arith.constant 16 : index
      %get3A_1259 = tpu.vector_load %arg4[%get3A_1257, %get3A_1258] {strides = array<i32>} : memref<200x256xf32, #tpu.memory_space<vmem>>, vector<1x16xf32>,
      %get3A_1260 = vector.shape_cast %get3A_1259 : vector<1x16xf32> to vector<16xf32>
      %add3A_1261 = arith.addf %scan3A_1220, %get3A_1260 : vector<16xf32>
      %mul3A_1262 = arith.mulf %get3A_1260, %get3A_1260 : vector<16xf32>
      %add3A_1263 = arith.addf %scan3A_1236, %mul3A_1262 : vector<16xf32>
      %get3A_1264 = arith.index_cast %scan3A_1218 : i32 to index
      %get3A_1265 = arith.constant 32 : index
      %get3A_1266 = tpu.vector_load %arg4[%get3A_1264, %get3A_1265] {strides = array<i32>} : memref<200x256xf32, #tpu.memory_space<vmem>>, vector<1x16xf32>,
      %get3A_1267 = vector.shape_cast %get3A_1266 : vector<1x16xf32> to vector<16xf32>
      %add3A_1268 = arith.addf %scan3A_1221, %get3A_1267 : vector<16xf32>
      %mul3A_1269 = arith.mulf %get3A_1267, %get3A_1267 : vector<16xf32>
      %add3A_1270 = arith.addf %scan3A_1237, %mul3A_1269 : vector<16xf32>
      %get3A_1271 = arith.index_cast %scan3A_1218 : i32 to index
      %get3A_1272 = arith.constant 48 : index
      %get3A_1273 = tpu.vector_load %arg4[%get3A_1271, %get3A_1272] {strides = array<i32>} : memref<200x256xf32, #tpu.memory_space<vmem>>, vector<1x16xf32>,
      %get3A_1274 = vector.shape_cast %get3A_1273 : vector<1x16xf32> to vector<16xf32>
      %add3A_1275 = arith.addf %scan3A_1222, %get3A_1274 : vector<16xf32>
      %mul3A_1276 = arith.mulf %get3A_1274, %get3A_1274 : vector<16xf32>
      %add3A_1277 = arith.addf %scan3A_1238, %mul3A_1276 : vector<16xf32>
      %get3A_1278 = arith.index_cast %scan3A_1218 : i32 to index
      %get3A_1279 = arith.constant 64 : index
      %get3A_1280 = tpu.vector_load %arg4[%get3A_1278, %get3A_1279] {strides = array<i32>} : memref<200x256xf32, #tpu.memory_space<vmem>>, vector<1x16xf32>,
      %get3A_1281 = vector.shape_cast %get3A_1280 : vector<1x16xf32> to vector<16xf32>
      %add3A_1282 = arith.addf %scan3A_1223, %get3A_1281 : vector<16xf32>
      %mul3A_1283 = arith.mulf %get3A_1281, %get3A_1281 : vector<16xf32>
      %add3A_1284 = arith.addf %scan3A_1239, %mul3A_1283 : vector<16xf32>
      %get3A_1285 = arith.index_cast %scan3A_1218 : i32 to index
      %get3A_1286 = arith.constant 80 : index
      %get3A_1287 = tpu.vector_load %arg4[%get3A_1285, %get3A_1286] {strides = array<i32>} : memref<200x256xf32, #tpu.memory_space<vmem>>, vector<1x16xf32>,
      %get3A_1288 = vector.shape_cast %get3A_1287 : vector<1x16xf32> to vector<16xf32>
      %add3A_1289 = arith.addf %scan3A_1224, %get3A_1288 : vector<16xf32>
      %mul3A_1290 = arith.mulf %get3A_1288, %get3A_1288 : vector<16xf32>
      %add3A_1291 = arith.addf %scan3A_1240, %mul3A_1290 : vector<16xf32>
      %get3A_1292 = arith.index_cast %scan3A_1218 : i32 to index
      %get3A_1293 = arith.constant 96 : index
      %get3A_1294 = tpu.vector_load %arg4[%get3A_1292, %get3A_1293] {strides = array<i32>} : memref<200x256xf32, #tpu.memory_space<vmem>>, vector<1x16xf32>,
      %get3A_1295 = vector.shape_cast %get3A_1294 : vector<1x16xf32> to vector<16xf32>
      %add3A_1296 = arith.addf %scan3A_1225, %get3A_1295 : vector<16xf32>
      %mul3A_1297 = arith.mulf %get3A_1295, %get3A_1295 : vector<16xf32>
      %add3A_1298 = arith.addf %scan3A_1241, %mul3A_1297 : vector<16xf32>
      %get3A_1299 = arith.index_cast %scan3A_1218 : i32 to index
      %get3A_1300 = arith.constant 112 : index
      %get3A_1301 = tpu.vector_load %arg4[%get3A_1299, %get3A_1300] {strides = array<i32>} : memref<200x256xf32, #tpu.memory_space<vmem>>, vector<1x16xf32>,
      %get3A_1302 = vector.shape_cast %get3A_1301 : vector<1x16xf32> to vector<16xf32>
      %add3A_1303 = arith.addf %scan3A_1226, %get3A_1302 : vector<16xf32>
      %mul3A_1304 = arith.mulf %get3A_1302, %get3A_1302 : vector<16xf32>
      %add3A_1305 = arith.addf %scan3A_1242, %mul3A_1304 : vector<16xf32>
      %get3A_1306 = arith.index_cast %scan3A_1218 : i32 to index
      %get3A_1307 = arith.constant 128 : index
      %get3A_1308 = tpu.vector_load %arg4[%get3A_1306, %get3A_1307] {strides = array<i32>} : memref<200x256xf32, #tpu.memory_space<vmem>>, vector<1x16xf32>,
      %get3A_1309 = vector.shape_cast %get3A_1308 : vector<1x16xf32> to vector<16xf32>
      %add3A_1310 = arith.addf %scan3A_1227, %get3A_1309 : vector<16xf32>
      %mul3A_1311 = arith.mulf %get3A_1309, %get3A_1309 : vector<16xf32>
      %add3A_1312 = arith.addf %scan3A_1243, %mul3A_1311 : vector<16xf32>
      %get3A_1313 = arith.index_cast %scan3A_1218 : i32 to index
      %get3A_1314 = arith.constant 144 : index
      %get3A_1315 = tpu.vector_load %arg4[%get3A_1313, %get3A_1314] {strides = array<i32>} : memref<200x256xf32, #tpu.memory_space<vmem>>, vector<1x16xf32>,
      %get3A_1316 = vector.shape_cast %get3A_1315 : vector<1x16xf32> to vector<16xf32>
      %add3A_1317 = arith.addf %scan3A_1228, %get3A_1316 : vector<16xf32>
      %mul3A_1318 = arith.mulf %get3A_1316, %get3A_1316 : vector<16xf32>
      %add3A_1319 = arith.addf %scan3A_1244, %mul3A_1318 : vector<16xf32>
      %get3A_1320 = arith.index_cast %scan3A_1218 : i32 to index
      %get3A_1321 = arith.constant 160 : index
      %get3A_1322 = tpu.vector_load %arg4[%get3A_1320, %get3A_1321] {strides = array<i32>} : memref<200x256xf32, #tpu.memory_space<vmem>>, vector<1x16xf32>,
      %get3A_1323 = vector.shape_cast %get3A_1322 : vector<1x16xf32> to vector<16xf32>
      %add3A_1324 = arith.addf %scan3A_1229, %get3A_1323 : vector<16xf32>
      %mul3A_1325 = arith.mulf %get3A_1323, %get3A_1323 : vector<16xf32>
      %add3A_1326 = arith.addf %scan3A_1245, %mul3A_1325 : vector<16xf32>
      %get3A_1327 = arith.index_cast %scan3A_1218 : i32 to index
      %get3A_1328 = arith.constant 176 : index
      %get3A_1329 = tpu.vector_load %arg4[%get3A_1327, %get3A_1328] {strides = array<i32>} : memref<200x256xf32, #tpu.memory_space<vmem>>, vector<1x16xf32>,
      %get3A_1330 = vector.shape_cast %get3A_1329 : vector<1x16xf32> to vector<16xf32>
      %add3A_1331 = arith.addf %scan3A_1230, %get3A_1330 : vector<16xf32>
      %mul3A_1332 = arith.mulf %get3A_1330, %get3A_1330 : vector<16xf32>
      %add3A_1333 = arith.addf %scan3A_1246, %mul3A_1332 : vector<16xf32>
      %get3A_1334 = arith.index_cast %scan3A_1218 : i32 to index
      %get3A_1335 = arith.constant 192 : index
      %get3A_1336 = tpu.vector_load %arg4[%get3A_1334, %get3A_1335] {strides = array<i32>} : memref<200x256xf32, #tpu.memory_space<vmem>>, vector<1x16xf32>,
      %get3A_1337 = vector.shape_cast %get3A_1336 : vector<1x16xf32> to vector<16xf32>
      %add3A_1338 = arith.addf %scan3A_1231, %get3A_1337 : vector<16xf32>
      %mul3A_1339 = arith.mulf %get3A_1337, %get3A_1337 : vector<16xf32>
      %add3A_1340 = arith.addf %scan3A_1247, %mul3A_1339 : vector<16xf32>
      %get3A_1341 = arith.index_cast %scan3A_1218 : i32 to index
      %get3A_1342 = arith.constant 208 : index
      %get3A_1343 = tpu.vector_load %arg4[%get3A_1341, %get3A_1342] {strides = array<i32>} : memref<200x256xf32, #tpu.memory_space<vmem>>, vector<1x16xf32>,
      %get3A_1344 = vector.shape_cast %get3A_1343 : vector<1x16xf32> to vector<16xf32>
      %add3A_1345 = arith.addf %scan3A_1232, %get3A_1344 : vector<16xf32>
      %mul3A_1346 = arith.mulf %get3A_1344, %get3A_1344 : vector<16xf32>
      %add3A_1347 = arith.addf %scan3A_1248, %mul3A_1346 : vector<16xf32>
      %get3A_1348 = arith.index_cast %scan3A_1218 : i32 to index
      %get3A_1349 = arith.constant 224 : index
      %get3A_1350 = tpu.vector_load %arg4[%get3A_1348, %get3A_1349] {strides = array<i32>} : memref<200x256xf32, #tpu.memory_space<vmem>>, vector<1x16xf32>,
      %get3A_1351 = vector.shape_cast %get3A_1350 : vector<1x16xf32> to vector<16xf32>
      %add3A_1352 = arith.addf %scan3A_1233, %get3A_1351 : vector<16xf32>
      %mul3A_1353 = arith.mulf %get3A_1351, %get3A_1351 : vector<16xf32>
      %add3A_1354 = arith.addf %scan3A_1249, %mul3A_1353 : vector<16xf32>
      %get3A_1355 = arith.index_cast %scan3A_1218 : i32 to index
      %get3A_1356 = arith.constant 240 : index
      %get3A_1357 = tpu.vector_load %arg4[%get3A_1355, %get3A_1356] {strides = array<i32>} : memref<200x256xf32, #tpu.memory_space<vmem>>, vector<1x16xf32>,
      %get3A_1358 = vector.shape_cast %get3A_1357 : vector<1x16xf32> to vector<16xf32>
      %add3A_1359 = arith.addf %scan3A_1234, %get3A_1358 : vector<16xf32>
      %mul3A_1360 = arith.mulf %get3A_1358, %get3A_1358 : vector<16xf32>
      %add3A_1361 = arith.addf %scan3A_1250, %mul3A_1360 : vector<16xf32>
      scf.yield %add3A_1254, %add3A_1261, %add3A_1268, %add3A_1275, %add3A_1282, %add3A_1289, %add3A_1296, %add3A_1303, %add3A_1310, %add3A_1317, %add3A_1324, %add3A_1331, %add3A_1338, %add3A_1345, %add3A_1352, %add3A_1359, %add3A_1256, %add3A_1263, %add3A_1270, %add3A_1277, %add3A_1284, %add3A_1291, %add3A_1298, %add3A_1305, %add3A_1312, %add3A_1319, %add3A_1326, %add3A_1333, %add3A_1340, %add3A_1347, %add3A_1354, %add3A_1361 : vector<16xf32>, vector<16xf32>, vector<16xf32>, vector<16xf32>, vector<16xf32>, vector<16xf32>, vector<16xf32>, vector<16xf32>, vector<16xf32>, vector<16xf32>, vector<16xf32>, vector<16xf32>, vector<16xf32>, vector<16xf32>, vector<16xf32>, vector<16xf32>, vector<16xf32>, vector<16xf32>, vector<16xf32>, vector<16xf32>, vector<16xf32>, vector<16xf32>, vector<16xf32>, vector<16xf32>, vector<16xf32>, vector<16xf32>, vector<16xf32>, vector<16xf32>, vector<16xf32>, vector<16xf32>, vector<16xf32>, vector<16xf32>
    }
    %scan3A_546 = arith.constant 200 : i32
    %add3A_547 = arith.constant 128 : i32
    %add3A_548 = arith.addi %add3A, %add3A_547 : i32
    %lt3A_549 = arith.constant 250 : i32
    %lt3A_550 = arith.cmpi slt, %add3A_548, %lt3A_549 : i32
    %convert_element_type3A_551 = arith.extui %lt3A_550 : i1 to i32
    %convert_element_type3A_552 = arith.sitofp %convert_element_type3A_551 : i32 to f32
    %broadcast_in_dim3A_553 = vector.broadcast %convert_element_type3A_552 : f32 to vector<16xf32>
    %sub3A_554 = arith.subf %scan3A_545#0, %add3A_427 : vector<16xf32>
    %mul3A_555 = arith.mulf %broadcast_in_dim3A_553, %sub3A_554 : vector<16xf32>
    %add3A_556 = arith.addf %add3A_427, %mul3A_555 : vector<16xf32>
    %sub3A_557 = arith.subf %scan3A_545#1, %add3A_430 : vector<16xf32>
    %mul3A_558 = arith.mulf %broadcast_in_dim3A_553, %sub3A_557 : vector<16xf32>
    %add3A_559 = arith.addf %add3A_430, %mul3A_558 : vector<16xf32>
    %sub3A_560 = arith.subf %scan3A_545#2, %add3A_433 : vector<16xf32>
    %mul3A_561 = arith.mulf %broadcast_in_dim3A_553, %sub3A_560 : vector<16xf32>
    %add3A_562 = arith.addf %add3A_433, %mul3A_561 : vector<16xf32>
    %sub3A_563 = arith.subf %scan3A_545#3, %add3A_436 : vector<16xf32>
    %mul3A_564 = arith.mulf %broadcast_in_dim3A_553, %sub3A_563 : vector<16xf32>
    %add3A_565 = arith.addf %add3A_436, %mul3A_564 : vector<16xf32>
    %sub3A_566 = arith.subf %scan3A_545#4, %add3A_439 : vector<16xf32>
    %mul3A_567 = arith.mulf %broadcast_in_dim3A_553, %sub3A_566 : vector<16xf32>
    %add3A_568 = arith.addf %add3A_439, %mul3A_567 : vector<16xf32>
    %sub3A_569 = arith.subf %scan3A_545#5, %add3A_442 : vector<16xf32>
    %mul3A_570 = arith.mulf %broadcast_in_dim3A_553, %sub3A_569 : vector<16xf32>
    %add3A_571 = arith.addf %add3A_442, %mul3A_570 : vector<16xf32>
    %sub3A_572 = arith.subf %scan3A_545#6, %add3A_445 : vector<16xf32>
    %mul3A_573 = arith.mulf %broadcast_in_dim3A_553, %sub3A_572 : vector<16xf32>
    %add3A_574 = arith.addf %add3A_445, %mul3A_573 : vector<16xf32>
    %sub3A_575 = arith.subf %scan3A_545#7, %add3A_448 : vector<16xf32>
    %mul3A_576 = arith.mulf %broadcast_in_dim3A_553, %sub3A_575 : vector<16xf32>
    %add3A_577 = arith.addf %add3A_448, %mul3A_576 : vector<16xf32>
    %sub3A_578 = arith.subf %scan3A_545#8, %add3A_451 : vector<16xf32>
    %mul3A_579 = arith.mulf %broadcast_in_dim3A_553, %sub3A_578 : vector<16xf32>
    %add3A_580 = arith.addf %add3A_451, %mul3A_579 : vector<16xf32>
    %sub3A_581 = arith.subf %scan3A_545#9, %add3A_454 : vector<16xf32>
    %mul3A_582 = arith.mulf %broadcast_in_dim3A_553, %sub3A_581 : vector<16xf32>
    %add3A_583 = arith.addf %add3A_454, %mul3A_582 : vector<16xf32>
    %sub3A_584 = arith.subf %scan3A_545#10, %add3A_457 : vector<16xf32>
    %mul3A_585 = arith.mulf %broadcast_in_dim3A_553, %sub3A_584 : vector<16xf32>
    %add3A_586 = arith.addf %add3A_457, %mul3A_585 : vector<16xf32>
    %sub3A_587 = arith.subf %scan3A_545#11, %add3A_460 : vector<16xf32>
    %mul3A_588 = arith.mulf %broadcast_in_dim3A_553, %sub3A_587 : vector<16xf32>
    %add3A_589 = arith.addf %add3A_460, %mul3A_588 : vector<16xf32>
    %sub3A_590 = arith.subf %scan3A_545#12, %add3A_463 : vector<16xf32>
    %mul3A_591 = arith.mulf %broadcast_in_dim3A_553, %sub3A_590 : vector<16xf32>
    %add3A_592 = arith.addf %add3A_463, %mul3A_591 : vector<16xf32>
    %sub3A_593 = arith.subf %scan3A_545#13, %add3A_466 : vector<16xf32>
    %mul3A_594 = arith.mulf %broadcast_in_dim3A_553, %sub3A_593 : vector<16xf32>
    %add3A_595 = arith.addf %add3A_466, %mul3A_594 : vector<16xf32>
    %sub3A_596 = arith.subf %scan3A_545#14, %add3A_469 : vector<16xf32>
    %mul3A_597 = arith.mulf %broadcast_in_dim3A_553, %sub3A_596 : vector<16xf32>
    %add3A_598 = arith.addf %add3A_469, %mul3A_597 : vector<16xf32>
    %sub3A_599 = arith.subf %scan3A_545#15, %add3A_472 : vector<16xf32>
    %mul3A_600 = arith.mulf %broadcast_in_dim3A_553, %sub3A_599 : vector<16xf32>
    %add3A_601 = arith.addf %add3A_472, %mul3A_600 : vector<16xf32>
    %sub3A_602 = arith.subf %scan3A_545#16, %add3A_475 : vector<16xf32>
    %mul3A_603 = arith.mulf %broadcast_in_dim3A_553, %sub3A_602 : vector<16xf32>
    %add3A_604 = arith.addf %add3A_475, %mul3A_603 : vector<16xf32>
    %sub3A_605 = arith.subf %scan3A_545#17, %add3A_478 : vector<16xf32>
    %mul3A_606 = arith.mulf %broadcast_in_dim3A_553, %sub3A_605 : vector<16xf32>
    %add3A_607 = arith.addf %add3A_478, %mul3A_606 : vector<16xf32>
    %sub3A_608 = arith.subf %scan3A_545#18, %add3A_481 : vector<16xf32>
    %mul3A_609 = arith.mulf %broadcast_in_dim3A_553, %sub3A_608 : vector<16xf32>
    %add3A_610 = arith.addf %add3A_481, %mul3A_609 : vector<16xf32>
    %sub3A_611 = arith.subf %scan3A_545#19, %add3A_484 : vector<16xf32>
    %mul3A_612 = arith.mulf %broadcast_in_dim3A_553, %sub3A_611 : vector<16xf32>
    %add3A_613 = arith.addf %add3A_484, %mul3A_612 : vector<16xf32>
    %sub3A_614 = arith.subf %scan3A_545#20, %add3A_487 : vector<16xf32>
    %mul3A_615 = arith.mulf %broadcast_in_dim3A_553, %sub3A_614 : vector<16xf32>
    %add3A_616 = arith.addf %add3A_487, %mul3A_615 : vector<16xf32>
    %sub3A_617 = arith.subf %scan3A_545#21, %add3A_490 : vector<16xf32>
    %mul3A_618 = arith.mulf %broadcast_in_dim3A_553, %sub3A_617 : vector<16xf32>
    %add3A_619 = arith.addf %add3A_490, %mul3A_618 : vector<16xf32>
    %sub3A_620 = arith.subf %scan3A_545#22, %add3A_493 : vector<16xf32>
    %mul3A_621 = arith.mulf %broadcast_in_dim3A_553, %sub3A_620 : vector<16xf32>
    %add3A_622 = arith.addf %add3A_493, %mul3A_621 : vector<16xf32>
    %sub3A_623 = arith.subf %scan3A_545#23, %add3A_496 : vector<16xf32>
    %mul3A_624 = arith.mulf %broadcast_in_dim3A_553, %sub3A_623 : vector<16xf32>
    %add3A_625 = arith.addf %add3A_496, %mul3A_624 : vector<16xf32>
    %sub3A_626 = arith.subf %scan3A_545#24, %add3A_499 : vector<16xf32>
    %mul3A_627 = arith.mulf %broadcast_in_dim3A_553, %sub3A_626 : vector<16xf32>
    %add3A_628 = arith.addf %add3A_499, %mul3A_627 : vector<16xf32>
    %sub3A_629 = arith.subf %scan3A_545#25, %add3A_502 : vector<16xf32>
    %mul3A_630 = arith.mulf %broadcast_in_dim3A_553, %sub3A_629 : vector<16xf32>
    %add3A_631 = arith.addf %add3A_502, %mul3A_630 : vector<16xf32>
    %sub3A_632 = arith.subf %scan3A_545#26, %add3A_505 : vector<16xf32>
    %mul3A_633 = arith.mulf %broadcast_in_dim3A_553, %sub3A_632 : vector<16xf32>
    %add3A_634 = arith.addf %add3A_505, %mul3A_633 : vector<16xf32>
    %sub3A_635 = arith.subf %scan3A_545#27, %add3A_508 : vector<16xf32>
    %mul3A_636 = arith.mulf %broadcast_in_dim3A_553, %sub3A_635 : vector<16xf32>
    %add3A_637 = arith.addf %add3A_508, %mul3A_636 : vector<16xf32>
    %sub3A_638 = arith.subf %scan3A_545#28, %add3A_511 : vector<16xf32>
    %mul3A_639 = arith.mulf %broadcast_in_dim3A_553, %sub3A_638 : vector<16xf32>
    %add3A_640 = arith.addf %add3A_511, %mul3A_639 : vector<16xf32>
    %sub3A_641 = arith.subf %scan3A_545#29, %add3A_514 : vector<16xf32>
    %mul3A_642 = arith.mulf %broadcast_in_dim3A_553, %sub3A_641 : vector<16xf32>
    %add3A_643 = arith.addf %add3A_514, %mul3A_642 : vector<16xf32>
    %sub3A_644 = arith.subf %scan3A_545#30, %add3A_517 : vector<16xf32>
    %mul3A_645 = arith.mulf %broadcast_in_dim3A_553, %sub3A_644 : vector<16xf32>
    %add3A_646 = arith.addf %add3A_517, %mul3A_645 : vector<16xf32>
    %sub3A_647 = arith.subf %scan3A_545#31, %add3A_520 : vector<16xf32>
    %mul3A_648 = arith.mulf %broadcast_in_dim3A_553, %sub3A_647 : vector<16xf32>
    %add3A_649 = arith.addf %add3A_520, %mul3A_648 : vector<16xf32>
    %add3A_650 = arith.constant 192 : i32
    %add3A_651 = arith.addi %add3A, %add3A_650 : i32
    %min3A_652 = arith.constant 249 : i32
    %min3A_653 = arith.minsi %add3A_651, %min3A_652 : i32
    %mul3A_654 = arith.constant 200 : i32
    %mul3A_655 = arith.muli %min3A_653, %mul3A_654 : i32
    %dma_start3A_656 = arith.constant 0 : i32
    %dma_start3A_657 = tpu.memref_slice %arg2[%mul3A_655, %dma_start3A_656] : memref<50000x256xf32, #tpu.memory_space<hbm>> -> memref<200x256xf32, #tpu.memory_space<hbm>>
    %dma_start3A_658 = arith.constant 0 : i32
    %dma_start3A_659 = tpu.memref_slice %arg2[%mul3A_655, %dma_start3A_658] : memref<50000x256xf32, #tpu.memory_space<hbm>> -> memref<200x256xf32, #tpu.memory_space<hbm>>
    tpu.enqueue_dma source(%dma_start3A_659 : memref<200x256xf32, #tpu.memory_space<hbm>>) target(%arg4 : memref<200x256xf32, #tpu.memory_space<vmem>>) target_semaphore(%arg7 : memref<!tpu.dma_semaphore, #tpu.memory_space<semaphore_mem>>)
    %add3A_660 = arith.constant 160 : i32
    %add3A_661 = arith.addi %add3A, %add3A_660 : i32
    %min3A_662 = arith.constant 249 : i32
    %min3A_663 = arith.minsi %add3A_661, %min3A_662 : i32
    %mul3A_664 = arith.constant 200 : i32
    %mul3A_665 = arith.muli %min3A_663, %mul3A_664 : i32
    %dma_wait3A_666 = arith.constant 0 : i32
    %dma_wait3A_667 = tpu.memref_slice %arg2[%mul3A_665, %dma_wait3A_666] : memref<50000x256xf32, #tpu.memory_space<hbm>> -> memref<200x256xf32, #tpu.memory_space<hbm>>
    %dma_wait3A_668 = arith.constant 0 : i32
    %dma_wait3A_669 = tpu.memref_slice %arg2[%mul3A_665, %dma_wait3A_668] : memref<50000x256xf32, #tpu.memory_space<hbm>> -> memref<200x256xf32, #tpu.memory_space<hbm>>
    tpu.wait_dma2 semaphore(%arg8 : memref<!tpu.dma_semaphore, #tpu.memory_space<semaphore_mem>>) src(%dma_wait3A_669 : memref<200x256xf32, #tpu.memory_space<hbm>>) dst(%arg5 : memref<200x256xf32, #tpu.memory_space<vmem>>)
    %scan3A_670 = arith.constant 0 : i32
    %scan3A_671 = arith.constant 200 : i32
    %scan3A_672 = arith.addi %scan3A_670, %scan3A_671 : i32
    %scan3A_673 = arith.constant 1 : i32
    %scan3A_674:32 = scf.for %scan3A_1218 = %scan3A_670 to %scan3A_672 step %scan3A_673 iter_args(%scan3A_1219 = %add3A_556, %scan3A_1220 = %add3A_559, %scan3A_1221 = %add3A_562, %scan3A_1222 = %add3A_565, %scan3A_1223 = %add3A_568, %scan3A_1224 = %add3A_571, %scan3A_1225 = %add3A_574, %scan3A_1226 = %add3A_577, %scan3A_1227 = %add3A_580, %scan3A_1228 = %add3A_583, %scan3A_1229 = %add3A_586, %scan3A_1230 = %add3A_589, %scan3A_1231 = %add3A_592, %scan3A_1232 = %add3A_595, %scan3A_1233 = %add3A_598, %scan3A_1234 = %add3A_601, %scan3A_1235 = %add3A_604, %scan3A_1236 = %add3A_607, %scan3A_1237 = %add3A_610, %scan3A_1238 = %add3A_613, %scan3A_1239 = %add3A_616, %scan3A_1240 = %add3A_619, %scan3A_1241 = %add3A_622, %scan3A_1242 = %add3A_625, %scan3A_1243 = %add3A_628, %scan3A_1244 = %add3A_631, %scan3A_1245 = %add3A_634, %scan3A_1246 = %add3A_637, %scan3A_1247 = %add3A_640, %scan3A_1248 = %add3A_643, %scan3A_1249 = %add3A_646, %scan3A_1250 = %add3A_649) -> (vector<16xf32>, vector<16xf32>, vector<16xf32>, vector<16xf32>, vector<16xf32>, vector<16xf32>, vector<16xf32>, vector<16xf32>, vector<16xf32>, vector<16xf32>, vector<16xf32>, vector<16xf32>, vector<16xf32>, vector<16xf32>, vector<16xf32>, vector<16xf32>, vector<16xf32>, vector<16xf32>, vector<16xf32>, vector<16xf32>, vector<16xf32>, vector<16xf32>, vector<16xf32>, vector<16xf32>, vector<16xf32>, vector<16xf32>, vector<16xf32>, vector<16xf32>, vector<16xf32>, vector<16xf32>, vector<16xf32>, vector<16xf32>)  : i32 {
      %get3A = arith.index_cast %scan3A_1218 : i32 to index
      %get3A_1251 = arith.constant 0 : index
      %get3A_1252 = tpu.vector_load %arg5[%get3A, %get3A_1251] {strides = array<i32>} : memref<200x256xf32, #tpu.memory_space<vmem>>, vector<1x16xf32>,
      %get3A_1253 = vector.shape_cast %get3A_1252 : vector<1x16xf32> to vector<16xf32>
      %add3A_1254 = arith.addf %scan3A_1219, %get3A_1253 : vector<16xf32>
      %mul3A_1255 = arith.mulf %get3A_1253, %get3A_1253 : vector<16xf32>
      %add3A_1256 = arith.addf %scan3A_1235, %mul3A_1255 : vector<16xf32>
      %get3A_1257 = arith.index_cast %scan3A_1218 : i32 to index
      %get3A_1258 = arith.constant 16 : index
      %get3A_1259 = tpu.vector_load %arg5[%get3A_1257, %get3A_1258] {strides = array<i32>} : memref<200x256xf32, #tpu.memory_space<vmem>>, vector<1x16xf32>,
      %get3A_1260 = vector.shape_cast %get3A_1259 : vector<1x16xf32> to vector<16xf32>
      %add3A_1261 = arith.addf %scan3A_1220, %get3A_1260 : vector<16xf32>
      %mul3A_1262 = arith.mulf %get3A_1260, %get3A_1260 : vector<16xf32>
      %add3A_1263 = arith.addf %scan3A_1236, %mul3A_1262 : vector<16xf32>
      %get3A_1264 = arith.index_cast %scan3A_1218 : i32 to index
      %get3A_1265 = arith.constant 32 : index
      %get3A_1266 = tpu.vector_load %arg5[%get3A_1264, %get3A_1265] {strides = array<i32>} : memref<200x256xf32, #tpu.memory_space<vmem>>, vector<1x16xf32>,
      %get3A_1267 = vector.shape_cast %get3A_1266 : vector<1x16xf32> to vector<16xf32>
      %add3A_1268 = arith.addf %scan3A_1221, %get3A_1267 : vector<16xf32>
      %mul3A_1269 = arith.mulf %get3A_1267, %get3A_1267 : vector<16xf32>
      %add3A_1270 = arith.addf %scan3A_1237, %mul3A_1269 : vector<16xf32>
      %get3A_1271 = arith.index_cast %scan3A_1218 : i32 to index
      %get3A_1272 = arith.constant 48 : index
      %get3A_1273 = tpu.vector_load %arg5[%get3A_1271, %get3A_1272] {strides = array<i32>} : memref<200x256xf32, #tpu.memory_space<vmem>>, vector<1x16xf32>,
      %get3A_1274 = vector.shape_cast %get3A_1273 : vector<1x16xf32> to vector<16xf32>
      %add3A_1275 = arith.addf %scan3A_1222, %get3A_1274 : vector<16xf32>
      %mul3A_1276 = arith.mulf %get3A_1274, %get3A_1274 : vector<16xf32>
      %add3A_1277 = arith.addf %scan3A_1238, %mul3A_1276 : vector<16xf32>
      %get3A_1278 = arith.index_cast %scan3A_1218 : i32 to index
      %get3A_1279 = arith.constant 64 : index
      %get3A_1280 = tpu.vector_load %arg5[%get3A_1278, %get3A_1279] {strides = array<i32>} : memref<200x256xf32, #tpu.memory_space<vmem>>, vector<1x16xf32>,
      %get3A_1281 = vector.shape_cast %get3A_1280 : vector<1x16xf32> to vector<16xf32>
      %add3A_1282 = arith.addf %scan3A_1223, %get3A_1281 : vector<16xf32>
      %mul3A_1283 = arith.mulf %get3A_1281, %get3A_1281 : vector<16xf32>
      %add3A_1284 = arith.addf %scan3A_1239, %mul3A_1283 : vector<16xf32>
      %get3A_1285 = arith.index_cast %scan3A_1218 : i32 to index
      %get3A_1286 = arith.constant 80 : index
      %get3A_1287 = tpu.vector_load %arg5[%get3A_1285, %get3A_1286] {strides = array<i32>} : memref<200x256xf32, #tpu.memory_space<vmem>>, vector<1x16xf32>,
      %get3A_1288 = vector.shape_cast %get3A_1287 : vector<1x16xf32> to vector<16xf32>
      %add3A_1289 = arith.addf %scan3A_1224, %get3A_1288 : vector<16xf32>
      %mul3A_1290 = arith.mulf %get3A_1288, %get3A_1288 : vector<16xf32>
      %add3A_1291 = arith.addf %scan3A_1240, %mul3A_1290 : vector<16xf32>
      %get3A_1292 = arith.index_cast %scan3A_1218 : i32 to index
      %get3A_1293 = arith.constant 96 : index
      %get3A_1294 = tpu.vector_load %arg5[%get3A_1292, %get3A_1293] {strides = array<i32>} : memref<200x256xf32, #tpu.memory_space<vmem>>, vector<1x16xf32>,
      %get3A_1295 = vector.shape_cast %get3A_1294 : vector<1x16xf32> to vector<16xf32>
      %add3A_1296 = arith.addf %scan3A_1225, %get3A_1295 : vector<16xf32>
      %mul3A_1297 = arith.mulf %get3A_1295, %get3A_1295 : vector<16xf32>
      %add3A_1298 = arith.addf %scan3A_1241, %mul3A_1297 : vector<16xf32>
      %get3A_1299 = arith.index_cast %scan3A_1218 : i32 to index
      %get3A_1300 = arith.constant 112 : index
      %get3A_1301 = tpu.vector_load %arg5[%get3A_1299, %get3A_1300] {strides = array<i32>} : memref<200x256xf32, #tpu.memory_space<vmem>>, vector<1x16xf32>,
      %get3A_1302 = vector.shape_cast %get3A_1301 : vector<1x16xf32> to vector<16xf32>
      %add3A_1303 = arith.addf %scan3A_1226, %get3A_1302 : vector<16xf32>
      %mul3A_1304 = arith.mulf %get3A_1302, %get3A_1302 : vector<16xf32>
      %add3A_1305 = arith.addf %scan3A_1242, %mul3A_1304 : vector<16xf32>
      %get3A_1306 = arith.index_cast %scan3A_1218 : i32 to index
      %get3A_1307 = arith.constant 128 : index
      %get3A_1308 = tpu.vector_load %arg5[%get3A_1306, %get3A_1307] {strides = array<i32>} : memref<200x256xf32, #tpu.memory_space<vmem>>, vector<1x16xf32>,
      %get3A_1309 = vector.shape_cast %get3A_1308 : vector<1x16xf32> to vector<16xf32>
      %add3A_1310 = arith.addf %scan3A_1227, %get3A_1309 : vector<16xf32>
      %mul3A_1311 = arith.mulf %get3A_1309, %get3A_1309 : vector<16xf32>
      %add3A_1312 = arith.addf %scan3A_1243, %mul3A_1311 : vector<16xf32>
      %get3A_1313 = arith.index_cast %scan3A_1218 : i32 to index
      %get3A_1314 = arith.constant 144 : index
      %get3A_1315 = tpu.vector_load %arg5[%get3A_1313, %get3A_1314] {strides = array<i32>} : memref<200x256xf32, #tpu.memory_space<vmem>>, vector<1x16xf32>,
      %get3A_1316 = vector.shape_cast %get3A_1315 : vector<1x16xf32> to vector<16xf32>
      %add3A_1317 = arith.addf %scan3A_1228, %get3A_1316 : vector<16xf32>
      %mul3A_1318 = arith.mulf %get3A_1316, %get3A_1316 : vector<16xf32>
      %add3A_1319 = arith.addf %scan3A_1244, %mul3A_1318 : vector<16xf32>
      %get3A_1320 = arith.index_cast %scan3A_1218 : i32 to index
      %get3A_1321 = arith.constant 160 : index
      %get3A_1322 = tpu.vector_load %arg5[%get3A_1320, %get3A_1321] {strides = array<i32>} : memref<200x256xf32, #tpu.memory_space<vmem>>, vector<1x16xf32>,
      %get3A_1323 = vector.shape_cast %get3A_1322 : vector<1x16xf32> to vector<16xf32>
      %add3A_1324 = arith.addf %scan3A_1229, %get3A_1323 : vector<16xf32>
      %mul3A_1325 = arith.mulf %get3A_1323, %get3A_1323 : vector<16xf32>
      %add3A_1326 = arith.addf %scan3A_1245, %mul3A_1325 : vector<16xf32>
      %get3A_1327 = arith.index_cast %scan3A_1218 : i32 to index
      %get3A_1328 = arith.constant 176 : index
      %get3A_1329 = tpu.vector_load %arg5[%get3A_1327, %get3A_1328] {strides = array<i32>} : memref<200x256xf32, #tpu.memory_space<vmem>>, vector<1x16xf32>,
      %get3A_1330 = vector.shape_cast %get3A_1329 : vector<1x16xf32> to vector<16xf32>
      %add3A_1331 = arith.addf %scan3A_1230, %get3A_1330 : vector<16xf32>
      %mul3A_1332 = arith.mulf %get3A_1330, %get3A_1330 : vector<16xf32>
      %add3A_1333 = arith.addf %scan3A_1246, %mul3A_1332 : vector<16xf32>
      %get3A_1334 = arith.index_cast %scan3A_1218 : i32 to index
      %get3A_1335 = arith.constant 192 : index
      %get3A_1336 = tpu.vector_load %arg5[%get3A_1334, %get3A_1335] {strides = array<i32>} : memref<200x256xf32, #tpu.memory_space<vmem>>, vector<1x16xf32>,
      %get3A_1337 = vector.shape_cast %get3A_1336 : vector<1x16xf32> to vector<16xf32>
      %add3A_1338 = arith.addf %scan3A_1231, %get3A_1337 : vector<16xf32>
      %mul3A_1339 = arith.mulf %get3A_1337, %get3A_1337 : vector<16xf32>
      %add3A_1340 = arith.addf %scan3A_1247, %mul3A_1339 : vector<16xf32>
      %get3A_1341 = arith.index_cast %scan3A_1218 : i32 to index
      %get3A_1342 = arith.constant 208 : index
      %get3A_1343 = tpu.vector_load %arg5[%get3A_1341, %get3A_1342] {strides = array<i32>} : memref<200x256xf32, #tpu.memory_space<vmem>>, vector<1x16xf32>,
      %get3A_1344 = vector.shape_cast %get3A_1343 : vector<1x16xf32> to vector<16xf32>
      %add3A_1345 = arith.addf %scan3A_1232, %get3A_1344 : vector<16xf32>
      %mul3A_1346 = arith.mulf %get3A_1344, %get3A_1344 : vector<16xf32>
      %add3A_1347 = arith.addf %scan3A_1248, %mul3A_1346 : vector<16xf32>
      %get3A_1348 = arith.index_cast %scan3A_1218 : i32 to index
      %get3A_1349 = arith.constant 224 : index
      %get3A_1350 = tpu.vector_load %arg5[%get3A_1348, %get3A_1349] {strides = array<i32>} : memref<200x256xf32, #tpu.memory_space<vmem>>, vector<1x16xf32>,
      %get3A_1351 = vector.shape_cast %get3A_1350 : vector<1x16xf32> to vector<16xf32>
      %add3A_1352 = arith.addf %scan3A_1233, %get3A_1351 : vector<16xf32>
      %mul3A_1353 = arith.mulf %get3A_1351, %get3A_1351 : vector<16xf32>
      %add3A_1354 = arith.addf %scan3A_1249, %mul3A_1353 : vector<16xf32>
      %get3A_1355 = arith.index_cast %scan3A_1218 : i32 to index
      %get3A_1356 = arith.constant 240 : index
      %get3A_1357 = tpu.vector_load %arg5[%get3A_1355, %get3A_1356] {strides = array<i32>} : memref<200x256xf32, #tpu.memory_space<vmem>>, vector<1x16xf32>,
      %get3A_1358 = vector.shape_cast %get3A_1357 : vector<1x16xf32> to vector<16xf32>
      %add3A_1359 = arith.addf %scan3A_1234, %get3A_1358 : vector<16xf32>
      %mul3A_1360 = arith.mulf %get3A_1358, %get3A_1358 : vector<16xf32>
      %add3A_1361 = arith.addf %scan3A_1250, %mul3A_1360 : vector<16xf32>
      scf.yield %add3A_1254, %add3A_1261, %add3A_1268, %add3A_1275, %add3A_1282, %add3A_1289, %add3A_1296, %add3A_1303, %add3A_1310, %add3A_1317, %add3A_1324, %add3A_1331, %add3A_1338, %add3A_1345, %add3A_1352, %add3A_1359, %add3A_1256, %add3A_1263, %add3A_1270, %add3A_1277, %add3A_1284, %add3A_1291, %add3A_1298, %add3A_1305, %add3A_1312, %add3A_1319, %add3A_1326, %add3A_1333, %add3A_1340, %add3A_1347, %add3A_1354, %add3A_1361 : vector<16xf32>, vector<16xf32>, vector<16xf32>, vector<16xf32>, vector<16xf32>, vector<16xf32>, vector<16xf32>, vector<16xf32>, vector<16xf32>, vector<16xf32>, vector<16xf32>, vector<16xf32>, vector<16xf32>, vector<16xf32>, vector<16xf32>, vector<16xf32>, vector<16xf32>, vector<16xf32>, vector<16xf32>, vector<16xf32>, vector<16xf32>, vector<16xf32>, vector<16xf32>, vector<16xf32>, vector<16xf32>, vector<16xf32>, vector<16xf32>, vector<16xf32>, vector<16xf32>, vector<16xf32>, vector<16xf32>, vector<16xf32>
    }
    %scan3A_675 = arith.constant 200 : i32
    %add3A_676 = arith.constant 160 : i32
    %add3A_677 = arith.addi %add3A, %add3A_676 : i32
    %lt3A_678 = arith.constant 250 : i32
    %lt3A_679 = arith.cmpi slt, %add3A_677, %lt3A_678 : i32
    %convert_element_type3A_680 = arith.extui %lt3A_679 : i1 to i32
    %convert_element_type3A_681 = arith.sitofp %convert_element_type3A_680 : i32 to f32
    %broadcast_in_dim3A_682 = vector.broadcast %convert_element_type3A_681 : f32 to vector<16xf32>
    %sub3A_683 = arith.subf %scan3A_674#0, %add3A_556 : vector<16xf32>
    %mul3A_684 = arith.mulf %broadcast_in_dim3A_682, %sub3A_683 : vector<16xf32>
    %add3A_685 = arith.addf %add3A_556, %mul3A_684 : vector<16xf32>
    %sub3A_686 = arith.subf %scan3A_674#1, %add3A_559 : vector<16xf32>
    %mul3A_687 = arith.mulf %broadcast_in_dim3A_682, %sub3A_686 : vector<16xf32>
    %add3A_688 = arith.addf %add3A_559, %mul3A_687 : vector<16xf32>
    %sub3A_689 = arith.subf %scan3A_674#2, %add3A_562 : vector<16xf32>
    %mul3A_690 = arith.mulf %broadcast_in_dim3A_682, %sub3A_689 : vector<16xf32>
    %add3A_691 = arith.addf %add3A_562, %mul3A_690 : vector<16xf32>
    %sub3A_692 = arith.subf %scan3A_674#3, %add3A_565 : vector<16xf32>
    %mul3A_693 = arith.mulf %broadcast_in_dim3A_682, %sub3A_692 : vector<16xf32>
    %add3A_694 = arith.addf %add3A_565, %mul3A_693 : vector<16xf32>
    %sub3A_695 = arith.subf %scan3A_674#4, %add3A_568 : vector<16xf32>
    %mul3A_696 = arith.mulf %broadcast_in_dim3A_682, %sub3A_695 : vector<16xf32>
    %add3A_697 = arith.addf %add3A_568, %mul3A_696 : vector<16xf32>
    %sub3A_698 = arith.subf %scan3A_674#5, %add3A_571 : vector<16xf32>
    %mul3A_699 = arith.mulf %broadcast_in_dim3A_682, %sub3A_698 : vector<16xf32>
    %add3A_700 = arith.addf %add3A_571, %mul3A_699 : vector<16xf32>
    %sub3A_701 = arith.subf %scan3A_674#6, %add3A_574 : vector<16xf32>
    %mul3A_702 = arith.mulf %broadcast_in_dim3A_682, %sub3A_701 : vector<16xf32>
    %add3A_703 = arith.addf %add3A_574, %mul3A_702 : vector<16xf32>
    %sub3A_704 = arith.subf %scan3A_674#7, %add3A_577 : vector<16xf32>
    %mul3A_705 = arith.mulf %broadcast_in_dim3A_682, %sub3A_704 : vector<16xf32>
    %add3A_706 = arith.addf %add3A_577, %mul3A_705 : vector<16xf32>
    %sub3A_707 = arith.subf %scan3A_674#8, %add3A_580 : vector<16xf32>
    %mul3A_708 = arith.mulf %broadcast_in_dim3A_682, %sub3A_707 : vector<16xf32>
    %add3A_709 = arith.addf %add3A_580, %mul3A_708 : vector<16xf32>
    %sub3A_710 = arith.subf %scan3A_674#9, %add3A_583 : vector<16xf32>
    %mul3A_711 = arith.mulf %broadcast_in_dim3A_682, %sub3A_710 : vector<16xf32>
    %add3A_712 = arith.addf %add3A_583, %mul3A_711 : vector<16xf32>
    %sub3A_713 = arith.subf %scan3A_674#10, %add3A_586 : vector<16xf32>
    %mul3A_714 = arith.mulf %broadcast_in_dim3A_682, %sub3A_713 : vector<16xf32>
    %add3A_715 = arith.addf %add3A_586, %mul3A_714 : vector<16xf32>
    %sub3A_716 = arith.subf %scan3A_674#11, %add3A_589 : vector<16xf32>
    %mul3A_717 = arith.mulf %broadcast_in_dim3A_682, %sub3A_716 : vector<16xf32>
    %add3A_718 = arith.addf %add3A_589, %mul3A_717 : vector<16xf32>
    %sub3A_719 = arith.subf %scan3A_674#12, %add3A_592 : vector<16xf32>
    %mul3A_720 = arith.mulf %broadcast_in_dim3A_682, %sub3A_719 : vector<16xf32>
    %add3A_721 = arith.addf %add3A_592, %mul3A_720 : vector<16xf32>
    %sub3A_722 = arith.subf %scan3A_674#13, %add3A_595 : vector<16xf32>
    %mul3A_723 = arith.mulf %broadcast_in_dim3A_682, %sub3A_722 : vector<16xf32>
    %add3A_724 = arith.addf %add3A_595, %mul3A_723 : vector<16xf32>
    %sub3A_725 = arith.subf %scan3A_674#14, %add3A_598 : vector<16xf32>
    %mul3A_726 = arith.mulf %broadcast_in_dim3A_682, %sub3A_725 : vector<16xf32>
    %add3A_727 = arith.addf %add3A_598, %mul3A_726 : vector<16xf32>
    %sub3A_728 = arith.subf %scan3A_674#15, %add3A_601 : vector<16xf32>
    %mul3A_729 = arith.mulf %broadcast_in_dim3A_682, %sub3A_728 : vector<16xf32>
    %add3A_730 = arith.addf %add3A_601, %mul3A_729 : vector<16xf32>
    %sub3A_731 = arith.subf %scan3A_674#16, %add3A_604 : vector<16xf32>
    %mul3A_732 = arith.mulf %broadcast_in_dim3A_682, %sub3A_731 : vector<16xf32>
    %add3A_733 = arith.addf %add3A_604, %mul3A_732 : vector<16xf32>
    %sub3A_734 = arith.subf %scan3A_674#17, %add3A_607 : vector<16xf32>
    %mul3A_735 = arith.mulf %broadcast_in_dim3A_682, %sub3A_734 : vector<16xf32>
    %add3A_736 = arith.addf %add3A_607, %mul3A_735 : vector<16xf32>
    %sub3A_737 = arith.subf %scan3A_674#18, %add3A_610 : vector<16xf32>
    %mul3A_738 = arith.mulf %broadcast_in_dim3A_682, %sub3A_737 : vector<16xf32>
    %add3A_739 = arith.addf %add3A_610, %mul3A_738 : vector<16xf32>
    %sub3A_740 = arith.subf %scan3A_674#19, %add3A_613 : vector<16xf32>
    %mul3A_741 = arith.mulf %broadcast_in_dim3A_682, %sub3A_740 : vector<16xf32>
    %add3A_742 = arith.addf %add3A_613, %mul3A_741 : vector<16xf32>
    %sub3A_743 = arith.subf %scan3A_674#20, %add3A_616 : vector<16xf32>
    %mul3A_744 = arith.mulf %broadcast_in_dim3A_682, %sub3A_743 : vector<16xf32>
    %add3A_745 = arith.addf %add3A_616, %mul3A_744 : vector<16xf32>
    %sub3A_746 = arith.subf %scan3A_674#21, %add3A_619 : vector<16xf32>
    %mul3A_747 = arith.mulf %broadcast_in_dim3A_682, %sub3A_746 : vector<16xf32>
    %add3A_748 = arith.addf %add3A_619, %mul3A_747 : vector<16xf32>
    %sub3A_749 = arith.subf %scan3A_674#22, %add3A_622 : vector<16xf32>
    %mul3A_750 = arith.mulf %broadcast_in_dim3A_682, %sub3A_749 : vector<16xf32>
    %add3A_751 = arith.addf %add3A_622, %mul3A_750 : vector<16xf32>
    %sub3A_752 = arith.subf %scan3A_674#23, %add3A_625 : vector<16xf32>
    %mul3A_753 = arith.mulf %broadcast_in_dim3A_682, %sub3A_752 : vector<16xf32>
    %add3A_754 = arith.addf %add3A_625, %mul3A_753 : vector<16xf32>
    %sub3A_755 = arith.subf %scan3A_674#24, %add3A_628 : vector<16xf32>
    %mul3A_756 = arith.mulf %broadcast_in_dim3A_682, %sub3A_755 : vector<16xf32>
    %add3A_757 = arith.addf %add3A_628, %mul3A_756 : vector<16xf32>
    %sub3A_758 = arith.subf %scan3A_674#25, %add3A_631 : vector<16xf32>
    %mul3A_759 = arith.mulf %broadcast_in_dim3A_682, %sub3A_758 : vector<16xf32>
    %add3A_760 = arith.addf %add3A_631, %mul3A_759 : vector<16xf32>
    %sub3A_761 = arith.subf %scan3A_674#26, %add3A_634 : vector<16xf32>
    %mul3A_762 = arith.mulf %broadcast_in_dim3A_682, %sub3A_761 : vector<16xf32>
    %add3A_763 = arith.addf %add3A_634, %mul3A_762 : vector<16xf32>
    %sub3A_764 = arith.subf %scan3A_674#27, %add3A_637 : vector<16xf32>
    %mul3A_765 = arith.mulf %broadcast_in_dim3A_682, %sub3A_764 : vector<16xf32>
    %add3A_766 = arith.addf %add3A_637, %mul3A_765 : vector<16xf32>
    %sub3A_767 = arith.subf %scan3A_674#28, %add3A_640 : vector<16xf32>
    %mul3A_768 = arith.mulf %broadcast_in_dim3A_682, %sub3A_767 : vector<16xf32>
    %add3A_769 = arith.addf %add3A_640, %mul3A_768 : vector<16xf32>
    %sub3A_770 = arith.subf %scan3A_674#29, %add3A_643 : vector<16xf32>
    %mul3A_771 = arith.mulf %broadcast_in_dim3A_682, %sub3A_770 : vector<16xf32>
    %add3A_772 = arith.addf %add3A_643, %mul3A_771 : vector<16xf32>
    %sub3A_773 = arith.subf %scan3A_674#30, %add3A_646 : vector<16xf32>
    %mul3A_774 = arith.mulf %broadcast_in_dim3A_682, %sub3A_773 : vector<16xf32>
    %add3A_775 = arith.addf %add3A_646, %mul3A_774 : vector<16xf32>
    %sub3A_776 = arith.subf %scan3A_674#31, %add3A_649 : vector<16xf32>
    %mul3A_777 = arith.mulf %broadcast_in_dim3A_682, %sub3A_776 : vector<16xf32>
    %add3A_778 = arith.addf %add3A_649, %mul3A_777 : vector<16xf32>
    %add3A_779 = arith.constant 224 : i32
    %add3A_780 = arith.addi %add3A, %add3A_779 : i32
    %min3A_781 = arith.constant 249 : i32
    %min3A_782 = arith.minsi %add3A_780, %min3A_781 : i32
    %mul3A_783 = arith.constant 200 : i32
    %mul3A_784 = arith.muli %min3A_782, %mul3A_783 : i32
    %dma_start3A_785 = arith.constant 0 : i32
    %dma_start3A_786 = tpu.memref_slice %arg2[%mul3A_784, %dma_start3A_785] : memref<50000x256xf32, #tpu.memory_space<hbm>> -> memref<200x256xf32, #tpu.memory_space<hbm>>
    %dma_start3A_787 = arith.constant 0 : i32
    %dma_start3A_788 = tpu.memref_slice %arg2[%mul3A_784, %dma_start3A_787] : memref<50000x256xf32, #tpu.memory_space<hbm>> -> memref<200x256xf32, #tpu.memory_space<hbm>>
    tpu.enqueue_dma source(%dma_start3A_788 : memref<200x256xf32, #tpu.memory_space<hbm>>) target(%arg5 : memref<200x256xf32, #tpu.memory_space<vmem>>) target_semaphore(%arg8 : memref<!tpu.dma_semaphore, #tpu.memory_space<semaphore_mem>>)
    %add3A_789 = arith.constant 192 : i32
    %add3A_790 = arith.addi %add3A, %add3A_789 : i32
    %min3A_791 = arith.constant 249 : i32
    %min3A_792 = arith.minsi %add3A_790, %min3A_791 : i32
    %mul3A_793 = arith.constant 200 : i32
    %mul3A_794 = arith.muli %min3A_792, %mul3A_793 : i32
    %dma_wait3A_795 = arith.constant 0 : i32
    %dma_wait3A_796 = tpu.memref_slice %arg2[%mul3A_794, %dma_wait3A_795] : memref<50000x256xf32, #tpu.memory_space<hbm>> -> memref<200x256xf32, #tpu.memory_space<hbm>>
    %dma_wait3A_797 = arith.constant 0 : i32
    %dma_wait3A_798 = tpu.memref_slice %arg2[%mul3A_794, %dma_wait3A_797] : memref<50000x256xf32, #tpu.memory_space<hbm>> -> memref<200x256xf32, #tpu.memory_space<hbm>>
    tpu.wait_dma2 semaphore(%arg7 : memref<!tpu.dma_semaphore, #tpu.memory_space<semaphore_mem>>) src(%dma_wait3A_798 : memref<200x256xf32, #tpu.memory_space<hbm>>) dst(%arg4 : memref<200x256xf32, #tpu.memory_space<vmem>>)
    %scan3A_799 = arith.constant 0 : i32
    %scan3A_800 = arith.constant 200 : i32
    %scan3A_801 = arith.addi %scan3A_799, %scan3A_800 : i32
    %scan3A_802 = arith.constant 1 : i32
    %scan3A_803:32 = scf.for %scan3A_1218 = %scan3A_799 to %scan3A_801 step %scan3A_802 iter_args(%scan3A_1219 = %add3A_685, %scan3A_1220 = %add3A_688, %scan3A_1221 = %add3A_691, %scan3A_1222 = %add3A_694, %scan3A_1223 = %add3A_697, %scan3A_1224 = %add3A_700, %scan3A_1225 = %add3A_703, %scan3A_1226 = %add3A_706, %scan3A_1227 = %add3A_709, %scan3A_1228 = %add3A_712, %scan3A_1229 = %add3A_715, %scan3A_1230 = %add3A_718, %scan3A_1231 = %add3A_721, %scan3A_1232 = %add3A_724, %scan3A_1233 = %add3A_727, %scan3A_1234 = %add3A_730, %scan3A_1235 = %add3A_733, %scan3A_1236 = %add3A_736, %scan3A_1237 = %add3A_739, %scan3A_1238 = %add3A_742, %scan3A_1239 = %add3A_745, %scan3A_1240 = %add3A_748, %scan3A_1241 = %add3A_751, %scan3A_1242 = %add3A_754, %scan3A_1243 = %add3A_757, %scan3A_1244 = %add3A_760, %scan3A_1245 = %add3A_763, %scan3A_1246 = %add3A_766, %scan3A_1247 = %add3A_769, %scan3A_1248 = %add3A_772, %scan3A_1249 = %add3A_775, %scan3A_1250 = %add3A_778) -> (vector<16xf32>, vector<16xf32>, vector<16xf32>, vector<16xf32>, vector<16xf32>, vector<16xf32>, vector<16xf32>, vector<16xf32>, vector<16xf32>, vector<16xf32>, vector<16xf32>, vector<16xf32>, vector<16xf32>, vector<16xf32>, vector<16xf32>, vector<16xf32>, vector<16xf32>, vector<16xf32>, vector<16xf32>, vector<16xf32>, vector<16xf32>, vector<16xf32>, vector<16xf32>, vector<16xf32>, vector<16xf32>, vector<16xf32>, vector<16xf32>, vector<16xf32>, vector<16xf32>, vector<16xf32>, vector<16xf32>, vector<16xf32>)  : i32 {
      %get3A = arith.index_cast %scan3A_1218 : i32 to index
      %get3A_1251 = arith.constant 0 : index
      %get3A_1252 = tpu.vector_load %arg4[%get3A, %get3A_1251] {strides = array<i32>} : memref<200x256xf32, #tpu.memory_space<vmem>>, vector<1x16xf32>,
      %get3A_1253 = vector.shape_cast %get3A_1252 : vector<1x16xf32> to vector<16xf32>
      %add3A_1254 = arith.addf %scan3A_1219, %get3A_1253 : vector<16xf32>
      %mul3A_1255 = arith.mulf %get3A_1253, %get3A_1253 : vector<16xf32>
      %add3A_1256 = arith.addf %scan3A_1235, %mul3A_1255 : vector<16xf32>
      %get3A_1257 = arith.index_cast %scan3A_1218 : i32 to index
      %get3A_1258 = arith.constant 16 : index
      %get3A_1259 = tpu.vector_load %arg4[%get3A_1257, %get3A_1258] {strides = array<i32>} : memref<200x256xf32, #tpu.memory_space<vmem>>, vector<1x16xf32>,
      %get3A_1260 = vector.shape_cast %get3A_1259 : vector<1x16xf32> to vector<16xf32>
      %add3A_1261 = arith.addf %scan3A_1220, %get3A_1260 : vector<16xf32>
      %mul3A_1262 = arith.mulf %get3A_1260, %get3A_1260 : vector<16xf32>
      %add3A_1263 = arith.addf %scan3A_1236, %mul3A_1262 : vector<16xf32>
      %get3A_1264 = arith.index_cast %scan3A_1218 : i32 to index
      %get3A_1265 = arith.constant 32 : index
      %get3A_1266 = tpu.vector_load %arg4[%get3A_1264, %get3A_1265] {strides = array<i32>} : memref<200x256xf32, #tpu.memory_space<vmem>>, vector<1x16xf32>,
      %get3A_1267 = vector.shape_cast %get3A_1266 : vector<1x16xf32> to vector<16xf32>
      %add3A_1268 = arith.addf %scan3A_1221, %get3A_1267 : vector<16xf32>
      %mul3A_1269 = arith.mulf %get3A_1267, %get3A_1267 : vector<16xf32>
      %add3A_1270 = arith.addf %scan3A_1237, %mul3A_1269 : vector<16xf32>
      %get3A_1271 = arith.index_cast %scan3A_1218 : i32 to index
      %get3A_1272 = arith.constant 48 : index
      %get3A_1273 = tpu.vector_load %arg4[%get3A_1271, %get3A_1272] {strides = array<i32>} : memref<200x256xf32, #tpu.memory_space<vmem>>, vector<1x16xf32>,
      %get3A_1274 = vector.shape_cast %get3A_1273 : vector<1x16xf32> to vector<16xf32>
      %add3A_1275 = arith.addf %scan3A_1222, %get3A_1274 : vector<16xf32>
      %mul3A_1276 = arith.mulf %get3A_1274, %get3A_1274 : vector<16xf32>
      %add3A_1277 = arith.addf %scan3A_1238, %mul3A_1276 : vector<16xf32>
      %get3A_1278 = arith.index_cast %scan3A_1218 : i32 to index
      %get3A_1279 = arith.constant 64 : index
      %get3A_1280 = tpu.vector_load %arg4[%get3A_1278, %get3A_1279] {strides = array<i32>} : memref<200x256xf32, #tpu.memory_space<vmem>>, vector<1x16xf32>,
      %get3A_1281 = vector.shape_cast %get3A_1280 : vector<1x16xf32> to vector<16xf32>
      %add3A_1282 = arith.addf %scan3A_1223, %get3A_1281 : vector<16xf32>
      %mul3A_1283 = arith.mulf %get3A_1281, %get3A_1281 : vector<16xf32>
      %add3A_1284 = arith.addf %scan3A_1239, %mul3A_1283 : vector<16xf32>
      %get3A_1285 = arith.index_cast %scan3A_1218 : i32 to index
      %get3A_1286 = arith.constant 80 : index
      %get3A_1287 = tpu.vector_load %arg4[%get3A_1285, %get3A_1286] {strides = array<i32>} : memref<200x256xf32, #tpu.memory_space<vmem>>, vector<1x16xf32>,
      %get3A_1288 = vector.shape_cast %get3A_1287 : vector<1x16xf32> to vector<16xf32>
      %add3A_1289 = arith.addf %scan3A_1224, %get3A_1288 : vector<16xf32>
      %mul3A_1290 = arith.mulf %get3A_1288, %get3A_1288 : vector<16xf32>
      %add3A_1291 = arith.addf %scan3A_1240, %mul3A_1290 : vector<16xf32>
      %get3A_1292 = arith.index_cast %scan3A_1218 : i32 to index
      %get3A_1293 = arith.constant 96 : index
      %get3A_1294 = tpu.vector_load %arg4[%get3A_1292, %get3A_1293] {strides = array<i32>} : memref<200x256xf32, #tpu.memory_space<vmem>>, vector<1x16xf32>,
      %get3A_1295 = vector.shape_cast %get3A_1294 : vector<1x16xf32> to vector<16xf32>
      %add3A_1296 = arith.addf %scan3A_1225, %get3A_1295 : vector<16xf32>
      %mul3A_1297 = arith.mulf %get3A_1295, %get3A_1295 : vector<16xf32>
      %add3A_1298 = arith.addf %scan3A_1241, %mul3A_1297 : vector<16xf32>
      %get3A_1299 = arith.index_cast %scan3A_1218 : i32 to index
      %get3A_1300 = arith.constant 112 : index
      %get3A_1301 = tpu.vector_load %arg4[%get3A_1299, %get3A_1300] {strides = array<i32>} : memref<200x256xf32, #tpu.memory_space<vmem>>, vector<1x16xf32>,
      %get3A_1302 = vector.shape_cast %get3A_1301 : vector<1x16xf32> to vector<16xf32>
      %add3A_1303 = arith.addf %scan3A_1226, %get3A_1302 : vector<16xf32>
      %mul3A_1304 = arith.mulf %get3A_1302, %get3A_1302 : vector<16xf32>
      %add3A_1305 = arith.addf %scan3A_1242, %mul3A_1304 : vector<16xf32>
      %get3A_1306 = arith.index_cast %scan3A_1218 : i32 to index
      %get3A_1307 = arith.constant 128 : index
      %get3A_1308 = tpu.vector_load %arg4[%get3A_1306, %get3A_1307] {strides = array<i32>} : memref<200x256xf32, #tpu.memory_space<vmem>>, vector<1x16xf32>,
      %get3A_1309 = vector.shape_cast %get3A_1308 : vector<1x16xf32> to vector<16xf32>
      %add3A_1310 = arith.addf %scan3A_1227, %get3A_1309 : vector<16xf32>
      %mul3A_1311 = arith.mulf %get3A_1309, %get3A_1309 : vector<16xf32>
      %add3A_1312 = arith.addf %scan3A_1243, %mul3A_1311 : vector<16xf32>
      %get3A_1313 = arith.index_cast %scan3A_1218 : i32 to index
      %get3A_1314 = arith.constant 144 : index
      %get3A_1315 = tpu.vector_load %arg4[%get3A_1313, %get3A_1314] {strides = array<i32>} : memref<200x256xf32, #tpu.memory_space<vmem>>, vector<1x16xf32>,
      %get3A_1316 = vector.shape_cast %get3A_1315 : vector<1x16xf32> to vector<16xf32>
      %add3A_1317 = arith.addf %scan3A_1228, %get3A_1316 : vector<16xf32>
      %mul3A_1318 = arith.mulf %get3A_1316, %get3A_1316 : vector<16xf32>
      %add3A_1319 = arith.addf %scan3A_1244, %mul3A_1318 : vector<16xf32>
      %get3A_1320 = arith.index_cast %scan3A_1218 : i32 to index
      %get3A_1321 = arith.constant 160 : index
      %get3A_1322 = tpu.vector_load %arg4[%get3A_1320, %get3A_1321] {strides = array<i32>} : memref<200x256xf32, #tpu.memory_space<vmem>>, vector<1x16xf32>,
      %get3A_1323 = vector.shape_cast %get3A_1322 : vector<1x16xf32> to vector<16xf32>
      %add3A_1324 = arith.addf %scan3A_1229, %get3A_1323 : vector<16xf32>
      %mul3A_1325 = arith.mulf %get3A_1323, %get3A_1323 : vector<16xf32>
      %add3A_1326 = arith.addf %scan3A_1245, %mul3A_1325 : vector<16xf32>
      %get3A_1327 = arith.index_cast %scan3A_1218 : i32 to index
      %get3A_1328 = arith.constant 176 : index
      %get3A_1329 = tpu.vector_load %arg4[%get3A_1327, %get3A_1328] {strides = array<i32>} : memref<200x256xf32, #tpu.memory_space<vmem>>, vector<1x16xf32>,
      %get3A_1330 = vector.shape_cast %get3A_1329 : vector<1x16xf32> to vector<16xf32>
      %add3A_1331 = arith.addf %scan3A_1230, %get3A_1330 : vector<16xf32>
      %mul3A_1332 = arith.mulf %get3A_1330, %get3A_1330 : vector<16xf32>
      %add3A_1333 = arith.addf %scan3A_1246, %mul3A_1332 : vector<16xf32>
      %get3A_1334 = arith.index_cast %scan3A_1218 : i32 to index
      %get3A_1335 = arith.constant 192 : index
      %get3A_1336 = tpu.vector_load %arg4[%get3A_1334, %get3A_1335] {strides = array<i32>} : memref<200x256xf32, #tpu.memory_space<vmem>>, vector<1x16xf32>,
      %get3A_1337 = vector.shape_cast %get3A_1336 : vector<1x16xf32> to vector<16xf32>
      %add3A_1338 = arith.addf %scan3A_1231, %get3A_1337 : vector<16xf32>
      %mul3A_1339 = arith.mulf %get3A_1337, %get3A_1337 : vector<16xf32>
      %add3A_1340 = arith.addf %scan3A_1247, %mul3A_1339 : vector<16xf32>
      %get3A_1341 = arith.index_cast %scan3A_1218 : i32 to index
      %get3A_1342 = arith.constant 208 : index
      %get3A_1343 = tpu.vector_load %arg4[%get3A_1341, %get3A_1342] {strides = array<i32>} : memref<200x256xf32, #tpu.memory_space<vmem>>, vector<1x16xf32>,
      %get3A_1344 = vector.shape_cast %get3A_1343 : vector<1x16xf32> to vector<16xf32>
      %add3A_1345 = arith.addf %scan3A_1232, %get3A_1344 : vector<16xf32>
      %mul3A_1346 = arith.mulf %get3A_1344, %get3A_1344 : vector<16xf32>
      %add3A_1347 = arith.addf %scan3A_1248, %mul3A_1346 : vector<16xf32>
      %get3A_1348 = arith.index_cast %scan3A_1218 : i32 to index
      %get3A_1349 = arith.constant 224 : index
      %get3A_1350 = tpu.vector_load %arg4[%get3A_1348, %get3A_1349] {strides = array<i32>} : memref<200x256xf32, #tpu.memory_space<vmem>>, vector<1x16xf32>,
      %get3A_1351 = vector.shape_cast %get3A_1350 : vector<1x16xf32> to vector<16xf32>
      %add3A_1352 = arith.addf %scan3A_1233, %get3A_1351 : vector<16xf32>
      %mul3A_1353 = arith.mulf %get3A_1351, %get3A_1351 : vector<16xf32>
      %add3A_1354 = arith.addf %scan3A_1249, %mul3A_1353 : vector<16xf32>
      %get3A_1355 = arith.index_cast %scan3A_1218 : i32 to index
      %get3A_1356 = arith.constant 240 : index
      %get3A_1357 = tpu.vector_load %arg4[%get3A_1355, %get3A_1356] {strides = array<i32>} : memref<200x256xf32, #tpu.memory_space<vmem>>, vector<1x16xf32>,
      %get3A_1358 = vector.shape_cast %get3A_1357 : vector<1x16xf32> to vector<16xf32>
      %add3A_1359 = arith.addf %scan3A_1234, %get3A_1358 : vector<16xf32>
      %mul3A_1360 = arith.mulf %get3A_1358, %get3A_1358 : vector<16xf32>
      %add3A_1361 = arith.addf %scan3A_1250, %mul3A_1360 : vector<16xf32>
      scf.yield %add3A_1254, %add3A_1261, %add3A_1268, %add3A_1275, %add3A_1282, %add3A_1289, %add3A_1296, %add3A_1303, %add3A_1310, %add3A_1317, %add3A_1324, %add3A_1331, %add3A_1338, %add3A_1345, %add3A_1352, %add3A_1359, %add3A_1256, %add3A_1263, %add3A_1270, %add3A_1277, %add3A_1284, %add3A_1291, %add3A_1298, %add3A_1305, %add3A_1312, %add3A_1319, %add3A_1326, %add3A_1333, %add3A_1340, %add3A_1347, %add3A_1354, %add3A_1361 : vector<16xf32>, vector<16xf32>, vector<16xf32>, vector<16xf32>, vector<16xf32>, vector<16xf32>, vector<16xf32>, vector<16xf32>, vector<16xf32>, vector<16xf32>, vector<16xf32>, vector<16xf32>, vector<16xf32>, vector<16xf32>, vector<16xf32>, vector<16xf32>, vector<16xf32>, vector<16xf32>, vector<16xf32>, vector<16xf32>, vector<16xf32>, vector<16xf32>, vector<16xf32>, vector<16xf32>, vector<16xf32>, vector<16xf32>, vector<16xf32>, vector<16xf32>, vector<16xf32>, vector<16xf32>, vector<16xf32>, vector<16xf32>
    }
    %scan3A_804 = arith.constant 200 : i32
    %add3A_805 = arith.constant 192 : i32
    %add3A_806 = arith.addi %add3A, %add3A_805 : i32
    %lt3A_807 = arith.constant 250 : i32
    %lt3A_808 = arith.cmpi slt, %add3A_806, %lt3A_807 : i32
    %convert_element_type3A_809 = arith.extui %lt3A_808 : i1 to i32
    %convert_element_type3A_810 = arith.sitofp %convert_element_type3A_809 : i32 to f32
    %broadcast_in_dim3A_811 = vector.broadcast %convert_element_type3A_810 : f32 to vector<16xf32>
    %sub3A_812 = arith.subf %scan3A_803#0, %add3A_685 : vector<16xf32>
    %mul3A_813 = arith.mulf %broadcast_in_dim3A_811, %sub3A_812 : vector<16xf32>
    %add3A_814 = arith.addf %add3A_685, %mul3A_813 : vector<16xf32>
    %sub3A_815 = arith.subf %scan3A_803#1, %add3A_688 : vector<16xf32>
    %mul3A_816 = arith.mulf %broadcast_in_dim3A_811, %sub3A_815 : vector<16xf32>
    %add3A_817 = arith.addf %add3A_688, %mul3A_816 : vector<16xf32>
    %sub3A_818 = arith.subf %scan3A_803#2, %add3A_691 : vector<16xf32>
    %mul3A_819 = arith.mulf %broadcast_in_dim3A_811, %sub3A_818 : vector<16xf32>
    %add3A_820 = arith.addf %add3A_691, %mul3A_819 : vector<16xf32>
    %sub3A_821 = arith.subf %scan3A_803#3, %add3A_694 : vector<16xf32>
    %mul3A_822 = arith.mulf %broadcast_in_dim3A_811, %sub3A_821 : vector<16xf32>
    %add3A_823 = arith.addf %add3A_694, %mul3A_822 : vector<16xf32>
    %sub3A_824 = arith.subf %scan3A_803#4, %add3A_697 : vector<16xf32>
    %mul3A_825 = arith.mulf %broadcast_in_dim3A_811, %sub3A_824 : vector<16xf32>
    %add3A_826 = arith.addf %add3A_697, %mul3A_825 : vector<16xf32>
    %sub3A_827 = arith.subf %scan3A_803#5, %add3A_700 : vector<16xf32>
    %mul3A_828 = arith.mulf %broadcast_in_dim3A_811, %sub3A_827 : vector<16xf32>
    %add3A_829 = arith.addf %add3A_700, %mul3A_828 : vector<16xf32>
    %sub3A_830 = arith.subf %scan3A_803#6, %add3A_703 : vector<16xf32>
    %mul3A_831 = arith.mulf %broadcast_in_dim3A_811, %sub3A_830 : vector<16xf32>
    %add3A_832 = arith.addf %add3A_703, %mul3A_831 : vector<16xf32>
    %sub3A_833 = arith.subf %scan3A_803#7, %add3A_706 : vector<16xf32>
    %mul3A_834 = arith.mulf %broadcast_in_dim3A_811, %sub3A_833 : vector<16xf32>
    %add3A_835 = arith.addf %add3A_706, %mul3A_834 : vector<16xf32>
    %sub3A_836 = arith.subf %scan3A_803#8, %add3A_709 : vector<16xf32>
    %mul3A_837 = arith.mulf %broadcast_in_dim3A_811, %sub3A_836 : vector<16xf32>
    %add3A_838 = arith.addf %add3A_709, %mul3A_837 : vector<16xf32>
    %sub3A_839 = arith.subf %scan3A_803#9, %add3A_712 : vector<16xf32>
    %mul3A_840 = arith.mulf %broadcast_in_dim3A_811, %sub3A_839 : vector<16xf32>
    %add3A_841 = arith.addf %add3A_712, %mul3A_840 : vector<16xf32>
    %sub3A_842 = arith.subf %scan3A_803#10, %add3A_715 : vector<16xf32>
    %mul3A_843 = arith.mulf %broadcast_in_dim3A_811, %sub3A_842 : vector<16xf32>
    %add3A_844 = arith.addf %add3A_715, %mul3A_843 : vector<16xf32>
    %sub3A_845 = arith.subf %scan3A_803#11, %add3A_718 : vector<16xf32>
    %mul3A_846 = arith.mulf %broadcast_in_dim3A_811, %sub3A_845 : vector<16xf32>
    %add3A_847 = arith.addf %add3A_718, %mul3A_846 : vector<16xf32>
    %sub3A_848 = arith.subf %scan3A_803#12, %add3A_721 : vector<16xf32>
    %mul3A_849 = arith.mulf %broadcast_in_dim3A_811, %sub3A_848 : vector<16xf32>
    %add3A_850 = arith.addf %add3A_721, %mul3A_849 : vector<16xf32>
    %sub3A_851 = arith.subf %scan3A_803#13, %add3A_724 : vector<16xf32>
    %mul3A_852 = arith.mulf %broadcast_in_dim3A_811, %sub3A_851 : vector<16xf32>
    %add3A_853 = arith.addf %add3A_724, %mul3A_852 : vector<16xf32>
    %sub3A_854 = arith.subf %scan3A_803#14, %add3A_727 : vector<16xf32>
    %mul3A_855 = arith.mulf %broadcast_in_dim3A_811, %sub3A_854 : vector<16xf32>
    %add3A_856 = arith.addf %add3A_727, %mul3A_855 : vector<16xf32>
    %sub3A_857 = arith.subf %scan3A_803#15, %add3A_730 : vector<16xf32>
    %mul3A_858 = arith.mulf %broadcast_in_dim3A_811, %sub3A_857 : vector<16xf32>
    %add3A_859 = arith.addf %add3A_730, %mul3A_858 : vector<16xf32>
    %sub3A_860 = arith.subf %scan3A_803#16, %add3A_733 : vector<16xf32>
    %mul3A_861 = arith.mulf %broadcast_in_dim3A_811, %sub3A_860 : vector<16xf32>
    %add3A_862 = arith.addf %add3A_733, %mul3A_861 : vector<16xf32>
    %sub3A_863 = arith.subf %scan3A_803#17, %add3A_736 : vector<16xf32>
    %mul3A_864 = arith.mulf %broadcast_in_dim3A_811, %sub3A_863 : vector<16xf32>
    %add3A_865 = arith.addf %add3A_736, %mul3A_864 : vector<16xf32>
    %sub3A_866 = arith.subf %scan3A_803#18, %add3A_739 : vector<16xf32>
    %mul3A_867 = arith.mulf %broadcast_in_dim3A_811, %sub3A_866 : vector<16xf32>
    %add3A_868 = arith.addf %add3A_739, %mul3A_867 : vector<16xf32>
    %sub3A_869 = arith.subf %scan3A_803#19, %add3A_742 : vector<16xf32>
    %mul3A_870 = arith.mulf %broadcast_in_dim3A_811, %sub3A_869 : vector<16xf32>
    %add3A_871 = arith.addf %add3A_742, %mul3A_870 : vector<16xf32>
    %sub3A_872 = arith.subf %scan3A_803#20, %add3A_745 : vector<16xf32>
    %mul3A_873 = arith.mulf %broadcast_in_dim3A_811, %sub3A_872 : vector<16xf32>
    %add3A_874 = arith.addf %add3A_745, %mul3A_873 : vector<16xf32>
    %sub3A_875 = arith.subf %scan3A_803#21, %add3A_748 : vector<16xf32>
    %mul3A_876 = arith.mulf %broadcast_in_dim3A_811, %sub3A_875 : vector<16xf32>
    %add3A_877 = arith.addf %add3A_748, %mul3A_876 : vector<16xf32>
    %sub3A_878 = arith.subf %scan3A_803#22, %add3A_751 : vector<16xf32>
    %mul3A_879 = arith.mulf %broadcast_in_dim3A_811, %sub3A_878 : vector<16xf32>
    %add3A_880 = arith.addf %add3A_751, %mul3A_879 : vector<16xf32>
    %sub3A_881 = arith.subf %scan3A_803#23, %add3A_754 : vector<16xf32>
    %mul3A_882 = arith.mulf %broadcast_in_dim3A_811, %sub3A_881 : vector<16xf32>
    %add3A_883 = arith.addf %add3A_754, %mul3A_882 : vector<16xf32>
    %sub3A_884 = arith.subf %scan3A_803#24, %add3A_757 : vector<16xf32>
    %mul3A_885 = arith.mulf %broadcast_in_dim3A_811, %sub3A_884 : vector<16xf32>
    %add3A_886 = arith.addf %add3A_757, %mul3A_885 : vector<16xf32>
    %sub3A_887 = arith.subf %scan3A_803#25, %add3A_760 : vector<16xf32>
    %mul3A_888 = arith.mulf %broadcast_in_dim3A_811, %sub3A_887 : vector<16xf32>
    %add3A_889 = arith.addf %add3A_760, %mul3A_888 : vector<16xf32>
    %sub3A_890 = arith.subf %scan3A_803#26, %add3A_763 : vector<16xf32>
    %mul3A_891 = arith.mulf %broadcast_in_dim3A_811, %sub3A_890 : vector<16xf32>
    %add3A_892 = arith.addf %add3A_763, %mul3A_891 : vector<16xf32>
    %sub3A_893 = arith.subf %scan3A_803#27, %add3A_766 : vector<16xf32>
    %mul3A_894 = arith.mulf %broadcast_in_dim3A_811, %sub3A_893 : vector<16xf32>
    %add3A_895 = arith.addf %add3A_766, %mul3A_894 : vector<16xf32>
    %sub3A_896 = arith.subf %scan3A_803#28, %add3A_769 : vector<16xf32>
    %mul3A_897 = arith.mulf %broadcast_in_dim3A_811, %sub3A_896 : vector<16xf32>
    %add3A_898 = arith.addf %add3A_769, %mul3A_897 : vector<16xf32>
    %sub3A_899 = arith.subf %scan3A_803#29, %add3A_772 : vector<16xf32>
    %mul3A_900 = arith.mulf %broadcast_in_dim3A_811, %sub3A_899 : vector<16xf32>
    %add3A_901 = arith.addf %add3A_772, %mul3A_900 : vector<16xf32>
    %sub3A_902 = arith.subf %scan3A_803#30, %add3A_775 : vector<16xf32>
    %mul3A_903 = arith.mulf %broadcast_in_dim3A_811, %sub3A_902 : vector<16xf32>
    %add3A_904 = arith.addf %add3A_775, %mul3A_903 : vector<16xf32>
    %sub3A_905 = arith.subf %scan3A_803#31, %add3A_778 : vector<16xf32>
    %mul3A_906 = arith.mulf %broadcast_in_dim3A_811, %sub3A_905 : vector<16xf32>
    %add3A_907 = arith.addf %add3A_778, %mul3A_906 : vector<16xf32>
    %add3A_908 = arith.constant 224 : i32
    %add3A_909 = arith.addi %add3A, %add3A_908 : i32
    %min3A_910 = arith.constant 249 : i32
    %min3A_911 = arith.minsi %add3A_909, %min3A_910 : i32
    %mul3A_912 = arith.constant 200 : i32
    %mul3A_913 = arith.muli %min3A_911, %mul3A_912 : i32
    %dma_wait3A_914 = arith.constant 0 : i32
    %dma_wait3A_915 = tpu.memref_slice %arg2[%mul3A_913, %dma_wait3A_914] : memref<50000x256xf32, #tpu.memory_space<hbm>> -> memref<200x256xf32, #tpu.memory_space<hbm>>
    %dma_wait3A_916 = arith.constant 0 : i32
    %dma_wait3A_917 = tpu.memref_slice %arg2[%mul3A_913, %dma_wait3A_916] : memref<50000x256xf32, #tpu.memory_space<hbm>> -> memref<200x256xf32, #tpu.memory_space<hbm>>
    tpu.wait_dma2 semaphore(%arg8 : memref<!tpu.dma_semaphore, #tpu.memory_space<semaphore_mem>>) src(%dma_wait3A_917 : memref<200x256xf32, #tpu.memory_space<hbm>>) dst(%arg5 : memref<200x256xf32, #tpu.memory_space<vmem>>)
    %scan3A_918 = arith.constant 0 : i32
    %scan3A_919 = arith.constant 200 : i32
    %scan3A_920 = arith.addi %scan3A_918, %scan3A_919 : i32
    %scan3A_921 = arith.constant 1 : i32
    %scan3A_922:32 = scf.for %scan3A_1218 = %scan3A_918 to %scan3A_920 step %scan3A_921 iter_args(%scan3A_1219 = %add3A_814, %scan3A_1220 = %add3A_817, %scan3A_1221 = %add3A_820, %scan3A_1222 = %add3A_823, %scan3A_1223 = %add3A_826, %scan3A_1224 = %add3A_829, %scan3A_1225 = %add3A_832, %scan3A_1226 = %add3A_835, %scan3A_1227 = %add3A_838, %scan3A_1228 = %add3A_841, %scan3A_1229 = %add3A_844, %scan3A_1230 = %add3A_847, %scan3A_1231 = %add3A_850, %scan3A_1232 = %add3A_853, %scan3A_1233 = %add3A_856, %scan3A_1234 = %add3A_859, %scan3A_1235 = %add3A_862, %scan3A_1236 = %add3A_865, %scan3A_1237 = %add3A_868, %scan3A_1238 = %add3A_871, %scan3A_1239 = %add3A_874, %scan3A_1240 = %add3A_877, %scan3A_1241 = %add3A_880, %scan3A_1242 = %add3A_883, %scan3A_1243 = %add3A_886, %scan3A_1244 = %add3A_889, %scan3A_1245 = %add3A_892, %scan3A_1246 = %add3A_895, %scan3A_1247 = %add3A_898, %scan3A_1248 = %add3A_901, %scan3A_1249 = %add3A_904, %scan3A_1250 = %add3A_907) -> (vector<16xf32>, vector<16xf32>, vector<16xf32>, vector<16xf32>, vector<16xf32>, vector<16xf32>, vector<16xf32>, vector<16xf32>, vector<16xf32>, vector<16xf32>, vector<16xf32>, vector<16xf32>, vector<16xf32>, vector<16xf32>, vector<16xf32>, vector<16xf32>, vector<16xf32>, vector<16xf32>, vector<16xf32>, vector<16xf32>, vector<16xf32>, vector<16xf32>, vector<16xf32>, vector<16xf32>, vector<16xf32>, vector<16xf32>, vector<16xf32>, vector<16xf32>, vector<16xf32>, vector<16xf32>, vector<16xf32>, vector<16xf32>)  : i32 {
      %get3A = arith.index_cast %scan3A_1218 : i32 to index
      %get3A_1251 = arith.constant 0 : index
      %get3A_1252 = tpu.vector_load %arg5[%get3A, %get3A_1251] {strides = array<i32>} : memref<200x256xf32, #tpu.memory_space<vmem>>, vector<1x16xf32>,
      %get3A_1253 = vector.shape_cast %get3A_1252 : vector<1x16xf32> to vector<16xf32>
      %add3A_1254 = arith.addf %scan3A_1219, %get3A_1253 : vector<16xf32>
      %mul3A_1255 = arith.mulf %get3A_1253, %get3A_1253 : vector<16xf32>
      %add3A_1256 = arith.addf %scan3A_1235, %mul3A_1255 : vector<16xf32>
      %get3A_1257 = arith.index_cast %scan3A_1218 : i32 to index
      %get3A_1258 = arith.constant 16 : index
      %get3A_1259 = tpu.vector_load %arg5[%get3A_1257, %get3A_1258] {strides = array<i32>} : memref<200x256xf32, #tpu.memory_space<vmem>>, vector<1x16xf32>,
      %get3A_1260 = vector.shape_cast %get3A_1259 : vector<1x16xf32> to vector<16xf32>
      %add3A_1261 = arith.addf %scan3A_1220, %get3A_1260 : vector<16xf32>
      %mul3A_1262 = arith.mulf %get3A_1260, %get3A_1260 : vector<16xf32>
      %add3A_1263 = arith.addf %scan3A_1236, %mul3A_1262 : vector<16xf32>
      %get3A_1264 = arith.index_cast %scan3A_1218 : i32 to index
      %get3A_1265 = arith.constant 32 : index
      %get3A_1266 = tpu.vector_load %arg5[%get3A_1264, %get3A_1265] {strides = array<i32>} : memref<200x256xf32, #tpu.memory_space<vmem>>, vector<1x16xf32>,
      %get3A_1267 = vector.shape_cast %get3A_1266 : vector<1x16xf32> to vector<16xf32>
      %add3A_1268 = arith.addf %scan3A_1221, %get3A_1267 : vector<16xf32>
      %mul3A_1269 = arith.mulf %get3A_1267, %get3A_1267 : vector<16xf32>
      %add3A_1270 = arith.addf %scan3A_1237, %mul3A_1269 : vector<16xf32>
      %get3A_1271 = arith.index_cast %scan3A_1218 : i32 to index
      %get3A_1272 = arith.constant 48 : index
      %get3A_1273 = tpu.vector_load %arg5[%get3A_1271, %get3A_1272] {strides = array<i32>} : memref<200x256xf32, #tpu.memory_space<vmem>>, vector<1x16xf32>,
      %get3A_1274 = vector.shape_cast %get3A_1273 : vector<1x16xf32> to vector<16xf32>
      %add3A_1275 = arith.addf %scan3A_1222, %get3A_1274 : vector<16xf32>
      %mul3A_1276 = arith.mulf %get3A_1274, %get3A_1274 : vector<16xf32>
      %add3A_1277 = arith.addf %scan3A_1238, %mul3A_1276 : vector<16xf32>
      %get3A_1278 = arith.index_cast %scan3A_1218 : i32 to index
      %get3A_1279 = arith.constant 64 : index
      %get3A_1280 = tpu.vector_load %arg5[%get3A_1278, %get3A_1279] {strides = array<i32>} : memref<200x256xf32, #tpu.memory_space<vmem>>, vector<1x16xf32>,
      %get3A_1281 = vector.shape_cast %get3A_1280 : vector<1x16xf32> to vector<16xf32>
      %add3A_1282 = arith.addf %scan3A_1223, %get3A_1281 : vector<16xf32>
      %mul3A_1283 = arith.mulf %get3A_1281, %get3A_1281 : vector<16xf32>
      %add3A_1284 = arith.addf %scan3A_1239, %mul3A_1283 : vector<16xf32>
      %get3A_1285 = arith.index_cast %scan3A_1218 : i32 to index
      %get3A_1286 = arith.constant 80 : index
      %get3A_1287 = tpu.vector_load %arg5[%get3A_1285, %get3A_1286] {strides = array<i32>} : memref<200x256xf32, #tpu.memory_space<vmem>>, vector<1x16xf32>,
      %get3A_1288 = vector.shape_cast %get3A_1287 : vector<1x16xf32> to vector<16xf32>
      %add3A_1289 = arith.addf %scan3A_1224, %get3A_1288 : vector<16xf32>
      %mul3A_1290 = arith.mulf %get3A_1288, %get3A_1288 : vector<16xf32>
      %add3A_1291 = arith.addf %scan3A_1240, %mul3A_1290 : vector<16xf32>
      %get3A_1292 = arith.index_cast %scan3A_1218 : i32 to index
      %get3A_1293 = arith.constant 96 : index
      %get3A_1294 = tpu.vector_load %arg5[%get3A_1292, %get3A_1293] {strides = array<i32>} : memref<200x256xf32, #tpu.memory_space<vmem>>, vector<1x16xf32>,
      %get3A_1295 = vector.shape_cast %get3A_1294 : vector<1x16xf32> to vector<16xf32>
      %add3A_1296 = arith.addf %scan3A_1225, %get3A_1295 : vector<16xf32>
      %mul3A_1297 = arith.mulf %get3A_1295, %get3A_1295 : vector<16xf32>
      %add3A_1298 = arith.addf %scan3A_1241, %mul3A_1297 : vector<16xf32>
      %get3A_1299 = arith.index_cast %scan3A_1218 : i32 to index
      %get3A_1300 = arith.constant 112 : index
      %get3A_1301 = tpu.vector_load %arg5[%get3A_1299, %get3A_1300] {strides = array<i32>} : memref<200x256xf32, #tpu.memory_space<vmem>>, vector<1x16xf32>,
      %get3A_1302 = vector.shape_cast %get3A_1301 : vector<1x16xf32> to vector<16xf32>
      %add3A_1303 = arith.addf %scan3A_1226, %get3A_1302 : vector<16xf32>
      %mul3A_1304 = arith.mulf %get3A_1302, %get3A_1302 : vector<16xf32>
      %add3A_1305 = arith.addf %scan3A_1242, %mul3A_1304 : vector<16xf32>
      %get3A_1306 = arith.index_cast %scan3A_1218 : i32 to index
      %get3A_1307 = arith.constant 128 : index
      %get3A_1308 = tpu.vector_load %arg5[%get3A_1306, %get3A_1307] {strides = array<i32>} : memref<200x256xf32, #tpu.memory_space<vmem>>, vector<1x16xf32>,
      %get3A_1309 = vector.shape_cast %get3A_1308 : vector<1x16xf32> to vector<16xf32>
      %add3A_1310 = arith.addf %scan3A_1227, %get3A_1309 : vector<16xf32>
      %mul3A_1311 = arith.mulf %get3A_1309, %get3A_1309 : vector<16xf32>
      %add3A_1312 = arith.addf %scan3A_1243, %mul3A_1311 : vector<16xf32>
      %get3A_1313 = arith.index_cast %scan3A_1218 : i32 to index
      %get3A_1314 = arith.constant 144 : index
      %get3A_1315 = tpu.vector_load %arg5[%get3A_1313, %get3A_1314] {strides = array<i32>} : memref<200x256xf32, #tpu.memory_space<vmem>>, vector<1x16xf32>,
      %get3A_1316 = vector.shape_cast %get3A_1315 : vector<1x16xf32> to vector<16xf32>
      %add3A_1317 = arith.addf %scan3A_1228, %get3A_1316 : vector<16xf32>
      %mul3A_1318 = arith.mulf %get3A_1316, %get3A_1316 : vector<16xf32>
      %add3A_1319 = arith.addf %scan3A_1244, %mul3A_1318 : vector<16xf32>
      %get3A_1320 = arith.index_cast %scan3A_1218 : i32 to index
      %get3A_1321 = arith.constant 160 : index
      %get3A_1322 = tpu.vector_load %arg5[%get3A_1320, %get3A_1321] {strides = array<i32>} : memref<200x256xf32, #tpu.memory_space<vmem>>, vector<1x16xf32>,
      %get3A_1323 = vector.shape_cast %get3A_1322 : vector<1x16xf32> to vector<16xf32>
      %add3A_1324 = arith.addf %scan3A_1229, %get3A_1323 : vector<16xf32>
      %mul3A_1325 = arith.mulf %get3A_1323, %get3A_1323 : vector<16xf32>
      %add3A_1326 = arith.addf %scan3A_1245, %mul3A_1325 : vector<16xf32>
      %get3A_1327 = arith.index_cast %scan3A_1218 : i32 to index
      %get3A_1328 = arith.constant 176 : index
      %get3A_1329 = tpu.vector_load %arg5[%get3A_1327, %get3A_1328] {strides = array<i32>} : memref<200x256xf32, #tpu.memory_space<vmem>>, vector<1x16xf32>,
      %get3A_1330 = vector.shape_cast %get3A_1329 : vector<1x16xf32> to vector<16xf32>
      %add3A_1331 = arith.addf %scan3A_1230, %get3A_1330 : vector<16xf32>
      %mul3A_1332 = arith.mulf %get3A_1330, %get3A_1330 : vector<16xf32>
      %add3A_1333 = arith.addf %scan3A_1246, %mul3A_1332 : vector<16xf32>
      %get3A_1334 = arith.index_cast %scan3A_1218 : i32 to index
      %get3A_1335 = arith.constant 192 : index
      %get3A_1336 = tpu.vector_load %arg5[%get3A_1334, %get3A_1335] {strides = array<i32>} : memref<200x256xf32, #tpu.memory_space<vmem>>, vector<1x16xf32>,
      %get3A_1337 = vector.shape_cast %get3A_1336 : vector<1x16xf32> to vector<16xf32>
      %add3A_1338 = arith.addf %scan3A_1231, %get3A_1337 : vector<16xf32>
      %mul3A_1339 = arith.mulf %get3A_1337, %get3A_1337 : vector<16xf32>
      %add3A_1340 = arith.addf %scan3A_1247, %mul3A_1339 : vector<16xf32>
      %get3A_1341 = arith.index_cast %scan3A_1218 : i32 to index
      %get3A_1342 = arith.constant 208 : index
      %get3A_1343 = tpu.vector_load %arg5[%get3A_1341, %get3A_1342] {strides = array<i32>} : memref<200x256xf32, #tpu.memory_space<vmem>>, vector<1x16xf32>,
      %get3A_1344 = vector.shape_cast %get3A_1343 : vector<1x16xf32> to vector<16xf32>
      %add3A_1345 = arith.addf %scan3A_1232, %get3A_1344 : vector<16xf32>
      %mul3A_1346 = arith.mulf %get3A_1344, %get3A_1344 : vector<16xf32>
      %add3A_1347 = arith.addf %scan3A_1248, %mul3A_1346 : vector<16xf32>
      %get3A_1348 = arith.index_cast %scan3A_1218 : i32 to index
      %get3A_1349 = arith.constant 224 : index
      %get3A_1350 = tpu.vector_load %arg5[%get3A_1348, %get3A_1349] {strides = array<i32>} : memref<200x256xf32, #tpu.memory_space<vmem>>, vector<1x16xf32>,
      %get3A_1351 = vector.shape_cast %get3A_1350 : vector<1x16xf32> to vector<16xf32>
      %add3A_1352 = arith.addf %scan3A_1233, %get3A_1351 : vector<16xf32>
      %mul3A_1353 = arith.mulf %get3A_1351, %get3A_1351 : vector<16xf32>
      %add3A_1354 = arith.addf %scan3A_1249, %mul3A_1353 : vector<16xf32>
      %get3A_1355 = arith.index_cast %scan3A_1218 : i32 to index
      %get3A_1356 = arith.constant 240 : index
      %get3A_1357 = tpu.vector_load %arg5[%get3A_1355, %get3A_1356] {strides = array<i32>} : memref<200x256xf32, #tpu.memory_space<vmem>>, vector<1x16xf32>,
      %get3A_1358 = vector.shape_cast %get3A_1357 : vector<1x16xf32> to vector<16xf32>
      %add3A_1359 = arith.addf %scan3A_1234, %get3A_1358 : vector<16xf32>
      %mul3A_1360 = arith.mulf %get3A_1358, %get3A_1358 : vector<16xf32>
      %add3A_1361 = arith.addf %scan3A_1250, %mul3A_1360 : vector<16xf32>
      scf.yield %add3A_1254, %add3A_1261, %add3A_1268, %add3A_1275, %add3A_1282, %add3A_1289, %add3A_1296, %add3A_1303, %add3A_1310, %add3A_1317, %add3A_1324, %add3A_1331, %add3A_1338, %add3A_1345, %add3A_1352, %add3A_1359, %add3A_1256, %add3A_1263, %add3A_1270, %add3A_1277, %add3A_1284, %add3A_1291, %add3A_1298, %add3A_1305, %add3A_1312, %add3A_1319, %add3A_1326, %add3A_1333, %add3A_1340, %add3A_1347, %add3A_1354, %add3A_1361 : vector<16xf32>, vector<16xf32>, vector<16xf32>, vector<16xf32>, vector<16xf32>, vector<16xf32>, vector<16xf32>, vector<16xf32>, vector<16xf32>, vector<16xf32>, vector<16xf32>, vector<16xf32>, vector<16xf32>, vector<16xf32>, vector<16xf32>, vector<16xf32>, vector<16xf32>, vector<16xf32>, vector<16xf32>, vector<16xf32>, vector<16xf32>, vector<16xf32>, vector<16xf32>, vector<16xf32>, vector<16xf32>, vector<16xf32>, vector<16xf32>, vector<16xf32>, vector<16xf32>, vector<16xf32>, vector<16xf32>, vector<16xf32>
    }
    %scan3A_923 = arith.constant 200 : i32
    %add3A_924 = arith.constant 224 : i32
    %add3A_925 = arith.addi %add3A, %add3A_924 : i32
    %lt3A_926 = arith.constant 250 : i32
    %lt3A_927 = arith.cmpi slt, %add3A_925, %lt3A_926 : i32
    %convert_element_type3A_928 = arith.extui %lt3A_927 : i1 to i32
    %convert_element_type3A_929 = arith.sitofp %convert_element_type3A_928 : i32 to f32
    %broadcast_in_dim3A_930 = vector.broadcast %convert_element_type3A_929 : f32 to vector<16xf32>
    %sub3A_931 = arith.subf %scan3A_922#0, %add3A_814 : vector<16xf32>
    %mul3A_932 = arith.mulf %broadcast_in_dim3A_930, %sub3A_931 : vector<16xf32>
    %add3A_933 = arith.addf %add3A_814, %mul3A_932 : vector<16xf32>
    %sub3A_934 = arith.subf %scan3A_922#1, %add3A_817 : vector<16xf32>
    %mul3A_935 = arith.mulf %broadcast_in_dim3A_930, %sub3A_934 : vector<16xf32>
    %add3A_936 = arith.addf %add3A_817, %mul3A_935 : vector<16xf32>
    %sub3A_937 = arith.subf %scan3A_922#2, %add3A_820 : vector<16xf32>
    %mul3A_938 = arith.mulf %broadcast_in_dim3A_930, %sub3A_937 : vector<16xf32>
    %add3A_939 = arith.addf %add3A_820, %mul3A_938 : vector<16xf32>
    %sub3A_940 = arith.subf %scan3A_922#3, %add3A_823 : vector<16xf32>
    %mul3A_941 = arith.mulf %broadcast_in_dim3A_930, %sub3A_940 : vector<16xf32>
    %add3A_942 = arith.addf %add3A_823, %mul3A_941 : vector<16xf32>
    %sub3A_943 = arith.subf %scan3A_922#4, %add3A_826 : vector<16xf32>
    %mul3A_944 = arith.mulf %broadcast_in_dim3A_930, %sub3A_943 : vector<16xf32>
    %add3A_945 = arith.addf %add3A_826, %mul3A_944 : vector<16xf32>
    %sub3A_946 = arith.subf %scan3A_922#5, %add3A_829 : vector<16xf32>
    %mul3A_947 = arith.mulf %broadcast_in_dim3A_930, %sub3A_946 : vector<16xf32>
    %add3A_948 = arith.addf %add3A_829, %mul3A_947 : vector<16xf32>
    %sub3A_949 = arith.subf %scan3A_922#6, %add3A_832 : vector<16xf32>
    %mul3A_950 = arith.mulf %broadcast_in_dim3A_930, %sub3A_949 : vector<16xf32>
    %add3A_951 = arith.addf %add3A_832, %mul3A_950 : vector<16xf32>
    %sub3A_952 = arith.subf %scan3A_922#7, %add3A_835 : vector<16xf32>
    %mul3A_953 = arith.mulf %broadcast_in_dim3A_930, %sub3A_952 : vector<16xf32>
    %add3A_954 = arith.addf %add3A_835, %mul3A_953 : vector<16xf32>
    %sub3A_955 = arith.subf %scan3A_922#8, %add3A_838 : vector<16xf32>
    %mul3A_956 = arith.mulf %broadcast_in_dim3A_930, %sub3A_955 : vector<16xf32>
    %add3A_957 = arith.addf %add3A_838, %mul3A_956 : vector<16xf32>
    %sub3A_958 = arith.subf %scan3A_922#9, %add3A_841 : vector<16xf32>
    %mul3A_959 = arith.mulf %broadcast_in_dim3A_930, %sub3A_958 : vector<16xf32>
    %add3A_960 = arith.addf %add3A_841, %mul3A_959 : vector<16xf32>
    %sub3A_961 = arith.subf %scan3A_922#10, %add3A_844 : vector<16xf32>
    %mul3A_962 = arith.mulf %broadcast_in_dim3A_930, %sub3A_961 : vector<16xf32>
    %add3A_963 = arith.addf %add3A_844, %mul3A_962 : vector<16xf32>
    %sub3A_964 = arith.subf %scan3A_922#11, %add3A_847 : vector<16xf32>
    %mul3A_965 = arith.mulf %broadcast_in_dim3A_930, %sub3A_964 : vector<16xf32>
    %add3A_966 = arith.addf %add3A_847, %mul3A_965 : vector<16xf32>
    %sub3A_967 = arith.subf %scan3A_922#12, %add3A_850 : vector<16xf32>
    %mul3A_968 = arith.mulf %broadcast_in_dim3A_930, %sub3A_967 : vector<16xf32>
    %add3A_969 = arith.addf %add3A_850, %mul3A_968 : vector<16xf32>
    %sub3A_970 = arith.subf %scan3A_922#13, %add3A_853 : vector<16xf32>
    %mul3A_971 = arith.mulf %broadcast_in_dim3A_930, %sub3A_970 : vector<16xf32>
    %add3A_972 = arith.addf %add3A_853, %mul3A_971 : vector<16xf32>
    %sub3A_973 = arith.subf %scan3A_922#14, %add3A_856 : vector<16xf32>
    %mul3A_974 = arith.mulf %broadcast_in_dim3A_930, %sub3A_973 : vector<16xf32>
    %add3A_975 = arith.addf %add3A_856, %mul3A_974 : vector<16xf32>
    %sub3A_976 = arith.subf %scan3A_922#15, %add3A_859 : vector<16xf32>
    %mul3A_977 = arith.mulf %broadcast_in_dim3A_930, %sub3A_976 : vector<16xf32>
    %add3A_978 = arith.addf %add3A_859, %mul3A_977 : vector<16xf32>
    %sub3A_979 = arith.subf %scan3A_922#16, %add3A_862 : vector<16xf32>
    %mul3A_980 = arith.mulf %broadcast_in_dim3A_930, %sub3A_979 : vector<16xf32>
    %add3A_981 = arith.addf %add3A_862, %mul3A_980 : vector<16xf32>
    %sub3A_982 = arith.subf %scan3A_922#17, %add3A_865 : vector<16xf32>
    %mul3A_983 = arith.mulf %broadcast_in_dim3A_930, %sub3A_982 : vector<16xf32>
    %add3A_984 = arith.addf %add3A_865, %mul3A_983 : vector<16xf32>
    %sub3A_985 = arith.subf %scan3A_922#18, %add3A_868 : vector<16xf32>
    %mul3A_986 = arith.mulf %broadcast_in_dim3A_930, %sub3A_985 : vector<16xf32>
    %add3A_987 = arith.addf %add3A_868, %mul3A_986 : vector<16xf32>
    %sub3A_988 = arith.subf %scan3A_922#19, %add3A_871 : vector<16xf32>
    %mul3A_989 = arith.mulf %broadcast_in_dim3A_930, %sub3A_988 : vector<16xf32>
    %add3A_990 = arith.addf %add3A_871, %mul3A_989 : vector<16xf32>
    %sub3A_991 = arith.subf %scan3A_922#20, %add3A_874 : vector<16xf32>
    %mul3A_992 = arith.mulf %broadcast_in_dim3A_930, %sub3A_991 : vector<16xf32>
    %add3A_993 = arith.addf %add3A_874, %mul3A_992 : vector<16xf32>
    %sub3A_994 = arith.subf %scan3A_922#21, %add3A_877 : vector<16xf32>
    %mul3A_995 = arith.mulf %broadcast_in_dim3A_930, %sub3A_994 : vector<16xf32>
    %add3A_996 = arith.addf %add3A_877, %mul3A_995 : vector<16xf32>
    %sub3A_997 = arith.subf %scan3A_922#22, %add3A_880 : vector<16xf32>
    %mul3A_998 = arith.mulf %broadcast_in_dim3A_930, %sub3A_997 : vector<16xf32>
    %add3A_999 = arith.addf %add3A_880, %mul3A_998 : vector<16xf32>
    %sub3A_1000 = arith.subf %scan3A_922#23, %add3A_883 : vector<16xf32>
    %mul3A_1001 = arith.mulf %broadcast_in_dim3A_930, %sub3A_1000 : vector<16xf32>
    %add3A_1002 = arith.addf %add3A_883, %mul3A_1001 : vector<16xf32>
    %sub3A_1003 = arith.subf %scan3A_922#24, %add3A_886 : vector<16xf32>
    %mul3A_1004 = arith.mulf %broadcast_in_dim3A_930, %sub3A_1003 : vector<16xf32>
    %add3A_1005 = arith.addf %add3A_886, %mul3A_1004 : vector<16xf32>
    %sub3A_1006 = arith.subf %scan3A_922#25, %add3A_889 : vector<16xf32>
    %mul3A_1007 = arith.mulf %broadcast_in_dim3A_930, %sub3A_1006 : vector<16xf32>
    %add3A_1008 = arith.addf %add3A_889, %mul3A_1007 : vector<16xf32>
    %sub3A_1009 = arith.subf %scan3A_922#26, %add3A_892 : vector<16xf32>
    %mul3A_1010 = arith.mulf %broadcast_in_dim3A_930, %sub3A_1009 : vector<16xf32>
    %add3A_1011 = arith.addf %add3A_892, %mul3A_1010 : vector<16xf32>
    %sub3A_1012 = arith.subf %scan3A_922#27, %add3A_895 : vector<16xf32>
    %mul3A_1013 = arith.mulf %broadcast_in_dim3A_930, %sub3A_1012 : vector<16xf32>
    %add3A_1014 = arith.addf %add3A_895, %mul3A_1013 : vector<16xf32>
    %sub3A_1015 = arith.subf %scan3A_922#28, %add3A_898 : vector<16xf32>
    %mul3A_1016 = arith.mulf %broadcast_in_dim3A_930, %sub3A_1015 : vector<16xf32>
    %add3A_1017 = arith.addf %add3A_898, %mul3A_1016 : vector<16xf32>
    %sub3A_1018 = arith.subf %scan3A_922#29, %add3A_901 : vector<16xf32>
    %mul3A_1019 = arith.mulf %broadcast_in_dim3A_930, %sub3A_1018 : vector<16xf32>
    %add3A_1020 = arith.addf %add3A_901, %mul3A_1019 : vector<16xf32>
    %sub3A_1021 = arith.subf %scan3A_922#30, %add3A_904 : vector<16xf32>
    %mul3A_1022 = arith.mulf %broadcast_in_dim3A_930, %sub3A_1021 : vector<16xf32>
    %add3A_1023 = arith.addf %add3A_904, %mul3A_1022 : vector<16xf32>
    %sub3A_1024 = arith.subf %scan3A_922#31, %add3A_907 : vector<16xf32>
    %mul3A_1025 = arith.mulf %broadcast_in_dim3A_930, %sub3A_1024 : vector<16xf32>
    %add3A_1026 = arith.addf %add3A_907, %mul3A_1025 : vector<16xf32>
    %swap3A = arith.constant 0 : i32
    %swap3A_1027 = arith.index_cast %swap3A : i32 to index
    %swap3A_1028 = arith.constant 0 : index
    %swap3A_1029 = tpu.vector_load %arg6[%swap3A_1027, %swap3A_1028] {strides = array<i32>} : memref<2x256xf32, #tpu.memory_space<vmem>>, vector<1x16xf32>,
    %swap3A_1030 = vector.shape_cast %swap3A_1029 : vector<1x16xf32> to vector<16xf32>
    %swap3A_1031 = vector.shape_cast %add3A_933 : vector<16xf32> to vector<1x16xf32>
    tpu.vector_store %arg6[%swap3A_1027, %swap3A_1028], %swap3A_1031 {strides = array<i32>} : memref<2x256xf32, #tpu.memory_space<vmem>>, vector<1x16xf32>,
    %swap3A_1032 = arith.constant 1 : i32
    %swap3A_1033 = arith.index_cast %swap3A_1032 : i32 to index
    %swap3A_1034 = arith.constant 0 : index
    %swap3A_1035 = tpu.vector_load %arg6[%swap3A_1033, %swap3A_1034] {strides = array<i32>} : memref<2x256xf32, #tpu.memory_space<vmem>>, vector<1x16xf32>,
    %swap3A_1036 = vector.shape_cast %swap3A_1035 : vector<1x16xf32> to vector<16xf32>
    %swap3A_1037 = vector.shape_cast %add3A_981 : vector<16xf32> to vector<1x16xf32>
    tpu.vector_store %arg6[%swap3A_1033, %swap3A_1034], %swap3A_1037 {strides = array<i32>} : memref<2x256xf32, #tpu.memory_space<vmem>>, vector<1x16xf32>,
    %swap3A_1038 = arith.constant 0 : i32
    %swap3A_1039 = arith.index_cast %swap3A_1038 : i32 to index
    %swap3A_1040 = arith.constant 16 : index
    %swap3A_1041 = tpu.vector_load %arg6[%swap3A_1039, %swap3A_1040] {strides = array<i32>} : memref<2x256xf32, #tpu.memory_space<vmem>>, vector<1x16xf32>,
    %swap3A_1042 = vector.shape_cast %swap3A_1041 : vector<1x16xf32> to vector<16xf32>
    %swap3A_1043 = vector.shape_cast %add3A_936 : vector<16xf32> to vector<1x16xf32>
    tpu.vector_store %arg6[%swap3A_1039, %swap3A_1040], %swap3A_1043 {strides = array<i32>} : memref<2x256xf32, #tpu.memory_space<vmem>>, vector<1x16xf32>,
    %swap3A_1044 = arith.constant 1 : i32
    %swap3A_1045 = arith.index_cast %swap3A_1044 : i32 to index
    %swap3A_1046 = arith.constant 16 : index
    %swap3A_1047 = tpu.vector_load %arg6[%swap3A_1045, %swap3A_1046] {strides = array<i32>} : memref<2x256xf32, #tpu.memory_space<vmem>>, vector<1x16xf32>,
    %swap3A_1048 = vector.shape_cast %swap3A_1047 : vector<1x16xf32> to vector<16xf32>
    %swap3A_1049 = vector.shape_cast %add3A_984 : vector<16xf32> to vector<1x16xf32>
    tpu.vector_store %arg6[%swap3A_1045, %swap3A_1046], %swap3A_1049 {strides = array<i32>} : memref<2x256xf32, #tpu.memory_space<vmem>>, vector<1x16xf32>,
    %swap3A_1050 = arith.constant 0 : i32
    %swap3A_1051 = arith.index_cast %swap3A_1050 : i32 to index
    %swap3A_1052 = arith.constant 32 : index
    %swap3A_1053 = tpu.vector_load %arg6[%swap3A_1051, %swap3A_1052] {strides = array<i32>} : memref<2x256xf32, #tpu.memory_space<vmem>>, vector<1x16xf32>,
    %swap3A_1054 = vector.shape_cast %swap3A_1053 : vector<1x16xf32> to vector<16xf32>
    %swap3A_1055 = vector.shape_cast %add3A_939 : vector<16xf32> to vector<1x16xf32>
    tpu.vector_store %arg6[%swap3A_1051, %swap3A_1052], %swap3A_1055 {strides = array<i32>} : memref<2x256xf32, #tpu.memory_space<vmem>>, vector<1x16xf32>,
    %swap3A_1056 = arith.constant 1 : i32
    %swap3A_1057 = arith.index_cast %swap3A_1056 : i32 to index
    %swap3A_1058 = arith.constant 32 : index
    %swap3A_1059 = tpu.vector_load %arg6[%swap3A_1057, %swap3A_1058] {strides = array<i32>} : memref<2x256xf32, #tpu.memory_space<vmem>>, vector<1x16xf32>,
    %swap3A_1060 = vector.shape_cast %swap3A_1059 : vector<1x16xf32> to vector<16xf32>
    %swap3A_1061 = vector.shape_cast %add3A_987 : vector<16xf32> to vector<1x16xf32>
    tpu.vector_store %arg6[%swap3A_1057, %swap3A_1058], %swap3A_1061 {strides = array<i32>} : memref<2x256xf32, #tpu.memory_space<vmem>>, vector<1x16xf32>,
    %swap3A_1062 = arith.constant 0 : i32
    %swap3A_1063 = arith.index_cast %swap3A_1062 : i32 to index
    %swap3A_1064 = arith.constant 48 : index
    %swap3A_1065 = tpu.vector_load %arg6[%swap3A_1063, %swap3A_1064] {strides = array<i32>} : memref<2x256xf32, #tpu.memory_space<vmem>>, vector<1x16xf32>,
    %swap3A_1066 = vector.shape_cast %swap3A_1065 : vector<1x16xf32> to vector<16xf32>
    %swap3A_1067 = vector.shape_cast %add3A_942 : vector<16xf32> to vector<1x16xf32>
    tpu.vector_store %arg6[%swap3A_1063, %swap3A_1064], %swap3A_1067 {strides = array<i32>} : memref<2x256xf32, #tpu.memory_space<vmem>>, vector<1x16xf32>,
    %swap3A_1068 = arith.constant 1 : i32
    %swap3A_1069 = arith.index_cast %swap3A_1068 : i32 to index
    %swap3A_1070 = arith.constant 48 : index
    %swap3A_1071 = tpu.vector_load %arg6[%swap3A_1069, %swap3A_1070] {strides = array<i32>} : memref<2x256xf32, #tpu.memory_space<vmem>>, vector<1x16xf32>,
    %swap3A_1072 = vector.shape_cast %swap3A_1071 : vector<1x16xf32> to vector<16xf32>
    %swap3A_1073 = vector.shape_cast %add3A_990 : vector<16xf32> to vector<1x16xf32>
    tpu.vector_store %arg6[%swap3A_1069, %swap3A_1070], %swap3A_1073 {strides = array<i32>} : memref<2x256xf32, #tpu.memory_space<vmem>>, vector<1x16xf32>,
    %swap3A_1074 = arith.constant 0 : i32
    %swap3A_1075 = arith.index_cast %swap3A_1074 : i32 to index
    %swap3A_1076 = arith.constant 64 : index
    %swap3A_1077 = tpu.vector_load %arg6[%swap3A_1075, %swap3A_1076] {strides = array<i32>} : memref<2x256xf32, #tpu.memory_space<vmem>>, vector<1x16xf32>,
    %swap3A_1078 = vector.shape_cast %swap3A_1077 : vector<1x16xf32> to vector<16xf32>
    %swap3A_1079 = vector.shape_cast %add3A_945 : vector<16xf32> to vector<1x16xf32>
    tpu.vector_store %arg6[%swap3A_1075, %swap3A_1076], %swap3A_1079 {strides = array<i32>} : memref<2x256xf32, #tpu.memory_space<vmem>>, vector<1x16xf32>,
    %swap3A_1080 = arith.constant 1 : i32
    %swap3A_1081 = arith.index_cast %swap3A_1080 : i32 to index
    %swap3A_1082 = arith.constant 64 : index
    %swap3A_1083 = tpu.vector_load %arg6[%swap3A_1081, %swap3A_1082] {strides = array<i32>} : memref<2x256xf32, #tpu.memory_space<vmem>>, vector<1x16xf32>,
    %swap3A_1084 = vector.shape_cast %swap3A_1083 : vector<1x16xf32> to vector<16xf32>
    %swap3A_1085 = vector.shape_cast %add3A_993 : vector<16xf32> to vector<1x16xf32>
    tpu.vector_store %arg6[%swap3A_1081, %swap3A_1082], %swap3A_1085 {strides = array<i32>} : memref<2x256xf32, #tpu.memory_space<vmem>>, vector<1x16xf32>,
    %swap3A_1086 = arith.constant 0 : i32
    %swap3A_1087 = arith.index_cast %swap3A_1086 : i32 to index
    %swap3A_1088 = arith.constant 80 : index
    %swap3A_1089 = tpu.vector_load %arg6[%swap3A_1087, %swap3A_1088] {strides = array<i32>} : memref<2x256xf32, #tpu.memory_space<vmem>>, vector<1x16xf32>,
    %swap3A_1090 = vector.shape_cast %swap3A_1089 : vector<1x16xf32> to vector<16xf32>
    %swap3A_1091 = vector.shape_cast %add3A_948 : vector<16xf32> to vector<1x16xf32>
    tpu.vector_store %arg6[%swap3A_1087, %swap3A_1088], %swap3A_1091 {strides = array<i32>} : memref<2x256xf32, #tpu.memory_space<vmem>>, vector<1x16xf32>,
    %swap3A_1092 = arith.constant 1 : i32
    %swap3A_1093 = arith.index_cast %swap3A_1092 : i32 to index
    %swap3A_1094 = arith.constant 80 : index
    %swap3A_1095 = tpu.vector_load %arg6[%swap3A_1093, %swap3A_1094] {strides = array<i32>} : memref<2x256xf32, #tpu.memory_space<vmem>>, vector<1x16xf32>,
    %swap3A_1096 = vector.shape_cast %swap3A_1095 : vector<1x16xf32> to vector<16xf32>
    %swap3A_1097 = vector.shape_cast %add3A_996 : vector<16xf32> to vector<1x16xf32>
    tpu.vector_store %arg6[%swap3A_1093, %swap3A_1094], %swap3A_1097 {strides = array<i32>} : memref<2x256xf32, #tpu.memory_space<vmem>>, vector<1x16xf32>,
    %swap3A_1098 = arith.constant 0 : i32
    %swap3A_1099 = arith.index_cast %swap3A_1098 : i32 to index
    %swap3A_1100 = arith.constant 96 : index
    %swap3A_1101 = tpu.vector_load %arg6[%swap3A_1099, %swap3A_1100] {strides = array<i32>} : memref<2x256xf32, #tpu.memory_space<vmem>>, vector<1x16xf32>,
    %swap3A_1102 = vector.shape_cast %swap3A_1101 : vector<1x16xf32> to vector<16xf32>
    %swap3A_1103 = vector.shape_cast %add3A_951 : vector<16xf32> to vector<1x16xf32>
    tpu.vector_store %arg6[%swap3A_1099, %swap3A_1100], %swap3A_1103 {strides = array<i32>} : memref<2x256xf32, #tpu.memory_space<vmem>>, vector<1x16xf32>,
    %swap3A_1104 = arith.constant 1 : i32
    %swap3A_1105 = arith.index_cast %swap3A_1104 : i32 to index
    %swap3A_1106 = arith.constant 96 : index
    %swap3A_1107 = tpu.vector_load %arg6[%swap3A_1105, %swap3A_1106] {strides = array<i32>} : memref<2x256xf32, #tpu.memory_space<vmem>>, vector<1x16xf32>,
    %swap3A_1108 = vector.shape_cast %swap3A_1107 : vector<1x16xf32> to vector<16xf32>
    %swap3A_1109 = vector.shape_cast %add3A_999 : vector<16xf32> to vector<1x16xf32>
    tpu.vector_store %arg6[%swap3A_1105, %swap3A_1106], %swap3A_1109 {strides = array<i32>} : memref<2x256xf32, #tpu.memory_space<vmem>>, vector<1x16xf32>,
    %swap3A_1110 = arith.constant 0 : i32
    %swap3A_1111 = arith.index_cast %swap3A_1110 : i32 to index
    %swap3A_1112 = arith.constant 112 : index
    %swap3A_1113 = tpu.vector_load %arg6[%swap3A_1111, %swap3A_1112] {strides = array<i32>} : memref<2x256xf32, #tpu.memory_space<vmem>>, vector<1x16xf32>,
    %swap3A_1114 = vector.shape_cast %swap3A_1113 : vector<1x16xf32> to vector<16xf32>
    %swap3A_1115 = vector.shape_cast %add3A_954 : vector<16xf32> to vector<1x16xf32>
    tpu.vector_store %arg6[%swap3A_1111, %swap3A_1112], %swap3A_1115 {strides = array<i32>} : memref<2x256xf32, #tpu.memory_space<vmem>>, vector<1x16xf32>,
    %swap3A_1116 = arith.constant 1 : i32
    %swap3A_1117 = arith.index_cast %swap3A_1116 : i32 to index
    %swap3A_1118 = arith.constant 112 : index
    %swap3A_1119 = tpu.vector_load %arg6[%swap3A_1117, %swap3A_1118] {strides = array<i32>} : memref<2x256xf32, #tpu.memory_space<vmem>>, vector<1x16xf32>,
    %swap3A_1120 = vector.shape_cast %swap3A_1119 : vector<1x16xf32> to vector<16xf32>
    %swap3A_1121 = vector.shape_cast %add3A_1002 : vector<16xf32> to vector<1x16xf32>
    tpu.vector_store %arg6[%swap3A_1117, %swap3A_1118], %swap3A_1121 {strides = array<i32>} : memref<2x256xf32, #tpu.memory_space<vmem>>, vector<1x16xf32>,
    %swap3A_1122 = arith.constant 0 : i32
    %swap3A_1123 = arith.index_cast %swap3A_1122 : i32 to index
    %swap3A_1124 = arith.constant 128 : index
    %swap3A_1125 = tpu.vector_load %arg6[%swap3A_1123, %swap3A_1124] {strides = array<i32>} : memref<2x256xf32, #tpu.memory_space<vmem>>, vector<1x16xf32>,
    %swap3A_1126 = vector.shape_cast %swap3A_1125 : vector<1x16xf32> to vector<16xf32>
    %swap3A_1127 = vector.shape_cast %add3A_957 : vector<16xf32> to vector<1x16xf32>
    tpu.vector_store %arg6[%swap3A_1123, %swap3A_1124], %swap3A_1127 {strides = array<i32>} : memref<2x256xf32, #tpu.memory_space<vmem>>, vector<1x16xf32>,
    %swap3A_1128 = arith.constant 1 : i32
    %swap3A_1129 = arith.index_cast %swap3A_1128 : i32 to index
    %swap3A_1130 = arith.constant 128 : index
    %swap3A_1131 = tpu.vector_load %arg6[%swap3A_1129, %swap3A_1130] {strides = array<i32>} : memref<2x256xf32, #tpu.memory_space<vmem>>, vector<1x16xf32>,
    %swap3A_1132 = vector.shape_cast %swap3A_1131 : vector<1x16xf32> to vector<16xf32>
    %swap3A_1133 = vector.shape_cast %add3A_1005 : vector<16xf32> to vector<1x16xf32>
    tpu.vector_store %arg6[%swap3A_1129, %swap3A_1130], %swap3A_1133 {strides = array<i32>} : memref<2x256xf32, #tpu.memory_space<vmem>>, vector<1x16xf32>,
    %swap3A_1134 = arith.constant 0 : i32
    %swap3A_1135 = arith.index_cast %swap3A_1134 : i32 to index
    %swap3A_1136 = arith.constant 144 : index
    %swap3A_1137 = tpu.vector_load %arg6[%swap3A_1135, %swap3A_1136] {strides = array<i32>} : memref<2x256xf32, #tpu.memory_space<vmem>>, vector<1x16xf32>,
    %swap3A_1138 = vector.shape_cast %swap3A_1137 : vector<1x16xf32> to vector<16xf32>
    %swap3A_1139 = vector.shape_cast %add3A_960 : vector<16xf32> to vector<1x16xf32>
    tpu.vector_store %arg6[%swap3A_1135, %swap3A_1136], %swap3A_1139 {strides = array<i32>} : memref<2x256xf32, #tpu.memory_space<vmem>>, vector<1x16xf32>,
    %swap3A_1140 = arith.constant 1 : i32
    %swap3A_1141 = arith.index_cast %swap3A_1140 : i32 to index
    %swap3A_1142 = arith.constant 144 : index
    %swap3A_1143 = tpu.vector_load %arg6[%swap3A_1141, %swap3A_1142] {strides = array<i32>} : memref<2x256xf32, #tpu.memory_space<vmem>>, vector<1x16xf32>,
    %swap3A_1144 = vector.shape_cast %swap3A_1143 : vector<1x16xf32> to vector<16xf32>
    %swap3A_1145 = vector.shape_cast %add3A_1008 : vector<16xf32> to vector<1x16xf32>
    tpu.vector_store %arg6[%swap3A_1141, %swap3A_1142], %swap3A_1145 {strides = array<i32>} : memref<2x256xf32, #tpu.memory_space<vmem>>, vector<1x16xf32>,
    %swap3A_1146 = arith.constant 0 : i32
    %swap3A_1147 = arith.index_cast %swap3A_1146 : i32 to index
    %swap3A_1148 = arith.constant 160 : index
    %swap3A_1149 = tpu.vector_load %arg6[%swap3A_1147, %swap3A_1148] {strides = array<i32>} : memref<2x256xf32, #tpu.memory_space<vmem>>, vector<1x16xf32>,
    %swap3A_1150 = vector.shape_cast %swap3A_1149 : vector<1x16xf32> to vector<16xf32>
    %swap3A_1151 = vector.shape_cast %add3A_963 : vector<16xf32> to vector<1x16xf32>
    tpu.vector_store %arg6[%swap3A_1147, %swap3A_1148], %swap3A_1151 {strides = array<i32>} : memref<2x256xf32, #tpu.memory_space<vmem>>, vector<1x16xf32>,
    %swap3A_1152 = arith.constant 1 : i32
    %swap3A_1153 = arith.index_cast %swap3A_1152 : i32 to index
    %swap3A_1154 = arith.constant 160 : index
    %swap3A_1155 = tpu.vector_load %arg6[%swap3A_1153, %swap3A_1154] {strides = array<i32>} : memref<2x256xf32, #tpu.memory_space<vmem>>, vector<1x16xf32>,
    %swap3A_1156 = vector.shape_cast %swap3A_1155 : vector<1x16xf32> to vector<16xf32>
    %swap3A_1157 = vector.shape_cast %add3A_1011 : vector<16xf32> to vector<1x16xf32>
    tpu.vector_store %arg6[%swap3A_1153, %swap3A_1154], %swap3A_1157 {strides = array<i32>} : memref<2x256xf32, #tpu.memory_space<vmem>>, vector<1x16xf32>,
    %swap3A_1158 = arith.constant 0 : i32
    %swap3A_1159 = arith.index_cast %swap3A_1158 : i32 to index
    %swap3A_1160 = arith.constant 176 : index
    %swap3A_1161 = tpu.vector_load %arg6[%swap3A_1159, %swap3A_1160] {strides = array<i32>} : memref<2x256xf32, #tpu.memory_space<vmem>>, vector<1x16xf32>,
    %swap3A_1162 = vector.shape_cast %swap3A_1161 : vector<1x16xf32> to vector<16xf32>
    %swap3A_1163 = vector.shape_cast %add3A_966 : vector<16xf32> to vector<1x16xf32>
    tpu.vector_store %arg6[%swap3A_1159, %swap3A_1160], %swap3A_1163 {strides = array<i32>} : memref<2x256xf32, #tpu.memory_space<vmem>>, vector<1x16xf32>,
    %swap3A_1164 = arith.constant 1 : i32
    %swap3A_1165 = arith.index_cast %swap3A_1164 : i32 to index
    %swap3A_1166 = arith.constant 176 : index
    %swap3A_1167 = tpu.vector_load %arg6[%swap3A_1165, %swap3A_1166] {strides = array<i32>} : memref<2x256xf32, #tpu.memory_space<vmem>>, vector<1x16xf32>,
    %swap3A_1168 = vector.shape_cast %swap3A_1167 : vector<1x16xf32> to vector<16xf32>
    %swap3A_1169 = vector.shape_cast %add3A_1014 : vector<16xf32> to vector<1x16xf32>
    tpu.vector_store %arg6[%swap3A_1165, %swap3A_1166], %swap3A_1169 {strides = array<i32>} : memref<2x256xf32, #tpu.memory_space<vmem>>, vector<1x16xf32>,
    %swap3A_1170 = arith.constant 0 : i32
    %swap3A_1171 = arith.index_cast %swap3A_1170 : i32 to index
    %swap3A_1172 = arith.constant 192 : index
    %swap3A_1173 = tpu.vector_load %arg6[%swap3A_1171, %swap3A_1172] {strides = array<i32>} : memref<2x256xf32, #tpu.memory_space<vmem>>, vector<1x16xf32>,
    %swap3A_1174 = vector.shape_cast %swap3A_1173 : vector<1x16xf32> to vector<16xf32>
    %swap3A_1175 = vector.shape_cast %add3A_969 : vector<16xf32> to vector<1x16xf32>
    tpu.vector_store %arg6[%swap3A_1171, %swap3A_1172], %swap3A_1175 {strides = array<i32>} : memref<2x256xf32, #tpu.memory_space<vmem>>, vector<1x16xf32>,
    %swap3A_1176 = arith.constant 1 : i32
    %swap3A_1177 = arith.index_cast %swap3A_1176 : i32 to index
    %swap3A_1178 = arith.constant 192 : index
    %swap3A_1179 = tpu.vector_load %arg6[%swap3A_1177, %swap3A_1178] {strides = array<i32>} : memref<2x256xf32, #tpu.memory_space<vmem>>, vector<1x16xf32>,
    %swap3A_1180 = vector.shape_cast %swap3A_1179 : vector<1x16xf32> to vector<16xf32>
    %swap3A_1181 = vector.shape_cast %add3A_1017 : vector<16xf32> to vector<1x16xf32>
    tpu.vector_store %arg6[%swap3A_1177, %swap3A_1178], %swap3A_1181 {strides = array<i32>} : memref<2x256xf32, #tpu.memory_space<vmem>>, vector<1x16xf32>,
    %swap3A_1182 = arith.constant 0 : i32
    %swap3A_1183 = arith.index_cast %swap3A_1182 : i32 to index
    %swap3A_1184 = arith.constant 208 : index
    %swap3A_1185 = tpu.vector_load %arg6[%swap3A_1183, %swap3A_1184] {strides = array<i32>} : memref<2x256xf32, #tpu.memory_space<vmem>>, vector<1x16xf32>,
    %swap3A_1186 = vector.shape_cast %swap3A_1185 : vector<1x16xf32> to vector<16xf32>
    %swap3A_1187 = vector.shape_cast %add3A_972 : vector<16xf32> to vector<1x16xf32>
    tpu.vector_store %arg6[%swap3A_1183, %swap3A_1184], %swap3A_1187 {strides = array<i32>} : memref<2x256xf32, #tpu.memory_space<vmem>>, vector<1x16xf32>,
    %swap3A_1188 = arith.constant 1 : i32
    %swap3A_1189 = arith.index_cast %swap3A_1188 : i32 to index
    %swap3A_1190 = arith.constant 208 : index
    %swap3A_1191 = tpu.vector_load %arg6[%swap3A_1189, %swap3A_1190] {strides = array<i32>} : memref<2x256xf32, #tpu.memory_space<vmem>>, vector<1x16xf32>,
    %swap3A_1192 = vector.shape_cast %swap3A_1191 : vector<1x16xf32> to vector<16xf32>
    %swap3A_1193 = vector.shape_cast %add3A_1020 : vector<16xf32> to vector<1x16xf32>
    tpu.vector_store %arg6[%swap3A_1189, %swap3A_1190], %swap3A_1193 {strides = array<i32>} : memref<2x256xf32, #tpu.memory_space<vmem>>, vector<1x16xf32>,
    %swap3A_1194 = arith.constant 0 : i32
    %swap3A_1195 = arith.index_cast %swap3A_1194 : i32 to index
    %swap3A_1196 = arith.constant 224 : index
    %swap3A_1197 = tpu.vector_load %arg6[%swap3A_1195, %swap3A_1196] {strides = array<i32>} : memref<2x256xf32, #tpu.memory_space<vmem>>, vector<1x16xf32>,
    %swap3A_1198 = vector.shape_cast %swap3A_1197 : vector<1x16xf32> to vector<16xf32>
    %swap3A_1199 = vector.shape_cast %add3A_975 : vector<16xf32> to vector<1x16xf32>
    tpu.vector_store %arg6[%swap3A_1195, %swap3A_1196], %swap3A_1199 {strides = array<i32>} : memref<2x256xf32, #tpu.memory_space<vmem>>, vector<1x16xf32>,
    %swap3A_1200 = arith.constant 1 : i32
    %swap3A_1201 = arith.index_cast %swap3A_1200 : i32 to index
    %swap3A_1202 = arith.constant 224 : index
    %swap3A_1203 = tpu.vector_load %arg6[%swap3A_1201, %swap3A_1202] {strides = array<i32>} : memref<2x256xf32, #tpu.memory_space<vmem>>, vector<1x16xf32>,
    %swap3A_1204 = vector.shape_cast %swap3A_1203 : vector<1x16xf32> to vector<16xf32>
    %swap3A_1205 = vector.shape_cast %add3A_1023 : vector<16xf32> to vector<1x16xf32>
    tpu.vector_store %arg6[%swap3A_1201, %swap3A_1202], %swap3A_1205 {strides = array<i32>} : memref<2x256xf32, #tpu.memory_space<vmem>>, vector<1x16xf32>,
    %swap3A_1206 = arith.constant 0 : i32
    %swap3A_1207 = arith.index_cast %swap3A_1206 : i32 to index
    %swap3A_1208 = arith.constant 240 : index
    %swap3A_1209 = tpu.vector_load %arg6[%swap3A_1207, %swap3A_1208] {strides = array<i32>} : memref<2x256xf32, #tpu.memory_space<vmem>>, vector<1x16xf32>,
    %swap3A_1210 = vector.shape_cast %swap3A_1209 : vector<1x16xf32> to vector<16xf32>
    %swap3A_1211 = vector.shape_cast %add3A_978 : vector<16xf32> to vector<1x16xf32>
    tpu.vector_store %arg6[%swap3A_1207, %swap3A_1208], %swap3A_1211 {strides = array<i32>} : memref<2x256xf32, #tpu.memory_space<vmem>>, vector<1x16xf32>,
    %swap3A_1212 = arith.constant 1 : i32
    %swap3A_1213 = arith.index_cast %swap3A_1212 : i32 to index
    %swap3A_1214 = arith.constant 240 : index
    %swap3A_1215 = tpu.vector_load %arg6[%swap3A_1213, %swap3A_1214] {strides = array<i32>} : memref<2x256xf32, #tpu.memory_space<vmem>>, vector<1x16xf32>,
    %swap3A_1216 = vector.shape_cast %swap3A_1215 : vector<1x16xf32> to vector<16xf32>
    %swap3A_1217 = vector.shape_cast %add3A_1026 : vector<16xf32> to vector<1x16xf32>
    tpu.vector_store %arg6[%swap3A_1213, %swap3A_1214], %swap3A_1217 {strides = array<i32>} : memref<2x256xf32, #tpu.memory_space<vmem>>, vector<1x16xf32>,
    "tpu.region"() ({
      %run_scoped3A = tpu.sem_alloc : memref<!tpu.dma_semaphore, #tpu.memory_space<semaphore_mem>>
      %dma_start3A_1218 = arith.constant 0 : i32
      %dma_start3A_1219 = arith.constant 0 : i32
      %dma_start3A_1220 = tpu.memref_slice %arg3[%add3A, %dma_start3A_1218, %dma_start3A_1219] : memref<32x2x256xf32, #tpu.memory_space<hbm>> -> memref<1x2x256xf32, #tpu.memory_space<hbm>>
      %dma_start3A_1221 = tpu.memref_squeeze %dma_start3A_1220 : memref<1x2x256xf32, #tpu.memory_space<hbm>> -> memref<2x256xf32, #tpu.memory_space<hbm>>
      %dma_start3A_1222 = arith.constant 0 : i32
      %dma_start3A_1223 = arith.constant 0 : i32
      %dma_start3A_1224 = tpu.memref_slice %arg3[%add3A, %dma_start3A_1222, %dma_start3A_1223] : memref<32x2x256xf32, #tpu.memory_space<hbm>> -> memref<1x2x256xf32, #tpu.memory_space<hbm>>
      %dma_start3A_1225 = tpu.memref_squeeze %dma_start3A_1224 : memref<1x2x256xf32, #tpu.memory_space<hbm>> -> memref<2x256xf32, #tpu.memory_space<hbm>>
      tpu.enqueue_dma source(%arg6 : memref<2x256xf32, #tpu.memory_space<vmem>>) target(%dma_start3A_1225 : memref<2x256xf32, #tpu.memory_space<hbm>>) target_semaphore(%run_scoped3A : memref<!tpu.dma_semaphore, #tpu.memory_space<semaphore_mem>>)
      %dma_wait3A_1226 = arith.constant 0 : i32
      %dma_wait3A_1227 = arith.constant 0 : i32
      %dma_wait3A_1228 = tpu.memref_slice %arg3[%add3A, %dma_wait3A_1226, %dma_wait3A_1227] : memref<32x2x256xf32, #tpu.memory_space<hbm>> -> memref<1x2x256xf32, #tpu.memory_space<hbm>>
      %dma_wait3A_1229 = tpu.memref_squeeze %dma_wait3A_1228 : memref<1x2x256xf32, #tpu.memory_space<hbm>> -> memref<2x256xf32, #tpu.memory_space<hbm>>
      %dma_wait3A_1230 = arith.constant 0 : i32
      %dma_wait3A_1231 = arith.constant 0 : i32
      %dma_wait3A_1232 = tpu.memref_slice %arg3[%add3A, %dma_wait3A_1230, %dma_wait3A_1231] : memref<32x2x256xf32, #tpu.memory_space<hbm>> -> memref<1x2x256xf32, #tpu.memory_space<hbm>>
      %dma_wait3A_1233 = tpu.memref_squeeze %dma_wait3A_1232 : memref<1x2x256xf32, #tpu.memory_space<hbm>> -> memref<2x256xf32, #tpu.memory_space<hbm>>
      tpu.wait_dma2 semaphore(%run_scoped3A : memref<!tpu.dma_semaphore, #tpu.memory_space<semaphore_mem>>) src(%arg6 : memref<2x256xf32, #tpu.memory_space<vmem>>) dst(%dma_wait3A_1233 : memref<2x256xf32, #tpu.memory_space<hbm>>)
      tpu.yield
    }) : () -> ()
    return
  }
}

module attributes {stable_mosaic.version = 14 : i64} {
  func.func @_tc_norm_kernel(%arg0: i32, %arg1: memref<2000x256xf32, #tpu.memory_space<vmem>>, %arg2: memref<32x2x256xf32, #tpu.memory_space<vmem>>, %arg3: memref<1x256xf32, #tpu.memory_space<vmem>>, %arg4: memref<1x256xf32, #tpu.memory_space<vmem>>, %arg5: memref<2000x256xf32, #tpu.memory_space<vmem>>) attributes {dimension_semantics = [#tpu.dimension_semantics<arbitrary>], iteration_bounds = array<i64: 25>, scalar_prefetch = 0 : i64, scratch_operands = 0 : i64, tpu.core_type = #tpu.core_type<tc>, window_params = [{transform_indices = @transform_0, window_bounds = array<i64: 2000, 256>}, {pipeline_mode = #tpu.pipeline_mode<synchronous>, transform_indices = @transform_1, window_bounds = array<i64: 32, 2, 256>}, {pipeline_mode = #tpu.pipeline_mode<synchronous>, transform_indices = @transform_2, window_bounds = array<i64: 1, 256>}, {pipeline_mode = #tpu.pipeline_mode<synchronous>, transform_indices = @transform_3, window_bounds = array<i64: 1, 256>}, {transform_indices = @transform_4, window_bounds = array<i64: 2000, 256>}]} {
    %get3A = arith.constant 0 : index
    %get3A_0 = arith.constant 0 : index
    %get3A_1 = arith.constant 0 : index
    %get3A_2 = vector.load %arg2[%get3A, %get3A_0, %get3A_1] : memref<32x2x256xf32, #tpu.memory_space<vmem>>, vector<32x1x256xf32>
    %get3A_3 = vector.shape_cast %get3A_2 : vector<32x1x256xf32> to vector<32x256xf32>
    %reduce_sum3A = arith.constant dense<0.000000e+00> : vector<256xf32>
    %reduce_sum3A_4 = vector.multi_reduction <add>, %get3A_3, %reduce_sum3A [0] : vector<32x256xf32> to vector<256xf32>
    %broadcast_in_dim3A = vector.shape_cast %reduce_sum3A_4 : vector<256xf32> to vector<1x256xf32>
    %get3A_5 = arith.constant 0 : index
    %get3A_6 = arith.constant 1 : index
    %get3A_7 = arith.constant 0 : index
    %get3A_8 = vector.load %arg2[%get3A_5, %get3A_6, %get3A_7] : memref<32x2x256xf32, #tpu.memory_space<vmem>>, vector<32x1x256xf32>
    %get3A_9 = vector.shape_cast %get3A_8 : vector<32x1x256xf32> to vector<32x256xf32>
    %reduce_sum3A_10 = arith.constant dense<0.000000e+00> : vector<256xf32>
    %reduce_sum3A_11 = vector.multi_reduction <add>, %get3A_9, %reduce_sum3A_10 [0] : vector<32x256xf32> to vector<256xf32>
    %broadcast_in_dim3A_12 = vector.shape_cast %reduce_sum3A_11 : vector<256xf32> to vector<1x256xf32>
    %mul3A = arith.constant 2.000000e-05 : f32
    %mul3A_13 = vector.broadcast %mul3A : f32 to vector<1x256xf32>
    %mul3A_14 = arith.mulf %broadcast_in_dim3A, %mul3A_13 : vector<1x256xf32>
    %mul3A_15 = arith.constant 2.000000e-05 : f32
    %mul3A_16 = vector.broadcast %mul3A_15 : f32 to vector<1x256xf32>
    %mul3A_17 = arith.mulf %broadcast_in_dim3A_12, %mul3A_16 : vector<1x256xf32>
    %mul3A_18 = arith.mulf %mul3A_14, %mul3A_14 : vector<1x256xf32>
    %sub3A = arith.subf %mul3A_17, %mul3A_18 : vector<1x256xf32>
    %add3A = arith.constant 9.99999974E-6 : f32
    %add3A_19 = vector.broadcast %add3A : f32 to vector<1x256xf32>
    %add3A_20 = arith.addf %sub3A, %add3A_19 : vector<1x256xf32>
    %rsqrt3A = math.rsqrt %add3A_20 : vector<1x256xf32>
    %get3A_21 = arith.constant 0 : index
    %get3A_22 = arith.constant 0 : index
    %get3A_23 = vector.load %arg3[%get3A_21, %get3A_22] : memref<1x256xf32, #tpu.memory_space<vmem>>, vector<1x256xf32>
    %mul3A_24 = arith.mulf %rsqrt3A, %get3A_23 : vector<1x256xf32>
    %get3A_25 = arith.constant 0 : index
    %get3A_26 = arith.constant 0 : index
    %get3A_27 = vector.load %arg4[%get3A_25, %get3A_26] : memref<1x256xf32, #tpu.memory_space<vmem>>, vector<1x256xf32>
    %mul3A_28 = arith.mulf %mul3A_14, %mul3A_24 : vector<1x256xf32>
    %sub3A_29 = arith.subf %get3A_27, %mul3A_28 : vector<1x256xf32>
    %get3A_30 = arith.constant 0 : index
    %get3A_31 = arith.constant 0 : index
    %get3A_32 = vector.load %arg1[%get3A_30, %get3A_31] : memref<2000x256xf32, #tpu.memory_space<vmem>>, vector<2000x256xf32>
    %mul3A_33 = vector.broadcast %mul3A_24 : vector<1x256xf32> to vector<2000x256xf32>
    %mul3A_34 = arith.mulf %get3A_32, %mul3A_33 : vector<2000x256xf32>
    %add3A_35 = vector.broadcast %sub3A_29 : vector<1x256xf32> to vector<2000x256xf32>
    %add3A_36 = arith.addf %mul3A_34, %add3A_35 : vector<2000x256xf32>
    %swap3A = arith.constant 0 : index
    %swap3A_37 = arith.constant 0 : index
    %swap3A_38 = vector.load %arg5[%swap3A, %swap3A_37] : memref<2000x256xf32, #tpu.memory_space<vmem>>, vector<2000x256xf32>
    tpu.vector_store %arg5[%swap3A, %swap3A_37], %add3A_36 {strides = array<i32>} : memref<2000x256xf32, #tpu.memory_space<vmem>>, vector<2000x256xf32>,
    return
  }
  func.func @transform_0(%arg0: i32) -> (i32, i32) {
    %c0_i32 = arith.constant 0 : i32
    %c0_i32_0 = arith.constant 0 : i32
    return %arg0, %c0_i32 : i32, i32
  }
  func.func @transform_1(%arg0: i32) -> (i32, i32, i32) {
    %c0_i32 = arith.constant 0 : i32
    %c0_i32_0 = arith.constant 0 : i32
    %c0_i32_1 = arith.constant 0 : i32
    %c0_i32_2 = arith.constant 0 : i32
    return %c0_i32, %c0_i32_0, %c0_i32_1 : i32, i32, i32
  }
  func.func @transform_2(%arg0: i32) -> (i32, i32) {
    %c0_i32 = arith.constant 0 : i32
    %c0_i32_0 = arith.constant 0 : i32
    %c0_i32_1 = arith.constant 0 : i32
    return %c0_i32, %c0_i32_0 : i32, i32
  }
  func.func @transform_3(%arg0: i32) -> (i32, i32) {
    %c0_i32 = arith.constant 0 : i32
    %c0_i32_0 = arith.constant 0 : i32
    %c0_i32_1 = arith.constant 0 : i32
    return %c0_i32, %c0_i32_0 : i32, i32
  }
  func.func @transform_4(%arg0: i32) -> (i32, i32) {
    %c0_i32 = arith.constant 0 : i32
    %c0_i32_0 = arith.constant 0 : i32
    return %arg0, %c0_i32 : i32, i32
  }
}

</mosaic_0001>

<sc_bundles>
// kernel: kernel.4.cloned.1.call-start
scs
__scs_entry_jumppad:
0x0: {  	(pc) =	sbr.rel $0x88, $3  }
0x1: {  	(tag) =	ssettag $0x0;
	lr =	simm.s32 $0x1  }
0x2: {  	[smem:$0x3F9E] =	sst lr;
	_ =	strace $0xD0000000  }
0x3: {  	_ = 	snop  }
0x4: {  	_ = 	snop  }
0x5: {  	_ = 	snop  }
0x6: {  	_ = 	snop  }
0x7: {  	_ = 	snop  }
__scs_overlays_trampoline_lowered:
0x8: {  	[smem:$0x3FAD] =	sst s0  }
0x9: {  	[smem:$0x3FAE] =	sst s1  }
0xa: {  	[smem:$0x3FAF] =	sst s2  }
0xb: {  	[smem:$0x3FB0] =	sst s3  }
0xc: {  	[smem:$0x3FB1] =	sst s4  }
0xd: {  	[smem:$0x3FB2] =	sst s5  }
0xe: {  	[smem:$0x3FB3] =	sst s6  }
0xf: {  	[smem:$0x3FB4] =	sst s7  }
0x10: {  	[smem:$0x3FB5] =	sst s8  }
0x11: {  	[smem:$0x3FB6] =	sst s9;
	s0 =	simm.s32 @!p0 $0x0  }
0x12: {  	s1 =	sld [smem:$0x3F9C];
	s0 =	simm.s32 @p0 $0x1  }
0x13: {  	[smem:$0x3FB7] =	sst s0;
	s0 =	simm.s32 @!p1 $0x0  }
0x14: {  	s2 =	sld [smem:$0x3F9B];
	s0 =	simm.s32 @p1 $0x1  }
0x15: {  	[smem:$0x3FB8] =	sst s0;
	s0 =	simm.s32 @!p2 $0x0  }
0x16: {  	s3 =	sld [smem:$0x3FDB];
	s0 =	simm.s32 @p2 $0x1  }
0x17: {  	s4 =	simm.s32 $0x1BF5;
	[smem:$0x3FBA] =	sst s0  }
0x18: {  	s0 =	sld [smem:$0x3F9D];
	_ =	swait.ge [sflag:s4], $0x0  }
0x19: {  	s7 =	sld [smem:$0x3F9E]  }
0x1a: {  	s8 =	sadd.s32 $0xFFFFE003, lr  }
0x1b: {  	s9 =	sadd.s32 $0xFFFFFEF7, lr;
	s5 =	simm.s32 $0xFFFFFFFF;
	p2 =	slt.u32 s8, $0xFFFFF086  }
0x1c: {  	p1 =	slt.u32 s9, $0xF7A;
	s5 =	simm.s32 @!p2 $0x0  }
0x1d: {  	s5 =	simm.s32 @p1 $0x1;
	p0 =	seq.s32 s7, s2  }
0x1e: {  	s7 =	smul.u32 @!p0 $0xF7A, s2;
	p2 =	seq.s32 @!p0 s5, $0x0  }
0x1f: {  	s9 =	smul.u32 $0xF7A, s1;
	s8 =	simm.s32 @!p0 $0x1BF5;
	p2 =	por !p2, p0  }
0x20: {  	[sflag:s8] =	ssyncset.s32 @!p0 $0xFFFFF086;
	s6 =	sadd.s32 @!p0 s3, s7;
	s7 =	simm.s32 @!p0 $0x108  }
0x21: {  	s3 =	sadd.s32 s3, s9;
	s6 =	sadd.s32 @!p0 $0x88, s6;
	s7 =	simm.s32 @p2 $0x1082  }
0x22: {  	[simem:s7], [sflag:s8] =	dma.local @!p0 [hbm:s6], $0xF7A  }
0x23: {  	s9 =	sor.u32 $0xD0000000, s2;
	s6 =	simm.s32 $0x108;
	_ =	swait.ge @!p0 [sflag:s8], $0x0  }
0x24: {  	s3 =	sadd.s32 $0x88, s3;
	s6 =	simm.s32 @!p1 $0x1082;
	[sflag:s4] =	ssyncset.s32 $0xFFFFF086  }
0x25: {  	[simem:s6], [sflag:s4] =	dma.local [hbm:s3], $0xF7A  }
0x26: {  	[smem:$0x3F9E] =	sst s1;
	(tag) =	ssettag s2;
	_ =	strace s9  }
0x27: {  	s1 =	sld [smem:$0x3FAE]  }
0x28: {  	s2 =	sld [smem:$0x3FAF]  }
0x29: {  	s4 =	sld [smem:$0x3FB1]  }
0x2a: {  	p0 =	seq.s32 s5, $0x0;
	s5 =	sld [smem:$0x3FB2]  }
0x2b: {  	s6 =	sld [smem:$0x3FB3]  }
0x2c: {  	s7 =	sld [smem:$0x3FB4]  }
0x2d: {  	s3 =	simm.s32 $0x108;
	s8 =	sld [smem:$0x3FB5]  }
0x2e: {  	s3 =	simm.s32 @!p0 $0x1082;
	s9 =	sld [smem:$0x3FB6]  }
0x2f: {  	lr =	sadd.s32 s0, s3;
	s0 =	sld [smem:$0x3FAD]  }
0x30: {  	s3 =	sld [smem:$0x3FB0]  }
0x31: {  	[smem:$0x3FB9] =	sst s10  }
0x32: {  	s10 =	sld [smem:$0x3FB7];
	_ =	sdelay $0x3  }
0x33: {  	p0 =	seq.s32 s10, $0x1;
	s10 =	sld [smem:$0x3FB9];
	_ =	sdelay $0x3  }
0x34: {  	[smem:$0x3FB9] =	sst s10  }
0x35: {  	s10 =	sld [smem:$0x3FB8];
	_ =	sdelay $0x3  }
0x36: {  	p1 =	seq.s32 s10, $0x1;
	s10 =	sld [smem:$0x3FB9];
	_ =	sdelay $0x3  }
0x37: {  	[smem:$0x3FB9] =	sst s10  }
0x38: {  	s10 =	sld [smem:$0x3FBA]  }
0x39: {  	_ = 	snop;
	(pc) =	sbr.ind lr, $3  }
0x3a: {  	_ = 	snop  }
0x3b: {  	_ = 	snop  }
0x3c: {  	p2 =	seq.s32 s10, $0x1;
	s10 =	sld [smem:$0x3FB9]  }
0x3d: {  	_ =	shalt  }
0x3e: {  	_ =	shalt  }
0x3f: {  	_ =	shalt  }
0x40: {  	_ =	shalt  }
0x41: {  	_ =	shalt  }
0x42: {  	_ =	shalt  }
0x43: {  	_ =	shalt  }
0x44: {  	_ =	shalt  }
0x45: {  	_ =	shalt  }
0x46: {  	_ =	shalt  }
0x47: {  	_ =	shalt  }
0x48: {  	_ =	shalt  }
0x49: {  	_ =	shalt  }
0x4a: {  	_ =	shalt  }
0x4b: {  	_ =	shalt  }
0x4c: {  	_ =	shalt  }
0x4d: {  	_ =	shalt  }
0x4e: {  	_ =	shalt  }
0x4f: {  	_ =	shalt  }
0x50: {  	_ =	shalt  }
0x51: {  	_ =	shalt  }
0x52: {  	_ =	shalt  }
0x53: {  	_ =	shalt  }
0x54: {  	_ =	shalt  }
0x55: {  	_ =	shalt  }
0x56: {  	_ =	shalt  }
0x57: {  	_ =	shalt  }
0x58: {  	_ =	shalt  }
0x59: {  	_ =	shalt  }
0x5a: {  	_ =	shalt  }
0x5b: {  	_ =	shalt  }
0x5c: {  	_ =	shalt  }
0x5d: {  	_ =	shalt  }
0x5e: {  	_ =	shalt  }
0x5f: {  	_ =	shalt  }
0x60: {  	_ =	shalt  }
0x61: {  	_ =	shalt  }
0x62: {  	_ =	shalt  }
0x63: {  	_ =	shalt  }
0x64: {  	_ =	shalt  }
0x65: {  	_ =	shalt  }
0x66: {  	_ =	shalt  }
0x67: {  	_ =	shalt  }
0x68: {  	_ =	shalt  }
0x69: {  	_ =	shalt  }
0x6a: {  	_ =	shalt  }
0x6b: {  	_ =	shalt  }
0x6c: {  	_ =	shalt  }
0x6d: {  	_ =	shalt  }
0x6e: {  	_ =	shalt  }
0x6f: {  	_ =	shalt  }
0x70: {  	_ =	shalt  }
0x71: {  	_ =	shalt  }
0x72: {  	_ =	shalt  }
0x73: {  	_ =	shalt  }
0x74: {  	_ =	shalt  }
0x75: {  	_ =	shalt  }
0x76: {  	_ =	shalt  }
0x77: {  	_ =	shalt  }
0x78: {  	_ =	shalt  }
0x79: {  	_ =	shalt  }
0x7a: {  	_ =	shalt  }
0x7b: {  	_ =	shalt  }
0x7c: {  	_ =	shalt  }
0x7d: {  	_ =	shalt  }
0x7e: {  	_ =	shalt  }
0x7f: {  	_ =	shalt  }
0x80: {  	_ =	shalt  }
0x81: {  	_ =	shalt  }
0x82: {  	_ =	shalt  }
0x83: {  	_ =	shalt  }
0x84: {  	_ =	shalt  }
0x85: {  	_ =	shalt  }
0x86: {  	_ =	shalt  }
0x87: {  	_ =	shalt  }
.Lfunc_end0:
.L_simem_size_0:
called_computation_lowered:
.L_overlay_start_0:
0x88: {  	s2 =	sld [smem:$0x3FD9]  }
0x89: {  	s3 =	sld [smem:$0x3FFE];
	_ =	sdelay $0x1  }
0x8a: {  	s1 =	srdreg.scid  }
0x8b: {  	s0 =	sand.u32 $0x1, s1  }
0x8c: {  	s18 =	sshll.u32 s0, $0xA;
	s2 =	sadd.s32 s3, s2  }
0x8d: {  	s2 =	sadd.s32 s2, s18  }
0x8e: {  	[smem:$0x3FC5] =	sst s2  }
0x8f: {  	_ = 	snop  }
0x90: {  	s2 =	sld [smem:$0x3FC9]  }
0x91: {  	s19 =	sld [smem:$0x3FD0];
	(tm) =	ssettm $0x1  }
0x92: {  	s4 =	sld [smem:$0x3FFB];
	_ =	sdelay $0x3  }
0x93: {  	_ =	strace s4  }
0x94: {  	s4 =	sld [smem:$0x3FFC];
	_ =	sdelay $0x3  }
0x95: {  	_ =	strace s4  }
0x96: {  	s4 =	sld [smem:$0x3FFD];
	_ =	sdelay $0x3  }
0x97: {  	_ =	strace s4  }
0x98: {  	_ =	strace $0x8FFFFFFF  }
0x99: {  	s20 =	sld [smem:$0x3FDB];
	_ =	sdelay $0x1  }
0x9a: {  	s5 =	simm.s32 $_scs_section_size  }
0x9b: {  	s6 =	simm.s32 $_size__tile_overlayer_lowered;
	s7 =	simm.s32 $_tile_overlayer_lowered  }
0x9c: {  	s23 =	simm.s32 $0x1BFF;
	s22 =	sshll.u32 s7, $0x1;
	s4 =	sadd.s32 s5, s20  }
0x9d: {  	s8 =	simm.s32 $0x0;
	s21 =	sshll.u32 s6, $0x1;
	s6 =	sadd.s32 s22, s4  }
0x9e: {  	[timem:s8], [sflag:s23] =	dma.local [hbm:s6], s21  }
0x9f: {  	_ =	swait.ge [sflag:s23], s21  }
0xa0: {  	s5 =	ssub.s32 $0x0, s21;
	[sflag:s23] =	ssyncset.done $0x0  }
0xa1: {  	[sflag:s23] =	ssyncadd.s32 s5;
	_ =	sdelay $0x1  }
0xa2: {  	s24 =	simm.s32 $0x1B8B  }
0xa3: {  	_ =	swait.ge [sflag:s24], $0x1  }
0xa4: {  	[sflag:s24] =	ssyncset.done $0x0  }
0xa5: {  	s25 =	simm.s32 $0x1B8E;
	[sflag:s24] =	ssyncadd.s32 $0xFFFFFFFF  }
0xa6: {  	s26 =	simm.s32 $execute0_lowered;
	[smem:$0x3FD2] =	sst s25  }
0xa7: {  	s5 =	sshll.u32 s26, $0x1;
	_ =	strace $0x80000046;
	[dreg:$0x1] =	wrdreg $0xFFFFFFFF  }
0xa8: {  	s28 =	simm.s32 $_size_execute0_lowered;
	s4 =	sadd.s32 s4, s5;
	[dreg:$0x0] =	wrdreg $0x0  }
0xa9: {  	s5 =	sshll.u32 s28, $0x1;
	[dreg:$0x2] =	wrdreg s4  }
0xaa: {  	[dreg:$0x3] =	wrdreg s5  }
0xab: {  	[dreg:$0x4] =	wrdreg $0xC0  }
0xac: {  	_ =	task [dreg:s8], $0x5FFFF  }
0xad: {  	[dreg:$0x1] =	wrdreg $0xFFFFFFFF  }
0xae: {  	[dreg:$0x0] =	wrdreg $0x60  }
0xaf: {  	[dreg:$0x2] =	wrdreg s2  }
0xb0: {  	[dreg:$0x3] =	wrdreg s19  }
0xb1: {  	[dreg:$0x4] =	wrdreg $0x9  }
0xb2: {  	_ =	task.clear_ibuf [dreg:s8], $0x5FFFF;
	_ =	strace $0x90000046  }
0xb3: {  	s29 =	simm.s32 $0x9;
	_ =	strace $0x80000048  }
0xb4: {  	_ =	swait.ge [sflag:s29], $0x1  }
0xb5: {  	[sflag:s29] =	ssyncadd.s32 $0xFFFFFFFF  }
0xb6: {  	_ =	strace $0x90000048  }
0xb7: {  	_ =	sfence  }
0xb8: {  	s30 =	sld [smem:$0x0];
	_ =	sdelay $0x2  }
0xb9: {  	s31 =	sshll.u32 s1, $0xD;
	s1 =	sshrl.u32 s1, $0x2  }
0xba: {  	s3 =	sand.u32 $0x4000, s31;
	s1 =	sadd.s32 s1, s30  }
0xbb: {  	s0 =	sor.u32 s3, s0;
	s1 =	sshll.u32 s1, $0x11  }
0xbc: {  	s0 =	sor.u32 s1, s0  }
0xbd: {  	s0 =	sadd.s32 $0x8F2B, s0  }
0xbe: {  	[sflag:s0] =	ssyncadd.remote.s32 $0x1  }
0xbf: {  	_ =	sfence.sel $0xFFFF  }
0xc0: {  	[dreg:$0x0] =	wrdreg $0xFFFFFFFF;
	(pc) =	sbr.abs _section_cstart, $3  }
0xc1: {  	[dreg:$0x1] =	wrdreg $0xFFFFFFFF  }
0xc2: {  	_ =	task.clear_ibuf [dreg:s8], $0x2FFFF;
	_ =	strace $0x9FFFFFFF  }
0xc3: {  	(tm) =	ssettm $0x7FFFFFFF  }
tec
execute0_lowered:
.L_overlay_start_1:
0x0: {  	(tag) =	ssettag $0x1  }
0x1: {  	s8 =	rddreg [dreg:$0x0];
	s1 =	srdreg.scid  }
0x2: {  	s0 =	stileid.u32;
	s11 =	rddreg [dreg:$0x1];
	s2 =	simm.s32 $0x0  }
0x3: {  	s16 =	simm.f32 $1.000000000e+00;
	s14 =	simm.s32 $0x1;
	s15 =	simm.s32 $0x2  }
0x4: {  	s17 =	simm.s32 $0x3;
	s3 =	sand.u32 $0x1, s1;
	s1 =	rddreg [dreg:$0x2]  }
0x5: {  	s18 =	simm.s32 $0x0;
	s4 =	sshll.u32 s0, $0x1;
	[smem:$0x7FF] =	sst s2  }
0x6: {  	p0 =	slt.u32 s0, $0xD;
	s12 =	sor.u32 s3, s4;
	s3 =	ssub.s32 $0x2, s3  }
0x7: {  	_ =	strace $0x80000047;
	s16 =	simm.s32 @!p0 $0x0;
	s4 =	smul.u32 $0xC800, s12  }
0x8: {  	s5 =	sshrl.u32 s3, $0x1;
	s6 =	smul.u32 $0x1900, s12;
	s7 =	smin.u32 s12, $0x19  }
0x9: {  	s12 =	sshll.u32 s12, $0x6;
	v0 =	vmov s16;
	s16 =	simm.s32 $0x19000;
	s13 =	ssub.s32 s3, s5  }
0xa: {  	s10 =	smul.u32 $0x1900, s7;
	s11 =	sadd.s32 s11, s12;
	s4 =	sshrl.u32 s4, $0x3  }
0xb: {  	s3 =	sadd.s32 s8, s6;
	s12 =	smax.u32 s13, $0x1;
	s9 =	sadd.s32 s8, s4  }
0xc: {  	s13 =	simm.s32 $0xC800;
	s10 =	sadd.s32 s10, s8;
	s4 =	sadd.s32 $0x32000, s9  }
0xd: {  	s5 =	sadd.s32 $0x64000, s9;
	s6 =	sadd.s32 $0x96000, s9;
	s7 =	sadd.s32 $0xC8000, s9  }
0xe: {  	s8 =	sadd.s32 $0xFA000, s9;
	s9 =	sadd.s32 $0x12C000, s9;
	s10 =	sadd.s32 $0x15E000, s10  }
.LBB2_1:
0xf: {  	[tilespmem:s2], [sflag:$0x1] =	stream.linear.gather [hbm4b:s3+s2], $0xC800, $0x38;
	[tilespmem:$0x19200] =	vst v63  }
0x10: {  	_ = 	snop  }
0x11: {  	[tilespmem:s13], [sflag:$0x2] =	stream.linear.gather [hbm4b:s4+s2], $0xC800, $0x38;
	[tilespmem:$0x19200] =	vst v63  }
0x12: {  	_ =	swait.ge [sflag:s14], $0xC800  }
0x13: {  	s19 =	sand.u32 $0xF800, s2;
	s20 =	sand.u32 $0x380, s2;
	[sflag:s14] =	ssyncset.done $0x0  }
0x14: {  	s19 =	sor.u32 s20, s19;
	[sflag:s14] =	ssyncadd.s32 $0xFFFF3800  }
0x15: {  	v1 =	vld [tilespmem:s19+$0x470]  }
0x16: {  	v2 =	vld [tilespmem:s19+$0x0]  }
0x17: {  	v3 =	vld [tilespmem:s19+$0x10]  }
0x18: {  	v19 =	vimm.f32 $0.0e+00;
	v32 =	vimm.f32 $0.0e+00;
	v29 =	vimm.f32 $0.0e+00;
	v4 =	vld [tilespmem:s19+$0x20]  }
0x19: {  	v30 =	vimm.f32 $0.0e+00;
	v25 =	vimm.f32 $0.0e+00;
	v28 =	vimm.f32 $0.0e+00;
	v6 =	vld [tilespmem:s19+$0x40]  }
0x1a: {  	v23 =	vimm.f32 $0.0e+00;
	v24 =	vimm.f32 $0.0e+00;
	v26 =	vimm.f32 $0.0e+00;
	v5 =	vld [tilespmem:s19+$0x30]  }
0x1b: {  	v27 =	vimm.f32 $0.0e+00;
	v21 =	vimm.f32 $0.0e+00;
	v31 =	vimm.f32 $0.0e+00;
	v9 =	vld [tilespmem:s19+$0x50]  }
0x1c: {  	v17 =	vadd.f32 v1, v19;
	v7 =	vmul.f32 v1, v1;
	v8 =	vmul.f32 v2, v2  }
0x1d: {  	v11 =	vld [tilespmem:s19+$0x60];
	v18 =	vadd.f32 v2, v19;
	v1 =	vadd.f32 v3, v19;
	v10 =	vmul.f32 v3, v3  }
0x1e: {  	v20 =	vld [tilespmem:s19+$0x400];
	v3 =	vadd.f32 v4, v19;
	v12 =	vmul.f32 v6, v6;
	v2 =	vadd.f32 v7, v19  }
0x1f: {  	v14 =	vadd.f32 v8, v19;
	v7 =	vmul.f32 v4, v4;
	v8 =	vld [tilespmem:s19+$0x70];
	v15 =	vadd.f32 v10, v19  }
0x20: {  	v10 =	vmul.f32 v5, v5;
	v4 =	vadd.f32 v5, v19;
	v5 =	vadd.f32 v9, v19  }
0x21: {  	v22 =	vimm.f32 $0.0e+00;
	v36 =	vld [tilespmem:s19+$0x410];
	v12 =	vadd.f32 v12, v19;
	v16 =	vadd.f32 v7, v19  }
0x22: {  	v33 =	vld [tilespmem:s19+$0x420];
	v7 =	vadd.f32 v6, v19;
	v6 =	vmul.f32 v9, v9;
	v9 =	vmul.f32 v11, v11  }
0x23: {  	v34 =	vld [tilespmem:s19+$0x430];
	v39 =	vmul.f32 v20, v20;
	v13 =	vadd.f32 v10, v19;
	v10 =	vadd.f32 v11, v19  }
0x24: {  	s21 =	simm.s32 $0x100;
	s20 =	simm.s32 $0x80;
	v35 =	vld [tilespmem:s19+$0x440];
	v11 =	vadd.f32 v6, v19;
	v9 =	vadd.f32 v9, v19;
	v38 =	vmul.f32 v8, v8  }
0x25: {  	s22 =	sand.u32 $0xF800, s21;
	s21 =	simm.s32 $0x200;
	s23 =	sand.u32 $0x380, s20;
	v37 =	vld [tilespmem:s19+$0x450];
	v6 =	vadd.f32 v8, v19;
	v8 =	vadd.f32 v20, v19;
	v20 =	vimm.f32 $0.0e+00  }
.LBB2_2:
0x26: {  	p0 =	sne.s32 s21, $0xC700;
	v19 =	vadd.f32 v38, v19;
	v32 =	vadd.f32 v36, v32;
	v36 =	vmul.f32 v36, v36;
	v38 =	vld [tilespmem:s19+$0x460];
	s19 =	sor.u32 s23, s22  }
0x27: {  	v40 =	vld [tilespmem:s19+$0x470];
	v29 =	vadd.f32 v39, v29;
	v30 =	vadd.f32 v33, v30;
	v33 =	vmul.f32 v33, v33  }
0x28: {  	v39 =	vld [tilespmem:s19+$0x0];
	v25 =	vadd.f32 v36, v25;
	v28 =	vadd.f32 v34, v28;
	v34 =	vmul.f32 v34, v34  }
0x29: {  	v36 =	vld [tilespmem:s19+$0x10];
	v23 =	vadd.f32 v33, v23;
	v24 =	vadd.f32 v35, v24;
	v33 =	vmul.f32 v35, v35  }
0x2a: {  	v35 =	vld [tilespmem:s19+$0x20];
	v26 =	vadd.f32 v34, v26;
	v27 =	vadd.f32 v37, v27;
	v34 =	vmul.f32 v37, v37  }
0x2b: {  	v37 =	vld [tilespmem:s19+$0x30];
	v21 =	vadd.f32 v33, v21;
	v31 =	vadd.f32 v38, v31;
	v33 =	vmul.f32 v38, v38  }
0x2c: {  	v38 =	vld [tilespmem:s19+$0x40];
	v17 =	vadd.f32 v40, v17;
	v40 =	vmul.f32 v40, v40;
	v22 =	vadd.f32 v34, v22  }
0x2d: {  	v18 =	vadd.f32 v39, v18;
	v34 =	vmul.f32 v39, v39;
	v39 =	vld [tilespmem:s19+$0x50];
	v20 =	vadd.f32 v33, v20  }
0x2e: {  	v1 =	vadd.f32 v36, v1;
	v33 =	vmul.f32 v36, v36;
	v41 =	vld [tilespmem:s19+$0x60];
	v2 =	vadd.f32 v40, v2  }
0x2f: {  	v14 =	vadd.f32 v34, v14;
	v3 =	vadd.f32 v35, v3;
	v34 =	vmul.f32 v35, v35;
	v35 =	vld [tilespmem:s19+$0x70]  }
0x30: {  	v15 =	vadd.f32 v33, v15;
	v4 =	vadd.f32 v37, v4;
	v33 =	vmul.f32 v37, v37;
	v37 =	vld [tilespmem:s19+$0x400]  }
.Ltmp0:
0x31: {  	v16 =	vadd.f32 v34, v16;
	v7 =	vadd.f32 v38, v7;
	v34 =	vmul.f32 v38, v38;
	v36 =	vld [tilespmem:s19+$0x410];
	(pc) =	sbr.rel @p0 .LBB2_2-.Ltmp0, $4  }
0x32: {  	v13 =	vadd.f32 v33, v13;
	v5 =	vadd.f32 v39, v5;
	v38 =	vmul.f32 v39, v39;
	v33 =	vld [tilespmem:s19+$0x420]  }
0x33: {  	v12 =	vadd.f32 v34, v12;
	v10 =	vadd.f32 v41, v10;
	v39 =	vmul.f32 v41, v41;
	v34 =	vld [tilespmem:s19+$0x430]  }
0x34: {  	s20 =	sadd.s32 $0x80, s20;
	v11 =	vadd.f32 v38, v11;
	v6 =	vadd.f32 v35, v6;
	v38 =	vmul.f32 v35, v35;
	v35 =	vld [tilespmem:s19+$0x440]  }
0x35: {  	s22 =	sand.u32 $0xF800, s21;
	s21 =	sadd.s32 $0x100, s21;
	s23 =	sand.u32 $0x380, s20;
	v9 =	vadd.f32 v39, v9;
	v8 =	vadd.f32 v37, v8;
	v39 =	vmul.f32 v37, v37;
	v37 =	vld [tilespmem:s19+$0x450]  }
0x36: {  	s20 =	sor.u32 s23, s22;
	v61 =	vld [tilespmem:s19+$0x460]  }
0x37: {  	v40 =	vld [tilespmem:s20+$0x470]  }
0x38: {  	v19 =	vadd.f32 v38, v19;
	v32 =	vadd.f32 v36, v32;
	v60 =	vmul.f32 v36, v36;
	v63 =	vld [tilespmem:s20+$0x0]  }
0x39: {  	v29 =	vadd.f32 v39, v29;
	v30 =	vadd.f32 v33, v30;
	v62 =	vmul.f32 v33, v33;
	v45 =	vld [tilespmem:s20+$0x10]  }
0x3a: {  	v47 =	vld [tilespmem:s20+$0x20];
	v25 =	vadd.f32 v60, v25;
	v28 =	vadd.f32 v34, v28;
	v44 =	vmul.f32 v34, v34  }
0x3b: {  	v49 =	vld [tilespmem:s20+$0x30];
	v23 =	vadd.f32 v62, v23;
	v24 =	vadd.f32 v35, v24;
	v46 =	vmul.f32 v35, v35  }
0x3c: {  	v26 =	vadd.f32 v44, v26;
	v27 =	vadd.f32 v37, v27;
	v48 =	vmul.f32 v37, v37  }
0x3d: {  	v51 =	vld [tilespmem:s20+$0x40];
	v21 =	vadd.f32 v46, v21;
	v31 =	vadd.f32 v61, v31;
	v50 =	vmul.f32 v61, v61  }
0x3e: {  	v53 =	vld [tilespmem:s20+$0x50];
	v41 =	vadd.f32 v40, v17;
	v17 =	vmul.f32 v40, v40;
	v22 =	vadd.f32 v48, v22  }
0x3f: {  	v55 =	vld [tilespmem:s20+$0x60];
	v18 =	vadd.f32 v63, v18;
	v52 =	vmul.f32 v63, v63;
	v54 =	vadd.f32 v45, v1  }
0x40: {  	v1 =	vmul.f32 v45, v45;
	v3 =	vadd.f32 v47, v3;
	v4 =	vadd.f32 v49, v4  }
0x41: {  	v40 =	vadd.f32 v17, v2;
	v42 =	vadd.f32 v52, v14;
	v2 =	vmul.f32 v47, v47;
	v14 =	vld [tilespmem:s20+$0x70]  }
0x42: {  	v7 =	vadd.f32 v51, v7;
	v56 =	vadd.f32 v1, v15;
	v1 =	vmul.f32 v49, v49;
	v15 =	vld [tilespmem:s20+$0x400]  }
0x43: {  	v5 =	vadd.f32 v53, v5;
	v57 =	vadd.f32 v2, v16;
	v2 =	vmul.f32 v51, v51;
	v16 =	vld [tilespmem:s20+$0x410]  }
0x44: {  	v10 =	vadd.f32 v55, v10;
	v44 =	vadd.f32 v1, v13;
	v1 =	vmul.f32 v53, v53  }
0x45: {  	v20 =	vadd.f32 v50, v20;
	v13 =	vld [tilespmem:s20+$0x420];
	v58 =	vadd.f32 v2, v12;
	v2 =	vmul.f32 v55, v55  }
0x46: {  	v12 =	vld [tilespmem:s20+$0x430];
	v47 =	vadd.f32 v1, v11;
	v1 =	vmul.f32 v14, v14;
	v6 =	vadd.f32 v14, v6  }
0x47: {  	v17 =	vld [tilespmem:s20+$0x440];
	v59 =	vadd.f32 v15, v8;
	v14 =	vadd.f32 v2, v9;
	v2 =	vmul.f32 v15, v15  }
0x48: {  	v1 =	vadd.f32 v1, v19;
	v8 =	vmul.f32 v16, v16;
	v16 =	vadd.f32 v16, v32  }
0x49: {  	v9 =	vld [tilespmem:s20+$0x450];
	v32 =	vadd.f32 $0.0e+00, v41;
	v63 =	vadd.f32 v2, v29  }
0x4a: {  	s30 =	simm.s32 $0x0;
	v2 =	vmul.f32 v13, v13;
	v29 =	vadd.f32 v13, v30;
	v60 =	vadd.f32 v8, v25  }
0x4b: {  	v19 =	vld [tilespmem:s20+$0x460];
	[tilespmem:s30], [sflag:$0x1] =	stream.linear.gather [hbm4b:s5+s30], $0xC800, $0x38;
	v28 =	vadd.f32 v12, v28;
	v25 =	vadd.f32 $0.0e+00, v59  }
0x4c: {  	_ =	swait.ge [sflag:s15], $0xC800;
	v13 =	vmul.f32 v12, v12;
	v11 =	vadd.f32 v2, v23;
	v2 =	vadd.f32 v17, v24  }
0x4d: {  	s31 =	sand.u32 $0xF800, s30;
	s19 =	sand.u32 $0x380, s30;
	v12 =	vmul.f32 v17, v17;
	[sflag:s15] =	ssyncset.done $0x0;
	v23 =	vadd.f32 $0.0e+00, v10;
	v24 =	vadd.f32 $0.0e+00, v6  }
0x4e: {  	s19 =	sor.u32 s19, s31;
	[sflag:s15] =	ssyncadd.s32 $0xFFFF3800;
	v15 =	vadd.f32 v13, v26;
	v30 =	vadd.f32 v9, v27  }
0x4f: {  	[tilespmem:$0x1FF60] =	vst v40;
	v13 =	vmul.f32 v9, v9;
	v9 =	vadd.f32 v12, v21;
	v21 =	vadd.f32 $0.0e+00, v7;
	v6 =	vld [tilespmem:s19+$0xC820]  }
0x50: {  	[tilespmem:$0x1FF70] =	vst v42;
	v26 =	vadd.f32 $0.0e+00, v16;
	v27 =	vadd.f32 $0.0e+00, v29;
	v7 =	vld [tilespmem:s19+$0xC840]  }
0x51: {  	[tilespmem:$0x1FF80] =	vst v56;
	v28 =	vadd.f32 $0.0e+00, v28;
	v16 =	vld [tilespmem:s19+$0xC860];
	v17 =	vmul.f32 v19, v19;
	v31 =	vadd.f32 v19, v31  }
0x52: {  	[tilespmem:$0x1FF90] =	vst v57;
	v19 =	vadd.f32 $0.0e+00, v3;
	v3 =	vld [tilespmem:s19+$0xCC70];
	v29 =	vadd.f32 $0.0e+00, v2  }
0x53: {  	[tilespmem:$0x1FFA0] =	vst v44;
	v12 =	vadd.f32 v17, v20;
	v20 =	vadd.f32 $0.0e+00, v4;
	v4 =	vld [tilespmem:s19+$0xC800]  }
0x54: {  	[tilespmem:$0x1FFB0] =	vst v58;
	v13 =	vadd.f32 v13, v22;
	v22 =	vadd.f32 $0.0e+00, v5;
	v5 =	vld [tilespmem:s19+$0xC810]  }
0x55: {  	[tilespmem:$0x1FFC0] =	vst v47;
	v51 =	vld [tilespmem:s19+$0xCC00];
	v30 =	vadd.f32 $0.0e+00, v30;
	v17 =	vadd.f32 $0.0e+00, v18  }
0x56: {  	[tilespmem:$0x1FFD0] =	vst v14;
	v2 =	vld [tilespmem:s19+$0xC830];
	v18 =	vadd.f32 $0.0e+00, v54;
	v31 =	vadd.f32 $0.0e+00, v31  }
0x57: {  	[tilespmem:$0x1FFE0] =	vst v63;
	v33 =	vadd.f32 v6, v19;
	v35 =	vadd.f32 v7, v21;
	v10 =	vmul.f32 v3, v3  }
0x58: {  	[tilespmem:$0x1FFF0] =	vst v60;
	v48 =	vadd.f32 v3, v32;
	v46 =	vadd.f32 v4, v17;
	v3 =	vmul.f32 v4, v4;
	v4 =	vld [tilespmem:s19+$0xC850]  }
0x59: {  	v61 =	vmovc v11;
	v7 =	vmul.f32 v7, v7;
	v37 =	vadd.f32 v16, v23;
	v39 =	vadd.f32 v5, v18  }
0x5a: {  	v62 =	vmovc v26;
	v5 =	vmul.f32 v5, v5;
	v41 =	vadd.f32 v3, v42;
	v3 =	vmul.f32 v6, v6;
	v6 =	vld [tilespmem:s19+$0xC870]  }
0x5b: {  	v59 =	vmovc v27;
	v49 =	vadd.f32 v51, v25;
	v34 =	vadd.f32 v2, v20;
	v2 =	vmul.f32 v2, v2  }
0x5c: {  	v53 =	vmovc v9;
	v45 =	vadd.f32 v7, v58;
	v7 =	vmul.f32 v16, v16;
	v42 =	vadd.f32 v5, v56;
	v5 =	vld [tilespmem:s19+$0xCC10]  }
0x5d: {  	v54 =	vmovc v15;
	v43 =	vadd.f32 v3, v57;
	v3 =	vld [tilespmem:s19+$0xCC20];
	v36 =	vadd.f32 v4, v22;
	v4 =	vmul.f32 v4, v4  }
0x5e: {  	v55 =	vmovc v30;
	v52 =	vmovc v31;
	v16 =	vmov v1;
	v40 =	vadd.f32 v10, v40;
	v44 =	vadd.f32 v2, v44;
	v2 =	vld [tilespmem:s19+$0xCC30]  }
0x5f: {  	s21 =	simm.s32 $0x100;
	s20 =	simm.s32 $0x80;
	v58 =	vmovc v28;
	v50 =	vadd.f32 v7, v14;
	v47 =	vadd.f32 v4, v47;
	v10 =	vmul.f32 v6, v6;
	v4 =	vld [tilespmem:s19+$0xCC40]  }
0x60: {  	s22 =	sand.u32 $0xF800, s21;
	s21 =	simm.s32 $0x200;
	s23 =	sand.u32 $0x380, s20;
	v7 =	vld [tilespmem:s19+$0xCC50];
	v56 =	vmovc v13;
	v57 =	vmovc v29;
	v38 =	vadd.f32 v6, v24;
	v6 =	vmul.f32 v51, v51;
	v51 =	vmov v12  }
.LBB2_4:
0x61: {  	p0 =	sne.s32 s21, $0xC700;
	v16 =	vadd.f32 v10, v16;
	v62 =	vadd.f32 v5, v62;
	v5 =	vmul.f32 v5, v5;
	v10 =	vld [tilespmem:s19+$0xCC60];
	s19 =	sor.u32 s23, s22  }
0x62: {  	v14 =	vld [tilespmem:s19+$0xCC70];
	v63 =	vadd.f32 v6, v63;
	v59 =	vadd.f32 v3, v59;
	v3 =	vmul.f32 v3, v3  }
0x63: {  	v6 =	vld [tilespmem:s19+$0xC800];
	v60 =	vadd.f32 v5, v60;
	v58 =	vadd.f32 v2, v58;
	v2 =	vmul.f32 v2, v2  }
0x64: {  	v5 =	vld [tilespmem:s19+$0xC810];
	v61 =	vadd.f32 v3, v61;
	v57 =	vadd.f32 v4, v57;
	v3 =	vmul.f32 v4, v4  }
0x65: {  	v4 =	vld [tilespmem:s19+$0xC820];
	v54 =	vadd.f32 v2, v54;
	v55 =	vadd.f32 v7, v55;
	v2 =	vmul.f32 v7, v7  }
0x66: {  	v7 =	vld [tilespmem:s19+$0xC830];
	v53 =	vadd.f32 v3, v53;
	v52 =	vadd.f32 v10, v52;
	v3 =	vmul.f32 v10, v10  }
0x67: {  	v10 =	vld [tilespmem:s19+$0xC840];
	v48 =	vadd.f32 v14, v48;
	v14 =	vmul.f32 v14, v14;
	v56 =	vadd.f32 v2, v56  }
0x68: {  	v46 =	vadd.f32 v6, v46;
	v2 =	vmul.f32 v6, v6;
	v6 =	vld [tilespmem:s19+$0xC850];
	v51 =	vadd.f32 v3, v51  }
0x69: {  	v39 =	vadd.f32 v5, v39;
	v3 =	vmul.f32 v5, v5;
	v8 =	vld [tilespmem:s19+$0xC860];
	v40 =	vadd.f32 v14, v40  }
0x6a: {  	v41 =	vadd.f32 v2, v41;
	v33 =	vadd.f32 v4, v33;
	v2 =	vmul.f32 v4, v4;
	v4 =	vld [tilespmem:s19+$0xC870]  }
0x6b: {  	v42 =	vadd.f32 v3, v42;
	v34 =	vadd.f32 v7, v34;
	v3 =	vmul.f32 v7, v7;
	v7 =	vld [tilespmem:s19+$0xCC00]  }
.Ltmp1:
0x6c: {  	v43 =	vadd.f32 v2, v43;
	v35 =	vadd.f32 v10, v35;
	v2 =	vmul.f32 v10, v10;
	v5 =	vld [tilespmem:s19+$0xCC10];
	(pc) =	sbr.rel @p0 .LBB2_4-.Ltmp1, $4  }
0x6d: {  	v44 =	vadd.f32 v3, v44;
	v36 =	vadd.f32 v6, v36;
	v6 =	vmul.f32 v6, v6;
	v3 =	vld [tilespmem:s19+$0xCC20]  }
0x6e: {  	v45 =	vadd.f32 v2, v45;
	v37 =	vadd.f32 v8, v37;
	v8 =	vmul.f32 v8, v8;
	v2 =	vld [tilespmem:s19+$0xCC30]  }
0x6f: {  	s20 =	sadd.s32 $0x80, s20;
	v47 =	vadd.f32 v6, v47;
	v38 =	vadd.f32 v4, v38;
	v10 =	vmul.f32 v4, v4;
	v4 =	vld [tilespmem:s19+$0xCC40]  }
0x70: {  	s22 =	sand.u32 $0xF800, s21;
	s21 =	sadd.s32 $0x100, s21;
	s23 =	sand.u32 $0x380, s20;
	v50 =	vadd.f32 v8, v50;
	v49 =	vadd.f32 v7, v49;
	v6 =	vmul.f32 v7, v7;
	v7 =	vld [tilespmem:s19+$0xCC50]  }
0x71: {  	v8 =	vadd.f32 v10, v16;
	v10 =	vmul.f32 v5, v5;
	v5 =	vadd.f32 v5, v62;
	s20 =	sor.u32 s23, s22;
	v14 =	vld [tilespmem:s19+$0xCC60]  }
0x72: {  	v6 =	vadd.f32 v6, v63;
	v16 =	vmul.f32 v3, v3;
	v3 =	vadd.f32 v3, v59;
	v59 =	vld [tilespmem:s20+$0xCC70]  }
0x73: {  	v10 =	vadd.f32 v10, v60;
	v58 =	vadd.f32 v2, v58;
	v2 =	vmul.f32 v2, v2;
	v60 =	vld [tilespmem:s20+$0xC800]  }
0x74: {  	v16 =	vadd.f32 v16, v61;
	v57 =	vadd.f32 v4, v57;
	v4 =	vmul.f32 v4, v4;
	v61 =	vld [tilespmem:s20+$0xC810]  }
0x75: {  	v62 =	vmul.f32 v7, v7;
	v2 =	vadd.f32 v2, v54;
	v7 =	vadd.f32 v7, v55;
	v54 =	vld [tilespmem:s20+$0xC820]  }
0x76: {  	v55 =	vld [tilespmem:s20+$0xC830];
	v4 =	vadd.f32 v4, v53;
	v52 =	vadd.f32 v14, v52;
	v14 =	vmul.f32 v14, v14  }
0x77: {  	v53 =	vadd.f32 v62, v56;
	v48 =	vadd.f32 v59, v48;
	v59 =	vmul.f32 v59, v59  }
0x78: {  	v56 =	vld [tilespmem:s20+$0xC840];
	v46 =	vadd.f32 v60, v46;
	v60 =	vmul.f32 v60, v60;
	v14 =	vadd.f32 v14, v51  }
0x79: {  	v62 =	vld [tilespmem:s20+$0xC850];
	v39 =	vadd.f32 v61, v39;
	v40 =	vadd.f32 v59, v40  }
0x7a: {  	v51 =	vmul.f32 v61, v61;
	v41 =	vadd.f32 v60, v41;
	v33 =	vadd.f32 v54, v33  }
0x7b: {  	v59 =	vmul.f32 v54, v54;
	v34 =	vadd.f32 v55, v34;
	v46 =	vsub.f32 v46, v17  }
0x7c: {  	v61 =	vld [tilespmem:s20+$0xC860];
	v42 =	vadd.f32 v51, v42;
	v39 =	vsub.f32 v39, v18  }
0x7d: {  	v43 =	vadd.f32 v59, v43;
	v35 =	vadd.f32 v56, v35  }
0x7e: {  	v60 =	vld [tilespmem:s20+$0xC870];
	v51 =	vmul.f32 v55, v55;
	v36 =	vadd.f32 v62, v36;
	v33 =	vsub.f32 v33, v19  }
0x7f: {  	v54 =	vld [tilespmem:s20+$0xCC00];
	v63 =	vmul.f32 v56, v56;
	v34 =	vsub.f32 v34, v20;
	v46 =	vadd.f32 v46, v17  }
0x80: {  	v59 =	vld [tilespmem:s20+$0xCC10];
	v44 =	vadd.f32 v51, v44;
	v39 =	vadd.f32 v39, v18  }
0x81: {  	v56 =	vld [tilespmem:s20+$0xCC20];
	v51 =	vmul.f32 v62, v62;
	v45 =	vadd.f32 v63, v45;
	v37 =	vadd.f32 v61, v37  }
0x82: {  	v62 =	vld [tilespmem:s20+$0xCC30];
	v55 =	vmul.f32 v61, v61;
	v19 =	vadd.f32 v33, v19;
	v20 =	vadd.f32 v34, v20  }
0x83: {  	v61 =	vld [tilespmem:s20+$0xCC40];
	v47 =	vadd.f32 v51, v47;
	v51 =	vmul.f32 v60, v60;
	v38 =	vadd.f32 v60, v38  }
0x84: {  	v49 =	vadd.f32 v54, v49;
	v50 =	vadd.f32 v55, v50  }
0x85: {  	v55 =	vmul.f32 v54, v54;
	v8 =	vadd.f32 v51, v8;
	v5 =	vadd.f32 v59, v5  }
0x86: {  	v60 =	vld [tilespmem:s20+$0xCC50];
	v63 =	vmul.f32 v59, v59;
	v3 =	vadd.f32 v56, v3;
	v49 =	vsub.f32 v49, v25  }
0x87: {  	v6 =	vadd.f32 v55, v6;
	v55 =	vmul.f32 v56, v56;
	v56 =	vadd.f32 v62, v58  }
0x88: {  	v10 =	vadd.f32 v63, v10;
	v51 =	vadd.f32 v61, v57  }
0x89: {  	v54 =	vld [tilespmem:s20+$0xCC60];
	v5 =	vsub.f32 v5, v26;
	v3 =	vsub.f32 v3, v27  }
0x8a: {  	v63 =	vmul.f32 v62, v62;
	v25 =	vadd.f32 v49, v25;
	v8 =	vsub.f32 v8, v1  }
0x8b: {  	v61 =	vmul.f32 v61, v61;
	v16 =	vadd.f32 v55, v16;
	v7 =	vadd.f32 v60, v7  }
0x8c: {  	v62 =	vmul.f32 v60, v60;
	v60 =	vsub.f32 v35, v21;
	v55 =	vsub.f32 v48, v32  }
0x8d: {  	v17 =	vld [tilespmem:$0x1FF70];
	v2 =	vadd.f32 v63, v2;
	v4 =	vadd.f32 v61, v4  }
0x8e: {  	v52 =	vadd.f32 v54, v52;
	v61 =	vsub.f32 v36, v22  }
0x8f: {  	v63 =	vmul.f32 v54, v54;
	v54 =	vsub.f32 v56, v28;
	v26 =	vadd.f32 v5, v26  }
0x90: {  	v27 =	vadd.f32 v3, v27;
	v3 =	vsub.f32 v51, v29  }
0x91: {  	v18 =	vld [tilespmem:$0x1FF80];
	v1 =	vadd.f32 v8, v1;
	v53 =	vadd.f32 v62, v53  }
0x92: {  	v29 =	vadd.f32 v3, v29;
	v3 =	vsub.f32 v41, v17  }
0x93: {  	v62 =	vsub.f32 v37, v23;
	v21 =	vadd.f32 v60, v21  }
0x94: {  	v5 =	vsub.f32 v7, v30;
	v59 =	vadd.f32 v3, v17;
	v17 =	vld [tilespmem:$0x1FFB0]  }
0x95: {  	v56 =	vld [tilespmem:$0x1FF90];
	v32 =	vadd.f32 v55, v32;
	v14 =	vadd.f32 v63, v14  }
0x96: {  	v30 =	vadd.f32 v5, v30;
	v5 =	vsub.f32 v42, v18  }
0x97: {  	s30 =	simm.s32 $0x0;
	v63 =	vsub.f32 v38, v24;
	v23 =	vadd.f32 v62, v23;
	v62 =	vld [tilespmem:$0x1FFD0]  }
0x98: {  	[tilespmem:s13], [sflag:$0x2] =	stream.linear.gather [hbm4b:s6+s30], $0xC800, $0x38;
	v7 =	vsub.f32 v52, v31;
	v60 =	vadd.f32 v5, v18;
	v18 =	vld [tilespmem:$0x1FFC0]  }
0x99: {  	v57 =	vld [tilespmem:$0x1FFA0];
	v22 =	vadd.f32 v61, v22;
	_ =	swait.ge [sflag:s14], $0xC800;
	v3 =	vsub.f32 v45, v17  }
0x9a: {  	v31 =	vadd.f32 v7, v31;
	v7 =	vsub.f32 v43, v56;
	v8 =	vld [tilespmem:$0x1FFE0]  }
0x9b: {  	v28 =	vadd.f32 v54, v28;
	v45 =	vadd.f32 v3, v17;
	v17 =	vld [tilespmem:$0x1FFF0]  }
0x9c: {  	v61 =	vadd.f32 v7, v56;
	v7 =	vsub.f32 v50, v62  }
0x9d: {  	v24 =	vadd.f32 v63, v24;
	v5 =	vsub.f32 v47, v18  }
0x9e: {  	s31 =	sand.u32 $0xF800, s30;
	s19 =	sand.u32 $0x380, s30;
	[sflag:s14] =	ssyncset.done $0x0;
	v63 =	vadd.f32 v7, v62;
	v7 =	vsub.f32 v16, v11  }
0x9f: {  	s19 =	sor.u32 s19, s31;
	[sflag:s14] =	ssyncadd.s32 $0xFFFF3800;
	v3 =	vsub.f32 v6, v8;
	v18 =	vadd.f32 v5, v18  }
0xa0: {  	v11 =	vadd.f32 v7, v11;
	v7 =	vld [tilespmem:s19+$0x10];
	v5 =	vsub.f32 v10, v17  }
0xa1: {  	v2 =	vsub.f32 v2, v15;
	v6 =	vadd.f32 v3, v8;
	v3 =	vld [tilespmem:s19+$0x470]  }
0xa2: {  	v4 =	vsub.f32 v4, v9;
	v8 =	vadd.f32 v5, v17;
	v17 =	vld [tilespmem:$0x1FF60]  }
0xa3: {  	v58 =	vsub.f32 v44, v57;
	v15 =	vadd.f32 v2, v15;
	v2 =	vld [tilespmem:s19+$0x0]  }
0xa4: {  	v9 =	vadd.f32 v4, v9;
	[tilespmem:$0x1FEC0] =	vst v46;
	v10 =	vsub.f32 v14, v12  }
0xa5: {  	v44 =	vadd.f32 v58, v57;
	v57 =	vmovc v29;
	v55 =	vmov v30;
	[tilespmem:$0x1FED0] =	vst v39;
	v4 =	vld [tilespmem:s19+$0x30];
	v39 =	vadd.f32 v7, v39  }
0xa6: {  	[tilespmem:$0x1FEF0] =	vst v59;
	v16 =	vld [tilespmem:s19+$0x20];
	v7 =	vmul.f32 v7, v7;
	v5 =	vsub.f32 v53, v13;
	v12 =	vadd.f32 v10, v12  }
0xa7: {  	[tilespmem:$0x1FF00] =	vst v60;
	v10 =	vmul.f32 v3, v3;
	v48 =	vadd.f32 v3, v32;
	v3 =	vld [tilespmem:s19+$0x50];
	v14 =	vsub.f32 v40, v17  }
0xa8: {  	v54 =	vmovc v15;
	v52 =	vmov v31;
	[tilespmem:$0x1FF20] =	vst v44;
	v46 =	vadd.f32 v2, v46;
	v13 =	vadd.f32 v5, v13;
	v5 =	vld [tilespmem:s19+$0x40]  }
0xa9: {  	[tilespmem:$0x1FF10] =	vst v61;
	v2 =	vmul.f32 v2, v2;
	v42 =	vadd.f32 v7, v60;
	v7 =	vld [tilespmem:s19+$0x400];
	v17 =	vadd.f32 v14, v17  }
0xaa: {  	v58 =	vmovc v28;
	v62 =	vmov v26;
	[tilespmem:$0x1FF50] =	vst v63;
	v34 =	vadd.f32 v4, v20;
	v4 =	vmul.f32 v4, v4;
	v14 =	vld [tilespmem:s19+$0x60]  }
0xab: {  	[tilespmem:$0x1FF30] =	vst v45;
	v41 =	vadd.f32 v2, v59;
	v2 =	vmul.f32 v16, v16;
	v40 =	vadd.f32 v10, v17;
	v10 =	vld [tilespmem:s19+$0x70]  }
0xac: {  	[tilespmem:$0x1FF40] =	vst v18;
	v33 =	vadd.f32 v16, v19;
	v44 =	vadd.f32 v4, v44;
	v16 =	vmovc v1;
	v59 =	vmov v27  }
0xad: {  	v43 =	vadd.f32 v2, v61;
	v61 =	vmovc v11;
	v35 =	vadd.f32 v5, v21;
	v2 =	vmul.f32 v5, v5;
	v5 =	vld [tilespmem:s19+$0x410]  }
0xae: {  	v53 =	vmovc v9;
	v36 =	vadd.f32 v3, v22;
	v4 =	vmul.f32 v3, v3;
	v3 =	vld [tilespmem:s19+$0x420];
	v49 =	vadd.f32 v7, v25  }
0xaf: {  	v60 =	vmovc v8;
	v45 =	vadd.f32 v2, v45;
	v2 =	vld [tilespmem:s19+$0x430];
	v37 =	vadd.f32 v14, v23;
	v14 =	vmul.f32 v14, v14  }
0xb0: {  	s21 =	simm.s32 $0x100;
	s20 =	simm.s32 $0x80;
	v51 =	vmovc v12;
	v47 =	vadd.f32 v4, v18;
	v4 =	vld [tilespmem:s19+$0x440];
	v38 =	vadd.f32 v10, v24;
	v10 =	vmul.f32 v10, v10  }
0xb1: {  	s22 =	sand.u32 $0xF800, s21;
	s21 =	simm.s32 $0x200;
	s23 =	sand.u32 $0x380, s20;
	v56 =	vmovc v13;
	[tilespmem:$0x1FEE0] =	vst v17;
	v50 =	vadd.f32 v14, v63;
	v14 =	vmul.f32 v7, v7;
	v7 =	vld [tilespmem:s19+$0x450];
	v63 =	vmov v6  }
.LBB2_6:
0xb2: {  	p0 =	sne.s32 s21, $0xC700;
	v16 =	vadd.f32 v10, v16;
	v62 =	vadd.f32 v5, v62;
	v5 =	vmul.f32 v5, v5;
	v10 =	vld [tilespmem:s19+$0x460];
	s19 =	sor.u32 s23, s22  }
0xb3: {  	v17 =	vld [tilespmem:s19+$0x470];
	v63 =	vadd.f32 v14, v63;
	v59 =	vadd.f32 v3, v59;
	v3 =	vmul.f32 v3, v3  }
0xb4: {  	v14 =	vld [tilespmem:s19+$0x0];
	v60 =	vadd.f32 v5, v60;
	v58 =	vadd.f32 v2, v58;
	v2 =	vmul.f32 v2, v2  }
0xb5: {  	v5 =	vld [tilespmem:s19+$0x10];
	v61 =	vadd.f32 v3, v61;
	v57 =	vadd.f32 v4, v57;
	v3 =	vmul.f32 v4, v4  }
0xb6: {  	v4 =	vld [tilespmem:s19+$0x20];
	v54 =	vadd.f32 v2, v54;
	v55 =	vadd.f32 v7, v55;
	v2 =	vmul.f32 v7, v7  }
0xb7: {  	v7 =	vld [tilespmem:s19+$0x30];
	v53 =	vadd.f32 v3, v53;
	v52 =	vadd.f32 v10, v52;
	v3 =	vmul.f32 v10, v10  }
0xb8: {  	v10 =	vld [tilespmem:s19+$0x40];
	v48 =	vadd.f32 v17, v48;
	v17 =	vmul.f32 v17, v17;
	v56 =	vadd.f32 v2, v56  }
0xb9: {  	v46 =	vadd.f32 v14, v46;
	v2 =	vmul.f32 v14, v14;
	v14 =	vld [tilespmem:s19+$0x50];
	v51 =	vadd.f32 v3, v51  }
0xba: {  	v39 =	vadd.f32 v5, v39;
	v3 =	vmul.f32 v5, v5;
	v18 =	vld [tilespmem:s19+$0x60];
	v40 =	vadd.f32 v17, v40  }
0xbb: {  	v41 =	vadd.f32 v2, v41;
	v33 =	vadd.f32 v4, v33;
	v2 =	vmul.f32 v4, v4;
	v4 =	vld [tilespmem:s19+$0x70]  }
0xbc: {  	v42 =	vadd.f32 v3, v42;
	v34 =	vadd.f32 v7, v34;
	v3 =	vmul.f32 v7, v7;
	v7 =	vld [tilespmem:s19+$0x400]  }
.Ltmp2:
0xbd: {  	v43 =	vadd.f32 v2, v43;
	v35 =	vadd.f32 v10, v35;
	v2 =	vmul.f32 v10, v10;
	v5 =	vld [tilespmem:s19+$0x410];
	(pc) =	sbr.rel @p0 .LBB2_6-.Ltmp2, $4  }
0xbe: {  	v44 =	vadd.f32 v3, v44;
	v36 =	vadd.f32 v14, v36;
	v10 =	vmul.f32 v14, v14;
	v3 =	vld [tilespmem:s19+$0x420]  }
0xbf: {  	v45 =	vadd.f32 v2, v45;
	v37 =	vadd.f32 v18, v37;
	v14 =	vmul.f32 v18, v18;
	v2 =	vld [tilespmem:s19+$0x430]  }
0xc0: {  	s20 =	sadd.s32 $0x80, s20;
	v47 =	vadd.f32 v10, v47;
	v38 =	vadd.f32 v4, v38;
	v10 =	vmul.f32 v4, v4;
	v4 =	vld [tilespmem:s19+$0x440]  }
0xc1: {  	s22 =	sand.u32 $0xF800, s21;
	s21 =	sadd.s32 $0x100, s21;
	s23 =	sand.u32 $0x380, s20;
	v50 =	vadd.f32 v14, v50;
	v49 =	vadd.f32 v7, v49;
	v14 =	vmul.f32 v7, v7;
	v7 =	vld [tilespmem:s19+$0x450]  }
0xc2: {  	v10 =	vadd.f32 v10, v16;
	v16 =	vmul.f32 v5, v5;
	v5 =	vadd.f32 v5, v62;
	s20 =	sor.u32 s23, s22;
	v17 =	vld [tilespmem:s19+$0x460]  }
0xc3: {  	v14 =	vadd.f32 v14, v63;
	v18 =	vmul.f32 v3, v3;
	v3 =	vadd.f32 v3, v59;
	v59 =	vld [tilespmem:s20+$0x470]  }
0xc4: {  	v16 =	vadd.f32 v16, v60;
	v58 =	vadd.f32 v2, v58;
	v2 =	vmul.f32 v2, v2;
	v60 =	vld [tilespmem:s20+$0x0]  }
0xc5: {  	v18 =	vadd.f32 v18, v61;
	v57 =	vadd.f32 v4, v57;
	v4 =	vmul.f32 v4, v4;
	v61 =	vld [tilespmem:s20+$0x10]  }
0xc6: {  	v62 =	vmul.f32 v7, v7;
	v2 =	vadd.f32 v2, v54;
	v7 =	vadd.f32 v7, v55;
	v54 =	vld [tilespmem:s20+$0x20]  }
0xc7: {  	v55 =	vld [tilespmem:s20+$0x30];
	v4 =	vadd.f32 v4, v53;
	v52 =	vadd.f32 v17, v52  }
0xc8: {  	v17 =	vmul.f32 v17, v17;
	v53 =	vadd.f32 v62, v56;
	v48 =	vadd.f32 v59, v48;
	v56 =	vld [tilespmem:s20+$0x40]  }
0xc9: {  	v59 =	vmul.f32 v59, v59;
	v62 =	vld [tilespmem:s20+$0x50];
	v46 =	vadd.f32 v60, v46;
	v60 =	vmul.f32 v60, v60  }
0xca: {  	v17 =	vadd.f32 v17, v51;
	v39 =	vadd.f32 v61, v39;
	v51 =	vmul.f32 v61, v61  }
0xcb: {  	v40 =	vadd.f32 v59, v40;
	v41 =	vadd.f32 v60, v41;
	v59 =	vmul.f32 v54, v54  }
0xcc: {  	v61 =	vld [tilespmem:s20+$0x60];
	v33 =	vadd.f32 v54, v33;
	v34 =	vadd.f32 v55, v34  }
0xcd: {  	v60 =	vld [tilespmem:s20+$0x70];
	v42 =	vadd.f32 v51, v42;
	v51 =	vmul.f32 v55, v55;
	v43 =	vadd.f32 v59, v43  }
0xce: {  	v54 =	vld [tilespmem:s20+$0x400];
	v63 =	vmul.f32 v56, v56;
	v35 =	vadd.f32 v56, v35;
	v36 =	vadd.f32 v62, v36  }
0xcf: {  	v59 =	vld [tilespmem:s20+$0x410];
	v33 =	vsub.f32 v33, v19;
	v34 =	vsub.f32 v34, v20  }
0xd0: {  	v56 =	vld [tilespmem:s20+$0x420];
	v44 =	vadd.f32 v51, v44;
	v51 =	vmul.f32 v62, v62;
	v45 =	vadd.f32 v63, v45  }
0xd1: {  	v62 =	vld [tilespmem:s20+$0x430];
	v55 =	vmul.f32 v61, v61;
	v37 =	vadd.f32 v61, v37;
	v19 =	vadd.f32 v33, v19  }
0xd2: {  	v61 =	vld [tilespmem:s20+$0x440];
	v20 =	vadd.f32 v34, v20;
	v47 =	vadd.f32 v51, v47;
	v51 =	vmul.f32 v60, v60  }
0xd3: {  	v38 =	vadd.f32 v60, v38;
	v49 =	vadd.f32 v54, v49  }
0xd4: {  	v50 =	vadd.f32 v55, v50;
	v55 =	vmul.f32 v54, v54;
	v10 =	vadd.f32 v51, v10  }
0xd5: {  	v60 =	vld [tilespmem:s20+$0x450];
	v63 =	vmul.f32 v59, v59;
	v5 =	vadd.f32 v59, v5;
	v3 =	vadd.f32 v56, v3  }
0xd6: {  	v54 =	vld [tilespmem:s20+$0x460];
	v14 =	vadd.f32 v55, v14;
	v55 =	vmul.f32 v56, v56;
	v56 =	vadd.f32 v62, v58  }
0xd7: {  	v16 =	vadd.f32 v63, v16;
	v51 =	vadd.f32 v61, v57  }
0xd8: {  	v63 =	vmul.f32 v62, v62;
	v5 =	vsub.f32 v5, v26;
	v3 =	vsub.f32 v3, v27  }
0xd9: {  	v10 =	vsub.f32 v10, v1;
	v55 =	vadd.f32 v55, v18;
	v18 =	vmul.f32 v61, v61  }
0xda: {  	v59 =	vld [tilespmem:$0x1FED0];
	v7 =	vadd.f32 v60, v7;
	v61 =	vmul.f32 v60, v60;
	v60 =	vsub.f32 v35, v21  }
0xdb: {  	v2 =	vadd.f32 v63, v2;
	v52 =	vadd.f32 v54, v52  }
0xdc: {  	v26 =	vadd.f32 v5, v26;
	v27 =	vadd.f32 v3, v27  }
0xdd: {  	v3 =	vsub.f32 v51, v29;
	v51 =	vsub.f32 v48, v32  }
0xde: {  	v1 =	vadd.f32 v10, v1;
	v4 =	vadd.f32 v18, v4  }
0xdf: {  	v62 =	vmul.f32 v54, v54;
	v63 =	vld [tilespmem:$0x1FEC0];
	v53 =	vadd.f32 v61, v53;
	v18 =	vsub.f32 v39, v59  }
0xe0: {  	v61 =	vsub.f32 v36, v22;
	v21 =	vadd.f32 v60, v21  }
0xe1: {  	v5 =	vsub.f32 v7, v30;
	v54 =	vadd.f32 v62, v17  }
0xe2: {  	v62 =	vsub.f32 v37, v23;
	v7 =	vsub.f32 v52, v31  }
0xe3: {  	v29 =	vadd.f32 v3, v29;
	v32 =	vadd.f32 v51, v32  }
0xe4: {  	v2 =	vsub.f32 v2, v15;
	v17 =	vsub.f32 v46, v63  }
0xe5: {  	v57 =	vadd.f32 v18, v59;
	v22 =	vadd.f32 v61, v22  }
0xe6: {  	v30 =	vadd.f32 v5, v30;
	v39 =	vadd.f32 v17, v63;
	v17 =	vld [tilespmem:$0x1FEF0]  }
0xe7: {  	v18 =	vld [tilespmem:$0x1FF00];
	v4 =	vsub.f32 v4, v9;
	v23 =	vadd.f32 v62, v23  }
0xe8: {  	v52 =	vld [tilespmem:$0x1FF10];
	v31 =	vadd.f32 v7, v31;
	v15 =	vadd.f32 v2, v15  }
0xe9: {  	v10 =	vsub.f32 v54, v12;
	v46 =	vsub.f32 v49, v25  }
0xea: {  	v62 =	vld [tilespmem:$0x1FF50];
	v49 =	vsub.f32 v56, v28;
	v9 =	vadd.f32 v4, v9  }
0xeb: {  	v12 =	vadd.f32 v10, v12;
	v3 =	vsub.f32 v41, v17  }
0xec: {  	v56 =	vld [tilespmem:$0x1FF20];
	v63 =	vsub.f32 v38, v24;
	v5 =	vsub.f32 v42, v18  }
0xed: {  	s30 =	simm.s32 $0x0;
	v7 =	vsub.f32 v43, v52;
	v59 =	vadd.f32 v3, v17;
	v17 =	vld [tilespmem:$0x1FF30]  }
0xee: {  	[tilespmem:s30], [sflag:$0x1] =	stream.linear.gather [hbm4b:s7+s30], $0xC800, $0x38;
	v25 =	vadd.f32 v46, v25;
	v60 =	vadd.f32 v5, v18;
	v18 =	vld [tilespmem:$0x1FF40]  }
0xef: {  	v61 =	vadd.f32 v7, v52;
	v7 =	vsub.f32 v50, v62;
	_ =	swait.ge [sflag:s15], $0xC800  }
0xf0: {  	s31 =	sand.u32 $0xF800, s30;
	s19 =	sand.u32 $0x380, s30;
	v28 =	vadd.f32 v49, v28;
	v24 =	vadd.f32 v63, v24;
	[sflag:s15] =	ssyncset.done $0x0  }
0xf1: {  	s19 =	sor.u32 s19, s31;
	v63 =	vadd.f32 v7, v62;
	v7 =	vsub.f32 v55, v11;
	[sflag:s15] =	ssyncadd.s32 $0xFFFF3800  }
0xf2: {  	v58 =	vsub.f32 v44, v56;
	v2 =	vld [tilespmem:s19+$0xC800];
	v3 =	vsub.f32 v45, v17  }
0xf3: {  	v11 =	vadd.f32 v7, v11;
	v5 =	vsub.f32 v47, v18;
	v7 =	vld [tilespmem:s19+$0xC810]  }
0xf4: {  	v45 =	vadd.f32 v3, v17;
	v3 =	vsub.f32 v14, v6;
	v17 =	vld [tilespmem:$0x1FEE0]  }
0xf5: {  	v18 =	vadd.f32 v5, v18;
	v5 =	vsub.f32 v16, v8  }
0xf6: {  	v44 =	vadd.f32 v58, v56;
	[tilespmem:$0x1FE20] =	vst v39;
	v6 =	vadd.f32 v3, v6;
	v3 =	vld [tilespmem:s19+$0xCC70]  }
0xf7: {  	[tilespmem:$0x1FE30] =	vst v57;
	v16 =	vld [tilespmem:s19+$0xC820];
	v8 =	vadd.f32 v5, v8;
	v5 =	vsub.f32 v53, v13  }
0xf8: {  	[tilespmem:$0x1FE60] =	vst v60;
	v4 =	vld [tilespmem:s19+$0xC830];
	v46 =	vadd.f32 v2, v39;
	v39 =	vadd.f32 v7, v57;
	v7 =	vmul.f32 v7, v7  }
0xf9: {  	v54 =	vmovc v15;
	v51 =	vmov v12;
	[tilespmem:$0x1FE70] =	vst v61;
	v13 =	vadd.f32 v5, v13;
	v5 =	vld [tilespmem:s19+$0xC840];
	v14 =	vsub.f32 v40, v17  }
0xfa: {  	v52 =	vmovc v31;
	v62 =	vmov v26;
	[tilespmem:$0x1FE80] =	vst v44;
	v2 =	vmul.f32 v2, v2;
	v42 =	vadd.f32 v7, v60;
	v7 =	vld [tilespmem:s19+$0xCC00]  }
0xfb: {  	[tilespmem:$0x1FEB0] =	vst v63;
	v17 =	vadd.f32 v14, v17;
	v10 =	vmul.f32 v3, v3;
	v48 =	vadd.f32 v3, v32;
	v3 =	vld [tilespmem:s19+$0xC850]  }
0xfc: {  	v55 =	vmovc v30;
	v58 =	vmov v28;
	[tilespmem:$0x1FE50] =	vst v59;
	v41 =	vadd.f32 v2, v59;
	v2 =	vmul.f32 v16, v16;
	v14 =	vld [tilespmem:s19+$0xC860]  }
0xfd: {  	[tilespmem:$0x1FEA0] =	vst v18;
	v34 =	vadd.f32 v4, v20;
	v4 =	vmul.f32 v4, v4;
	v40 =	vadd.f32 v10, v17;
	v10 =	vld [tilespmem:s19+$0xC870]  }
0xfe: {  	v53 =	vmovc v9;
	v33 =	vadd.f32 v16, v19;
	v43 =	vadd.f32 v2, v61;
	v2 =	vmul.f32 v5, v5  }
0xff: {  	v57 =	vmovc v29;
	[tilespmem:$0x1FE90] =	vst v45;
	v56 =	vmov v13;
	v44 =	vadd.f32 v4, v44;
	v35 =	vadd.f32 v5, v21;
	v5 =	vld [tilespmem:s19+$0xCC10]  }
0x100: {  	v16 =	vmovc v1;
	v45 =	vadd.f32 v2, v45;
	v36 =	vadd.f32 v3, v22;
	v4 =	vmul.f32 v3, v3;
	v3 =	vld [tilespmem:s19+$0xCC20]  }
0x101: {  	v59 =	vmovc v27;
	v2 =	vld [tilespmem:s19+$0xCC30];
	v49 =	vadd.f32 v7, v25;
	v37 =	vadd.f32 v14, v23;
	v14 =	vmul.f32 v14, v14  }
0x102: {  	s21 =	simm.s32 $0x100;
	s20 =	simm.s32 $0x80;
	v60 =	vmovc v8;
	v47 =	vadd.f32 v4, v18;
	v38 =	vadd.f32 v10, v24;
	v10 =	vmul.f32 v10, v10;
	v4 =	vld [tilespmem:s19+$0xCC40]  }
0x103: {  	s22 =	sand.u32 $0xF800, s21;
	s21 =	simm.s32 $0x200;
	s23 =	sand.u32 $0x380, s20;
	v61 =	vmovc v11;
	[tilespmem:$0x1FE40] =	vst v17;
	v50 =	vadd.f32 v14, v63;
	v14 =	vmul.f32 v7, v7;
	v7 =	vld [tilespmem:s19+$0xCC50];
	v63 =	vmov v6  }
.LBB2_8:
0x104: {  	p0 =	sne.s32 s21, $0xC700;
	v16 =	vadd.f32 v10, v16;
	v62 =	vadd.f32 v5, v62;
	v5 =	vmul.f32 v5, v5;
	v10 =	vld [tilespmem:s19+$0xCC60];
	s19 =	sor.u32 s23, s22  }
0x105: {  	v17 =	vld [tilespmem:s19+$0xCC70];
	v63 =	vadd.f32 v14, v63;
	v59 =	vadd.f32 v3, v59;
	v3 =	vmul.f32 v3, v3  }
0x106: {  	v14 =	vld [tilespmem:s19+$0xC800];
	v60 =	vadd.f32 v5, v60;
	v58 =	vadd.f32 v2, v58;
	v2 =	vmul.f32 v2, v2  }
0x107: {  	v5 =	vld [tilespmem:s19+$0xC810];
	v61 =	vadd.f32 v3, v61;
	v57 =	vadd.f32 v4, v57;
	v3 =	vmul.f32 v4, v4  }
0x108: {  	v4 =	vld [tilespmem:s19+$0xC820];
	v54 =	vadd.f32 v2, v54;
	v55 =	vadd.f32 v7, v55;
	v2 =	vmul.f32 v7, v7  }
0x109: {  	v7 =	vld [tilespmem:s19+$0xC830];
	v53 =	vadd.f32 v3, v53;
	v52 =	vadd.f32 v10, v52;
	v3 =	vmul.f32 v10, v10  }
0x10a: {  	v10 =	vld [tilespmem:s19+$0xC840];
	v48 =	vadd.f32 v17, v48;
	v17 =	vmul.f32 v17, v17;
	v56 =	vadd.f32 v2, v56  }
0x10b: {  	v46 =	vadd.f32 v14, v46;
	v2 =	vmul.f32 v14, v14;
	v14 =	vld [tilespmem:s19+$0xC850];
	v51 =	vadd.f32 v3, v51  }
0x10c: {  	v39 =	vadd.f32 v5, v39;
	v3 =	vmul.f32 v5, v5;
	v18 =	vld [tilespmem:s19+$0xC860];
	v40 =	vadd.f32 v17, v40  }
0x10d: {  	v41 =	vadd.f32 v2, v41;
	v33 =	vadd.f32 v4, v33;
	v2 =	vmul.f32 v4, v4;
	v4 =	vld [tilespmem:s19+$0xC870]  }
0x10e: {  	v42 =	vadd.f32 v3, v42;
	v34 =	vadd.f32 v7, v34;
	v3 =	vmul.f32 v7, v7;
	v7 =	vld [tilespmem:s19+$0xCC00]  }
.Ltmp3:
0x10f: {  	v43 =	vadd.f32 v2, v43;
	v35 =	vadd.f32 v10, v35;
	v2 =	vmul.f32 v10, v10;
	v5 =	vld [tilespmem:s19+$0xCC10];
	(pc) =	sbr.rel @p0 .LBB2_8-.Ltmp3, $4  }
0x110: {  	v44 =	vadd.f32 v3, v44;
	v36 =	vadd.f32 v14, v36;
	v10 =	vmul.f32 v14, v14;
	v3 =	vld [tilespmem:s19+$0xCC20]  }
0x111: {  	v45 =	vadd.f32 v2, v45;
	v37 =	vadd.f32 v18, v37;
	v14 =	vmul.f32 v18, v18;
	v2 =	vld [tilespmem:s19+$0xCC30]  }
0x112: {  	s20 =	sadd.s32 $0x80, s20;
	v47 =	vadd.f32 v10, v47;
	v38 =	vadd.f32 v4, v38;
	v10 =	vmul.f32 v4, v4;
	v4 =	vld [tilespmem:s19+$0xCC40]  }
0x113: {  	s22 =	sand.u32 $0xF800, s21;
	s21 =	sadd.s32 $0x100, s21;
	s23 =	sand.u32 $0x380, s20;
	v50 =	vadd.f32 v14, v50;
	v49 =	vadd.f32 v7, v49;
	v14 =	vmul.f32 v7, v7;
	v7 =	vld [tilespmem:s19+$0xCC50]  }
0x114: {  	v10 =	vadd.f32 v10, v16;
	v16 =	vmul.f32 v5, v5;
	v5 =	vadd.f32 v5, v62;
	s20 =	sor.u32 s23, s22;
	v17 =	vld [tilespmem:s19+$0xCC60]  }
0x115: {  	v14 =	vadd.f32 v14, v63;
	v18 =	vmul.f32 v3, v3;
	v3 =	vadd.f32 v3, v59;
	v59 =	vld [tilespmem:s20+$0xCC70]  }
0x116: {  	v16 =	vadd.f32 v16, v60;
	v58 =	vadd.f32 v2, v58;
	v2 =	vmul.f32 v2, v2;
	v60 =	vld [tilespmem:s20+$0xC800]  }
0x117: {  	v18 =	vadd.f32 v18, v61;
	v57 =	vadd.f32 v4, v57;
	v4 =	vmul.f32 v4, v4;
	v61 =	vld [tilespmem:s20+$0xC810]  }
0x118: {  	v62 =	vmul.f32 v7, v7;
	v2 =	vadd.f32 v2, v54;
	v7 =	vadd.f32 v7, v55;
	v54 =	vld [tilespmem:s20+$0xC820]  }
0x119: {  	v55 =	vld [tilespmem:s20+$0xC830];
	v4 =	vadd.f32 v4, v53;
	v52 =	vadd.f32 v17, v52  }
0x11a: {  	v17 =	vmul.f32 v17, v17;
	v53 =	vadd.f32 v62, v56;
	v48 =	vadd.f32 v59, v48;
	v56 =	vld [tilespmem:s20+$0xC840]  }
0x11b: {  	v59 =	vmul.f32 v59, v59;
	v62 =	vld [tilespmem:s20+$0xC850];
	v46 =	vadd.f32 v60, v46;
	v60 =	vmul.f32 v60, v60  }
0x11c: {  	v17 =	vadd.f32 v17, v51;
	v39 =	vadd.f32 v61, v39;
	v51 =	vmul.f32 v61, v61  }
0x11d: {  	v40 =	vadd.f32 v59, v40;
	v41 =	vadd.f32 v60, v41;
	v59 =	vmul.f32 v54, v54  }
0x11e: {  	v61 =	vld [tilespmem:s20+$0xC860];
	v33 =	vadd.f32 v54, v33;
	v34 =	vadd.f32 v55, v34  }
0x11f: {  	v60 =	vld [tilespmem:s20+$0xC870];
	v42 =	vadd.f32 v51, v42;
	v51 =	vmul.f32 v55, v55;
	v43 =	vadd.f32 v59, v43  }
0x120: {  	v54 =	vld [tilespmem:s20+$0xCC00];
	v63 =	vmul.f32 v56, v56;
	v35 =	vadd.f32 v56, v35;
	v36 =	vadd.f32 v62, v36  }
0x121: {  	v59 =	vld [tilespmem:s20+$0xCC10];
	v33 =	vsub.f32 v33, v19;
	v34 =	vsub.f32 v34, v20  }
0x122: {  	v56 =	vld [tilespmem:s20+$0xCC20];
	v44 =	vadd.f32 v51, v44;
	v51 =	vmul.f32 v62, v62;
	v45 =	vadd.f32 v63, v45  }
0x123: {  	v62 =	vld [tilespmem:s20+$0xCC30];
	v55 =	vmul.f32 v61, v61;
	v37 =	vadd.f32 v61, v37;
	v19 =	vadd.f32 v33, v19  }
0x124: {  	v61 =	vld [tilespmem:s20+$0xCC40];
	v20 =	vadd.f32 v34, v20;
	v47 =	vadd.f32 v51, v47;
	v51 =	vmul.f32 v60, v60  }
0x125: {  	v38 =	vadd.f32 v60, v38;
	v49 =	vadd.f32 v54, v49  }
0x126: {  	v50 =	vadd.f32 v55, v50;
	v55 =	vmul.f32 v54, v54;
	v10 =	vadd.f32 v51, v10  }
0x127: {  	v60 =	vld [tilespmem:s20+$0xCC50];
	v63 =	vmul.f32 v59, v59;
	v5 =	vadd.f32 v59, v5;
	v3 =	vadd.f32 v56, v3  }
0x128: {  	v54 =	vld [tilespmem:s20+$0xCC60];
	v14 =	vadd.f32 v55, v14;
	v55 =	vmul.f32 v56, v56;
	v56 =	vadd.f32 v62, v58  }
0x129: {  	v16 =	vadd.f32 v63, v16;
	v51 =	vadd.f32 v61, v57  }
0x12a: {  	v63 =	vmul.f32 v62, v62;
	v5 =	vsub.f32 v5, v26;
	v3 =	vsub.f32 v3, v27  }
0x12b: {  	v10 =	vsub.f32 v10, v1;
	v55 =	vadd.f32 v55, v18;
	v18 =	vmul.f32 v61, v61  }
0x12c: {  	v59 =	vld [tilespmem:$0x1FE30];
	v7 =	vadd.f32 v60, v7;
	v61 =	vmul.f32 v60, v60;
	v60 =	vsub.f32 v35, v21  }
0x12d: {  	v2 =	vadd.f32 v63, v2;
	v52 =	vadd.f32 v54, v52  }
0x12e: {  	v26 =	vadd.f32 v5, v26;
	v27 =	vadd.f32 v3, v27  }
0x12f: {  	v3 =	vsub.f32 v51, v29;
	v51 =	vsub.f32 v48, v32  }
0x130: {  	v1 =	vadd.f32 v10, v1;
	v4 =	vadd.f32 v18, v4  }
0x131: {  	v62 =	vmul.f32 v54, v54;
	v63 =	vld [tilespmem:$0x1FE20];
	v53 =	vadd.f32 v61, v53;
	v18 =	vsub.f32 v39, v59  }
0x132: {  	v61 =	vsub.f32 v36, v22;
	v21 =	vadd.f32 v60, v21  }
0x133: {  	v5 =	vsub.f32 v7, v30;
	v54 =	vadd.f32 v62, v17  }
0x134: {  	v62 =	vsub.f32 v37, v23;
	v7 =	vsub.f32 v52, v31  }
0x135: {  	v29 =	vadd.f32 v3, v29;
	v32 =	vadd.f32 v51, v32  }
0x136: {  	v2 =	vsub.f32 v2, v15;
	v17 =	vsub.f32 v46, v63  }
0x137: {  	v57 =	vadd.f32 v18, v59;
	v22 =	vadd.f32 v61, v22  }
0x138: {  	v30 =	vadd.f32 v5, v30;
	v39 =	vadd.f32 v17, v63;
	v17 =	vld [tilespmem:$0x1FE50]  }
0x139: {  	v18 =	vld [tilespmem:$0x1FE60];
	v4 =	vsub.f32 v4, v9;
	v23 =	vadd.f32 v62, v23  }
0x13a: {  	v52 =	vld [tilespmem:$0x1FE70];
	v31 =	vadd.f32 v7, v31;
	v15 =	vadd.f32 v2, v15  }
0x13b: {  	v10 =	vsub.f32 v54, v12;
	v46 =	vsub.f32 v49, v25  }
0x13c: {  	v62 =	vld [tilespmem:$0x1FEB0];
	v49 =	vsub.f32 v56, v28;
	v9 =	vadd.f32 v4, v9  }
0x13d: {  	v12 =	vadd.f32 v10, v12;
	v3 =	vsub.f32 v41, v17  }
0x13e: {  	v56 =	vld [tilespmem:$0x1FE80];
	v63 =	vsub.f32 v38, v24;
	v5 =	vsub.f32 v42, v18  }
0x13f: {  	s30 =	simm.s32 $0x0;
	v7 =	vsub.f32 v43, v52;
	v59 =	vadd.f32 v3, v17;
	v17 =	vld [tilespmem:$0x1FE90]  }
0x140: {  	[tilespmem:s13], [sflag:$0x2] =	stream.linear.gather [hbm4b:s8+s30], $0xC800, $0x38;
	v25 =	vadd.f32 v46, v25;
	v60 =	vadd.f32 v5, v18;
	v18 =	vld [tilespmem:$0x1FEA0]  }
0x141: {  	v61 =	vadd.f32 v7, v52;
	v7 =	vsub.f32 v50, v62;
	_ =	swait.ge [sflag:s14], $0xC800  }
0x142: {  	s31 =	sand.u32 $0xF800, s30;
	s19 =	sand.u32 $0x380, s30;
	v28 =	vadd.f32 v49, v28;
	v24 =	vadd.f32 v63, v24;
	[sflag:s14] =	ssyncset.done $0x0  }
0x143: {  	s19 =	sor.u32 s19, s31;
	v63 =	vadd.f32 v7, v62;
	v7 =	vsub.f32 v55, v11;
	[sflag:s14] =	ssyncadd.s32 $0xFFFF3800  }
0x144: {  	v58 =	vsub.f32 v44, v56;
	v2 =	vld [tilespmem:s19+$0x0];
	v3 =	vsub.f32 v45, v17  }
0x145: {  	v11 =	vadd.f32 v7, v11;
	v5 =	vsub.f32 v47, v18;
	v7 =	vld [tilespmem:s19+$0x10]  }
0x146: {  	v45 =	vadd.f32 v3, v17;
	v3 =	vsub.f32 v14, v6;
	v17 =	vld [tilespmem:$0x1FE40]  }
0x147: {  	v18 =	vadd.f32 v5, v18;
	v5 =	vsub.f32 v16, v8  }
0x148: {  	v44 =	vadd.f32 v58, v56;
	[tilespmem:$0x1FD80] =	vst v39;
	v6 =	vadd.f32 v3, v6;
	v3 =	vld [tilespmem:s19+$0x470]  }
0x149: {  	[tilespmem:$0x1FD90] =	vst v57;
	v16 =	vld [tilespmem:s19+$0x20];
	v8 =	vadd.f32 v5, v8;
	v5 =	vsub.f32 v53, v13  }
0x14a: {  	[tilespmem:$0x1FDC0] =	vst v60;
	v4 =	vld [tilespmem:s19+$0x30];
	v46 =	vadd.f32 v2, v39;
	v39 =	vadd.f32 v7, v57;
	v7 =	vmul.f32 v7, v7  }
0x14b: {  	v54 =	vmovc v15;
	v51 =	vmov v12;
	[tilespmem:$0x1FDD0] =	vst v61;
	v13 =	vadd.f32 v5, v13;
	v5 =	vld [tilespmem:s19+$0x40];
	v14 =	vsub.f32 v40, v17  }
0x14c: {  	v52 =	vmovc v31;
	v62 =	vmov v26;
	[tilespmem:$0x1FDE0] =	vst v44;
	v2 =	vmul.f32 v2, v2;
	v42 =	vadd.f32 v7, v60;
	v7 =	vld [tilespmem:s19+$0x400]  }
0x14d: {  	[tilespmem:$0x1FE10] =	vst v63;
	v17 =	vadd.f32 v14, v17;
	v10 =	vmul.f32 v3, v3;
	v48 =	vadd.f32 v3, v32;
	v3 =	vld [tilespmem:s19+$0x50]  }
0x14e: {  	v55 =	vmovc v30;
	v58 =	vmov v28;
	[tilespmem:$0x1FDB0] =	vst v59;
	v41 =	vadd.f32 v2, v59;
	v2 =	vmul.f32 v16, v16;
	v14 =	vld [tilespmem:s19+$0x60]  }
0x14f: {  	[tilespmem:$0x1FE00] =	vst v18;
	v34 =	vadd.f32 v4, v20;
	v4 =	vmul.f32 v4, v4;
	v40 =	vadd.f32 v10, v17;
	v10 =	vld [tilespmem:s19+$0x70]  }
0x150: {  	v53 =	vmovc v9;
	v33 =	vadd.f32 v16, v19;
	v43 =	vadd.f32 v2, v61;
	v2 =	vmul.f32 v5, v5  }
0x151: {  	v57 =	vmovc v29;
	[tilespmem:$0x1FDF0] =	vst v45;
	v56 =	vmov v13;
	v44 =	vadd.f32 v4, v44;
	v35 =	vadd.f32 v5, v21;
	v5 =	vld [tilespmem:s19+$0x410]  }
0x152: {  	v16 =	vmovc v1;
	v45 =	vadd.f32 v2, v45;
	v36 =	vadd.f32 v3, v22;
	v4 =	vmul.f32 v3, v3;
	v3 =	vld [tilespmem:s19+$0x420]  }
0x153: {  	v59 =	vmovc v27;
	v2 =	vld [tilespmem:s19+$0x430];
	v49 =	vadd.f32 v7, v25;
	v37 =	vadd.f32 v14, v23;
	v14 =	vmul.f32 v14, v14  }
0x154: {  	s21 =	simm.s32 $0x100;
	s20 =	simm.s32 $0x80;
	v60 =	vmovc v8;
	v47 =	vadd.f32 v4, v18;
	v38 =	vadd.f32 v10, v24;
	v10 =	vmul.f32 v10, v10;
	v4 =	vld [tilespmem:s19+$0x440]  }
0x155: {  	s22 =	sand.u32 $0xF800, s21;
	s21 =	simm.s32 $0x200;
	s23 =	sand.u32 $0x380, s20;
	v61 =	vmovc v11;
	[tilespmem:$0x1FDA0] =	vst v17;
	v50 =	vadd.f32 v14, v63;
	v14 =	vmul.f32 v7, v7;
	v7 =	vld [tilespmem:s19+$0x450];
	v63 =	vmov v6  }
.LBB2_10:
0x156: {  	p0 =	sne.s32 s21, $0xC700;
	v16 =	vadd.f32 v10, v16;
	v62 =	vadd.f32 v5, v62;
	v5 =	vmul.f32 v5, v5;
	v10 =	vld [tilespmem:s19+$0x460];
	s19 =	sor.u32 s23, s22  }
0x157: {  	v17 =	vld [tilespmem:s19+$0x470];
	v63 =	vadd.f32 v14, v63;
	v59 =	vadd.f32 v3, v59;
	v3 =	vmul.f32 v3, v3  }
0x158: {  	v14 =	vld [tilespmem:s19+$0x0];
	v60 =	vadd.f32 v5, v60;
	v58 =	vadd.f32 v2, v58;
	v2 =	vmul.f32 v2, v2  }
0x159: {  	v5 =	vld [tilespmem:s19+$0x10];
	v61 =	vadd.f32 v3, v61;
	v57 =	vadd.f32 v4, v57;
	v3 =	vmul.f32 v4, v4  }
0x15a: {  	v4 =	vld [tilespmem:s19+$0x20];
	v54 =	vadd.f32 v2, v54;
	v55 =	vadd.f32 v7, v55;
	v2 =	vmul.f32 v7, v7  }
0x15b: {  	v7 =	vld [tilespmem:s19+$0x30];
	v53 =	vadd.f32 v3, v53;
	v52 =	vadd.f32 v10, v52;
	v3 =	vmul.f32 v10, v10  }
0x15c: {  	v10 =	vld [tilespmem:s19+$0x40];
	v48 =	vadd.f32 v17, v48;
	v17 =	vmul.f32 v17, v17;
	v56 =	vadd.f32 v2, v56  }
0x15d: {  	v46 =	vadd.f32 v14, v46;
	v2 =	vmul.f32 v14, v14;
	v14 =	vld [tilespmem:s19+$0x50];
	v51 =	vadd.f32 v3, v51  }
0x15e: {  	v39 =	vadd.f32 v5, v39;
	v3 =	vmul.f32 v5, v5;
	v18 =	vld [tilespmem:s19+$0x60];
	v40 =	vadd.f32 v17, v40  }
0x15f: {  	v41 =	vadd.f32 v2, v41;
	v33 =	vadd.f32 v4, v33;
	v2 =	vmul.f32 v4, v4;
	v4 =	vld [tilespmem:s19+$0x70]  }
0x160: {  	v42 =	vadd.f32 v3, v42;
	v34 =	vadd.f32 v7, v34;
	v3 =	vmul.f32 v7, v7;
	v7 =	vld [tilespmem:s19+$0x400]  }
.Ltmp4:
0x161: {  	v43 =	vadd.f32 v2, v43;
	v35 =	vadd.f32 v10, v35;
	v2 =	vmul.f32 v10, v10;
	v5 =	vld [tilespmem:s19+$0x410];
	(pc) =	sbr.rel @p0 .LBB2_10-.Ltmp4, $4  }
0x162: {  	v44 =	vadd.f32 v3, v44;
	v36 =	vadd.f32 v14, v36;
	v10 =	vmul.f32 v14, v14;
	v3 =	vld [tilespmem:s19+$0x420]  }
0x163: {  	v45 =	vadd.f32 v2, v45;
	v37 =	vadd.f32 v18, v37;
	v14 =	vmul.f32 v18, v18;
	v2 =	vld [tilespmem:s19+$0x430]  }
0x164: {  	s20 =	sadd.s32 $0x80, s20;
	v47 =	vadd.f32 v10, v47;
	v38 =	vadd.f32 v4, v38;
	v10 =	vmul.f32 v4, v4;
	v4 =	vld [tilespmem:s19+$0x440]  }
0x165: {  	s22 =	sand.u32 $0xF800, s21;
	s21 =	sadd.s32 $0x100, s21;
	s23 =	sand.u32 $0x380, s20;
	v50 =	vadd.f32 v14, v50;
	v49 =	vadd.f32 v7, v49;
	v14 =	vmul.f32 v7, v7;
	v7 =	vld [tilespmem:s19+$0x450]  }
0x166: {  	v10 =	vadd.f32 v10, v16;
	v16 =	vmul.f32 v5, v5;
	v5 =	vadd.f32 v5, v62;
	s20 =	sor.u32 s23, s22;
	v17 =	vld [tilespmem:s19+$0x460]  }
0x167: {  	v14 =	vadd.f32 v14, v63;
	v18 =	vmul.f32 v3, v3;
	v3 =	vadd.f32 v3, v59;
	v59 =	vld [tilespmem:s20+$0x470]  }
0x168: {  	v16 =	vadd.f32 v16, v60;
	v58 =	vadd.f32 v2, v58;
	v2 =	vmul.f32 v2, v2;
	v60 =	vld [tilespmem:s20+$0x0]  }
0x169: {  	v18 =	vadd.f32 v18, v61;
	v57 =	vadd.f32 v4, v57;
	v4 =	vmul.f32 v4, v4;
	v61 =	vld [tilespmem:s20+$0x10]  }
0x16a: {  	v62 =	vmul.f32 v7, v7;
	v2 =	vadd.f32 v2, v54;
	v7 =	vadd.f32 v7, v55;
	v54 =	vld [tilespmem:s20+$0x20]  }
0x16b: {  	v55 =	vld [tilespmem:s20+$0x30];
	v4 =	vadd.f32 v4, v53;
	v52 =	vadd.f32 v17, v52  }
0x16c: {  	v17 =	vmul.f32 v17, v17;
	v53 =	vadd.f32 v62, v56;
	v48 =	vadd.f32 v59, v48;
	v56 =	vld [tilespmem:s20+$0x40]  }
0x16d: {  	v59 =	vmul.f32 v59, v59;
	v62 =	vld [tilespmem:s20+$0x50];
	v46 =	vadd.f32 v60, v46;
	v60 =	vmul.f32 v60, v60  }
0x16e: {  	v17 =	vadd.f32 v17, v51;
	v39 =	vadd.f32 v61, v39;
	v51 =	vmul.f32 v61, v61  }
0x16f: {  	v40 =	vadd.f32 v59, v40;
	v41 =	vadd.f32 v60, v41;
	v59 =	vmul.f32 v54, v54  }
0x170: {  	v61 =	vld [tilespmem:s20+$0x60];
	v33 =	vadd.f32 v54, v33;
	v34 =	vadd.f32 v55, v34  }
0x171: {  	v60 =	vld [tilespmem:s20+$0x70];
	v42 =	vadd.f32 v51, v42;
	v51 =	vmul.f32 v55, v55;
	v43 =	vadd.f32 v59, v43  }
0x172: {  	v54 =	vld [tilespmem:s20+$0x400];
	v63 =	vmul.f32 v56, v56;
	v35 =	vadd.f32 v56, v35;
	v36 =	vadd.f32 v62, v36  }
0x173: {  	v59 =	vld [tilespmem:s20+$0x410];
	v33 =	vsub.f32 v33, v19;
	v34 =	vsub.f32 v34, v20  }
0x174: {  	v56 =	vld [tilespmem:s20+$0x420];
	v44 =	vadd.f32 v51, v44;
	v51 =	vmul.f32 v62, v62;
	v45 =	vadd.f32 v63, v45  }
0x175: {  	v62 =	vld [tilespmem:s20+$0x430];
	v55 =	vmul.f32 v61, v61;
	v37 =	vadd.f32 v61, v37;
	v19 =	vadd.f32 v33, v19  }
0x176: {  	v61 =	vld [tilespmem:s20+$0x440];
	v20 =	vadd.f32 v34, v20;
	v47 =	vadd.f32 v51, v47;
	v51 =	vmul.f32 v60, v60  }
0x177: {  	v38 =	vadd.f32 v60, v38;
	v49 =	vadd.f32 v54, v49  }
0x178: {  	v50 =	vadd.f32 v55, v50;
	v55 =	vmul.f32 v54, v54;
	v10 =	vadd.f32 v51, v10  }
0x179: {  	v60 =	vld [tilespmem:s20+$0x450];
	v63 =	vmul.f32 v59, v59;
	v5 =	vadd.f32 v59, v5;
	v3 =	vadd.f32 v56, v3  }
0x17a: {  	v54 =	vld [tilespmem:s20+$0x460];
	v14 =	vadd.f32 v55, v14;
	v55 =	vmul.f32 v56, v56;
	v56 =	vadd.f32 v62, v58  }
0x17b: {  	v16 =	vadd.f32 v63, v16;
	v51 =	vadd.f32 v61, v57  }
0x17c: {  	v63 =	vmul.f32 v62, v62;
	v5 =	vsub.f32 v5, v26;
	v3 =	vsub.f32 v3, v27  }
0x17d: {  	v10 =	vsub.f32 v10, v1;
	v55 =	vadd.f32 v55, v18;
	v18 =	vmul.f32 v61, v61  }
0x17e: {  	v59 =	vld [tilespmem:$0x1FD90];
	v7 =	vadd.f32 v60, v7;
	v61 =	vmul.f32 v60, v60;
	v60 =	vsub.f32 v35, v21  }
0x17f: {  	v2 =	vadd.f32 v63, v2;
	v52 =	vadd.f32 v54, v52  }
0x180: {  	v26 =	vadd.f32 v5, v26;
	v27 =	vadd.f32 v3, v27  }
0x181: {  	v3 =	vsub.f32 v51, v29;
	v51 =	vsub.f32 v48, v32  }
0x182: {  	v1 =	vadd.f32 v10, v1;
	v4 =	vadd.f32 v18, v4  }
0x183: {  	v62 =	vmul.f32 v54, v54;
	v63 =	vld [tilespmem:$0x1FD80];
	v53 =	vadd.f32 v61, v53;
	v18 =	vsub.f32 v39, v59  }
0x184: {  	v61 =	vsub.f32 v36, v22;
	v21 =	vadd.f32 v60, v21  }
0x185: {  	v5 =	vsub.f32 v7, v30;
	v54 =	vadd.f32 v62, v17  }
0x186: {  	v62 =	vsub.f32 v37, v23;
	v7 =	vsub.f32 v52, v31  }
0x187: {  	v29 =	vadd.f32 v3, v29;
	v32 =	vadd.f32 v51, v32  }
0x188: {  	v2 =	vsub.f32 v2, v15;
	v17 =	vsub.f32 v46, v63  }
0x189: {  	v57 =	vadd.f32 v18, v59;
	v22 =	vadd.f32 v61, v22  }
0x18a: {  	v30 =	vadd.f32 v5, v30;
	v39 =	vadd.f32 v17, v63;
	v17 =	vld [tilespmem:$0x1FDB0]  }
0x18b: {  	v18 =	vld [tilespmem:$0x1FDC0];
	v4 =	vsub.f32 v4, v9;
	v23 =	vadd.f32 v62, v23  }
0x18c: {  	v52 =	vld [tilespmem:$0x1FDD0];
	v31 =	vadd.f32 v7, v31;
	v15 =	vadd.f32 v2, v15  }
0x18d: {  	v10 =	vsub.f32 v54, v12;
	v46 =	vsub.f32 v49, v25  }
0x18e: {  	v62 =	vld [tilespmem:$0x1FE10];
	v49 =	vsub.f32 v56, v28;
	v9 =	vadd.f32 v4, v9  }
0x18f: {  	v12 =	vadd.f32 v10, v12;
	v3 =	vsub.f32 v41, v17  }
0x190: {  	v56 =	vld [tilespmem:$0x1FDE0];
	v63 =	vsub.f32 v38, v24;
	v5 =	vsub.f32 v42, v18  }
0x191: {  	s30 =	simm.s32 $0x0;
	v7 =	vsub.f32 v43, v52;
	v59 =	vadd.f32 v3, v17;
	v17 =	vld [tilespmem:$0x1FDF0]  }
0x192: {  	[tilespmem:s30], [sflag:$0x1] =	stream.linear.gather [hbm4b:s9+s30], $0xC800, $0x38;
	v25 =	vadd.f32 v46, v25;
	v60 =	vadd.f32 v5, v18;
	v18 =	vld [tilespmem:$0x1FE00]  }
0x193: {  	v61 =	vadd.f32 v7, v52;
	v7 =	vsub.f32 v50, v62;
	_ =	swait.ge [sflag:s15], $0xC800  }
0x194: {  	s31 =	sand.u32 $0xF800, s30;
	s19 =	sand.u32 $0x380, s30;
	v28 =	vadd.f32 v49, v28;
	v24 =	vadd.f32 v63, v24;
	[sflag:s15] =	ssyncset.done $0x0  }
0x195: {  	s19 =	sor.u32 s19, s31;
	v63 =	vadd.f32 v7, v62;
	v7 =	vsub.f32 v55, v11;
	[sflag:s15] =	ssyncadd.s32 $0xFFFF3800  }
0x196: {  	v58 =	vsub.f32 v44, v56;
	v2 =	vld [tilespmem:s19+$0xC800];
	v3 =	vsub.f32 v45, v17  }
0x197: {  	v11 =	vadd.f32 v7, v11;
	v5 =	vsub.f32 v47, v18;
	v7 =	vld [tilespmem:s19+$0xC810]  }
0x198: {  	v45 =	vadd.f32 v3, v17;
	v3 =	vsub.f32 v14, v6;
	v17 =	vld [tilespmem:$0x1FDA0]  }
0x199: {  	v18 =	vadd.f32 v5, v18;
	v5 =	vsub.f32 v16, v8  }
0x19a: {  	v44 =	vadd.f32 v58, v56;
	[tilespmem:$0x1FCE0] =	vst v39;
	v6 =	vadd.f32 v3, v6;
	v3 =	vld [tilespmem:s19+$0xCC70]  }
0x19b: {  	[tilespmem:$0x1FCF0] =	vst v57;
	v16 =	vld [tilespmem:s19+$0xC820];
	v8 =	vadd.f32 v5, v8;
	v5 =	vsub.f32 v53, v13  }
0x19c: {  	[tilespmem:$0x1FD20] =	vst v60;
	v4 =	vld [tilespmem:s19+$0xC830];
	v46 =	vadd.f32 v2, v39;
	v39 =	vadd.f32 v7, v57;
	v7 =	vmul.f32 v7, v7  }
0x19d: {  	v54 =	vmovc v15;
	v51 =	vmov v12;
	[tilespmem:$0x1FD30] =	vst v61;
	v13 =	vadd.f32 v5, v13;
	v5 =	vld [tilespmem:s19+$0xC840];
	v14 =	vsub.f32 v40, v17  }
0x19e: {  	v52 =	vmovc v31;
	v62 =	vmov v26;
	[tilespmem:$0x1FD40] =	vst v44;
	v2 =	vmul.f32 v2, v2;
	v42 =	vadd.f32 v7, v60;
	v7 =	vld [tilespmem:s19+$0xCC00]  }
0x19f: {  	[tilespmem:$0x1FD70] =	vst v63;
	v17 =	vadd.f32 v14, v17;
	v10 =	vmul.f32 v3, v3;
	v48 =	vadd.f32 v3, v32;
	v3 =	vld [tilespmem:s19+$0xC850]  }
0x1a0: {  	v55 =	vmovc v30;
	v58 =	vmov v28;
	[tilespmem:$0x1FD10] =	vst v59;
	v41 =	vadd.f32 v2, v59;
	v2 =	vmul.f32 v16, v16;
	v14 =	vld [tilespmem:s19+$0xC860]  }
0x1a1: {  	[tilespmem:$0x1FD60] =	vst v18;
	v34 =	vadd.f32 v4, v20;
	v4 =	vmul.f32 v4, v4;
	v40 =	vadd.f32 v10, v17;
	v10 =	vld [tilespmem:s19+$0xC870]  }
0x1a2: {  	v53 =	vmovc v9;
	v33 =	vadd.f32 v16, v19;
	v43 =	vadd.f32 v2, v61;
	v2 =	vmul.f32 v5, v5  }
0x1a3: {  	v57 =	vmovc v29;
	[tilespmem:$0x1FD50] =	vst v45;
	v56 =	vmov v13;
	v44 =	vadd.f32 v4, v44;
	v35 =	vadd.f32 v5, v21;
	v5 =	vld [tilespmem:s19+$0xCC10]  }
0x1a4: {  	v16 =	vmovc v1;
	v45 =	vadd.f32 v2, v45;
	v36 =	vadd.f32 v3, v22;
	v4 =	vmul.f32 v3, v3;
	v3 =	vld [tilespmem:s19+$0xCC20]  }
0x1a5: {  	v59 =	vmovc v27;
	v2 =	vld [tilespmem:s19+$0xCC30];
	v49 =	vadd.f32 v7, v25;
	v37 =	vadd.f32 v14, v23;
	v14 =	vmul.f32 v14, v14  }
0x1a6: {  	s21 =	simm.s32 $0x100;
	s20 =	simm.s32 $0x80;
	v60 =	vmovc v8;
	v47 =	vadd.f32 v4, v18;
	v38 =	vadd.f32 v10, v24;
	v10 =	vmul.f32 v10, v10;
	v4 =	vld [tilespmem:s19+$0xCC40]  }
0x1a7: {  	s22 =	sand.u32 $0xF800, s21;
	s21 =	simm.s32 $0x200;
	s23 =	sand.u32 $0x380, s20;
	v61 =	vmovc v11;
	[tilespmem:$0x1FD00] =	vst v17;
	v50 =	vadd.f32 v14, v63;
	v14 =	vmul.f32 v7, v7;
	v7 =	vld [tilespmem:s19+$0xCC50];
	v63 =	vmov v6  }
.LBB2_12:
0x1a8: {  	p0 =	sne.s32 s21, $0xC700;
	v16 =	vadd.f32 v10, v16;
	v62 =	vadd.f32 v5, v62;
	v5 =	vmul.f32 v5, v5;
	v10 =	vld [tilespmem:s19+$0xCC60];
	s19 =	sor.u32 s23, s22  }
0x1a9: {  	v17 =	vld [tilespmem:s19+$0xCC70];
	v63 =	vadd.f32 v14, v63;
	v59 =	vadd.f32 v3, v59;
	v3 =	vmul.f32 v3, v3  }
0x1aa: {  	v14 =	vld [tilespmem:s19+$0xC800];
	v60 =	vadd.f32 v5, v60;
	v58 =	vadd.f32 v2, v58;
	v2 =	vmul.f32 v2, v2  }
0x1ab: {  	v5 =	vld [tilespmem:s19+$0xC810];
	v61 =	vadd.f32 v3, v61;
	v57 =	vadd.f32 v4, v57;
	v3 =	vmul.f32 v4, v4  }
0x1ac: {  	v4 =	vld [tilespmem:s19+$0xC820];
	v54 =	vadd.f32 v2, v54;
	v55 =	vadd.f32 v7, v55;
	v2 =	vmul.f32 v7, v7  }
0x1ad: {  	v7 =	vld [tilespmem:s19+$0xC830];
	v53 =	vadd.f32 v3, v53;
	v52 =	vadd.f32 v10, v52;
	v3 =	vmul.f32 v10, v10  }
0x1ae: {  	v10 =	vld [tilespmem:s19+$0xC840];
	v48 =	vadd.f32 v17, v48;
	v17 =	vmul.f32 v17, v17;
	v56 =	vadd.f32 v2, v56  }
0x1af: {  	v46 =	vadd.f32 v14, v46;
	v2 =	vmul.f32 v14, v14;
	v14 =	vld [tilespmem:s19+$0xC850];
	v51 =	vadd.f32 v3, v51  }
0x1b0: {  	v39 =	vadd.f32 v5, v39;
	v3 =	vmul.f32 v5, v5;
	v18 =	vld [tilespmem:s19+$0xC860];
	v40 =	vadd.f32 v17, v40  }
0x1b1: {  	v41 =	vadd.f32 v2, v41;
	v33 =	vadd.f32 v4, v33;
	v2 =	vmul.f32 v4, v4;
	v4 =	vld [tilespmem:s19+$0xC870]  }
0x1b2: {  	v42 =	vadd.f32 v3, v42;
	v34 =	vadd.f32 v7, v34;
	v3 =	vmul.f32 v7, v7;
	v7 =	vld [tilespmem:s19+$0xCC00]  }
.Ltmp5:
0x1b3: {  	v43 =	vadd.f32 v2, v43;
	v35 =	vadd.f32 v10, v35;
	v2 =	vmul.f32 v10, v10;
	v5 =	vld [tilespmem:s19+$0xCC10];
	(pc) =	sbr.rel @p0 .LBB2_12-.Ltmp5, $4  }
0x1b4: {  	v44 =	vadd.f32 v3, v44;
	v36 =	vadd.f32 v14, v36;
	v10 =	vmul.f32 v14, v14;
	v3 =	vld [tilespmem:s19+$0xCC20]  }
0x1b5: {  	v45 =	vadd.f32 v2, v45;
	v37 =	vadd.f32 v18, v37;
	v14 =	vmul.f32 v18, v18;
	v2 =	vld [tilespmem:s19+$0xCC30]  }
0x1b6: {  	s20 =	sadd.s32 $0x80, s20;
	v47 =	vadd.f32 v10, v47;
	v38 =	vadd.f32 v4, v38;
	v10 =	vmul.f32 v4, v4;
	v4 =	vld [tilespmem:s19+$0xCC40]  }
0x1b7: {  	s22 =	sand.u32 $0xF800, s21;
	s21 =	sadd.s32 $0x100, s21;
	s23 =	sand.u32 $0x380, s20;
	v50 =	vadd.f32 v14, v50;
	v49 =	vadd.f32 v7, v49;
	v14 =	vmul.f32 v7, v7;
	v7 =	vld [tilespmem:s19+$0xCC50]  }
0x1b8: {  	v10 =	vadd.f32 v10, v16;
	v16 =	vmul.f32 v5, v5;
	v5 =	vadd.f32 v5, v62;
	s20 =	sor.u32 s23, s22;
	v17 =	vld [tilespmem:s19+$0xCC60]  }
0x1b9: {  	v14 =	vadd.f32 v14, v63;
	v18 =	vmul.f32 v3, v3;
	v3 =	vadd.f32 v3, v59;
	v59 =	vld [tilespmem:s20+$0xCC70]  }
0x1ba: {  	v16 =	vadd.f32 v16, v60;
	v58 =	vadd.f32 v2, v58;
	v2 =	vmul.f32 v2, v2;
	v60 =	vld [tilespmem:s20+$0xC800]  }
0x1bb: {  	v18 =	vadd.f32 v18, v61;
	v57 =	vadd.f32 v4, v57;
	v4 =	vmul.f32 v4, v4;
	v61 =	vld [tilespmem:s20+$0xC810]  }
0x1bc: {  	v62 =	vmul.f32 v7, v7;
	v2 =	vadd.f32 v2, v54;
	v7 =	vadd.f32 v7, v55;
	v54 =	vld [tilespmem:s20+$0xC820]  }
0x1bd: {  	v55 =	vld [tilespmem:s20+$0xC830];
	v4 =	vadd.f32 v4, v53;
	v52 =	vadd.f32 v17, v52;
	v17 =	vmul.f32 v17, v17  }
0x1be: {  	v53 =	vadd.f32 v62, v56;
	v48 =	vadd.f32 v59, v48;
	v56 =	vld [tilespmem:s20+$0xC840];
	v59 =	vmul.f32 v59, v59  }
0x1bf: {  	v62 =	vld [tilespmem:s20+$0xC850];
	v46 =	vadd.f32 v60, v46;
	v60 =	vmul.f32 v60, v60;
	v17 =	vadd.f32 v17, v51  }
0x1c0: {  	v39 =	vadd.f32 v61, v39;
	v51 =	vmul.f32 v61, v61;
	v59 =	vadd.f32 v59, v40  }
0x1c1: {  	v61 =	vld [tilespmem:s20+$0xC860];
	v40 =	vadd.f32 v60, v41;
	v41 =	vmul.f32 v54, v54;
	v33 =	vadd.f32 v54, v33  }
0x1c2: {  	v34 =	vadd.f32 v55, v34;
	v42 =	vadd.f32 v51, v42  }
0x1c3: {  	v60 =	vld [tilespmem:s20+$0xC870];
	v51 =	vmul.f32 v55, v55;
	v41 =	vadd.f32 v41, v43;
	v35 =	vadd.f32 v56, v35  }
0x1c4: {  	v54 =	vld [tilespmem:s20+$0xCC00];
	v63 =	vmul.f32 v56, v56;
	v36 =	vadd.f32 v62, v36;
	v33 =	vsub.f32 v33, v19  }
0x1c5: {  	v55 =	vld [tilespmem:s20+$0xCC10];
	v34 =	vsub.f32 v34, v20;
	v44 =	vadd.f32 v51, v44  }
0x1c6: {  	v56 =	vld [tilespmem:s20+$0xCC20];
	v51 =	vmul.f32 v62, v62;
	v43 =	vadd.f32 v63, v45;
	v37 =	vadd.f32 v61, v37  }
0x1c7: {  	v45 =	vmul.f32 v61, v61;
	v33 =	vadd.f32 v33, v19;
	v19 =	vsub.f32 v36, v22  }
0x1c8: {  	v62 =	vld [tilespmem:s20+$0xCC30];
	v47 =	vadd.f32 v51, v47;
	v38 =	vadd.f32 v60, v38  }
0x1c9: {  	v51 =	vmul.f32 v60, v60;
	v49 =	vadd.f32 v54, v49;
	v45 =	vadd.f32 v45, v50  }
0x1ca: {  	v61 =	vld [tilespmem:s20+$0xCC40];
	v50 =	vmul.f32 v54, v54;
	v63 =	vmul.f32 v55, v55;
	v5 =	vadd.f32 v55, v5  }
0x1cb: {  	v60 =	vld [tilespmem:s20+$0xCC50];
	v10 =	vadd.f32 v51, v10;
	v3 =	vadd.f32 v56, v3  }
0x1cc: {  	v14 =	vadd.f32 v50, v14;
	v50 =	vmul.f32 v56, v56;
	v16 =	vadd.f32 v63, v16  }
0x1cd: {  	v54 =	vld [tilespmem:s20+$0xCC60];
	v63 =	vmul.f32 v62, v62;
	v55 =	vadd.f32 v62, v58;
	v5 =	vsub.f32 v5, v26  }
0x1ce: {  	v3 =	vsub.f32 v3, v27;
	v18 =	vadd.f32 v50, v18  }
0x1cf: {  	v2 =	vadd.f32 v63, v2;
	v50 =	vadd.f32 v61, v57  }
0x1d0: {  	v61 =	vmul.f32 v61, v61;
	v7 =	vadd.f32 v60, v7;
	v57 =	vadd.f32 v34, v20  }
0x1d1: {  	v62 =	vmul.f32 v60, v60;
	v60 =	vld [tilespmem:$0x1FCE0];
	v20 =	vsub.f32 v37, v23;
	v26 =	vadd.f32 v5, v26  }
0x1d2: {  	v63 =	vmul.f32 v54, v54;
	v51 =	vadd.f32 v54, v52;
	v4 =	vadd.f32 v61, v4  }
0x1d3: {  	v52 =	vadd.f32 v62, v53;
	v61 =	vld [tilespmem:$0x1FCF0];
	v58 =	vadd.f32 v20, v23  }
0x1d4: {  	v5 =	vsub.f32 v7, v30;
	v53 =	vadd.f32 v63, v17  }
0x1d5: {  	v20 =	vld [tilespmem:$0x1FD20];
	v63 =	vadd.f32 v19, v22;
	v19 =	vsub.f32 v55, v28  }
0x1d6: {  	v10 =	vsub.f32 v10, v1;
	v17 =	vsub.f32 v46, v60  }
0x1d7: {  	v30 =	vadd.f32 v5, v30;
	v28 =	vadd.f32 v19, v28  }
0x1d8: {  	v39 =	vsub.f32 v39, v61;
	v54 =	vadd.f32 v17, v60  }
0x1d9: {  	v19 =	vld [tilespmem:$0x1FD10];
	v17 =	vsub.f32 v35, v21;
	v35 =	vadd.f32 v3, v27  }
0x1da: {  	v22 =	vld [tilespmem:$0x1FD40];
	v3 =	vsub.f32 v50, v29;
	v5 =	vsub.f32 v42, v20  }
0x1db: {  	v36 =	vadd.f32 v17, v21;
	v17 =	vsub.f32 v49, v25  }
0x1dc: {  	v56 =	vadd.f32 v39, v61;
	v29 =	vadd.f32 v3, v29  }
0x1dd: {  	v21 =	vld [tilespmem:$0x1FD30];
	v60 =	vadd.f32 v17, v25;
	v17 =	vsub.f32 v48, v32  }
0x1de: {  	v61 =	vadd.f32 v5, v20;
	v3 =	vsub.f32 v40, v19  }
0x1df: {  	v20 =	vld [tilespmem:$0x1FD70];
	v23 =	vadd.f32 v17, v32;
	v17 =	vsub.f32 v44, v22  }
0x1e0: {  	s30 =	simm.s32 $0x0;
	v7 =	vsub.f32 v51, v31;
	v27 =	vadd.f32 v3, v19;
	v19 =	vld [tilespmem:$0x1FD60]  }
0x1e1: {  	[tilespmem:s13], [sflag:$0x2] =	stream.linear.gather [hbm4b:s10+s30], $0xC800, $0x38;
	v62 =	vsub.f32 v38, v24;
	v39 =	vadd.f32 v17, v22;
	v17 =	vld [tilespmem:$0x1FD50]  }
0x1e2: {  	v31 =	vadd.f32 v7, v31;
	v7 =	vsub.f32 v41, v21;
	_ =	swait.ge [sflag:s14], $0xC800  }
0x1e3: {  	s31 =	sand.u32 $0xF800, s30;
	s19 =	sand.u32 $0x380, s30;
	v2 =	vsub.f32 v2, v15;
	v24 =	vadd.f32 v62, v24;
	[sflag:s14] =	ssyncset.done $0x0  }
0x1e4: {  	s19 =	sor.u32 s19, s31;
	v21 =	vadd.f32 v7, v21;
	v7 =	vsub.f32 v45, v20;
	[sflag:s14] =	ssyncadd.s32 $0xFFFF3800  }
0x1e5: {  	v15 =	vadd.f32 v2, v15;
	v5 =	vsub.f32 v47, v19;
	v2 =	vld [tilespmem:s19+$0x0]  }
0x1e6: {  	v46 =	vadd.f32 v7, v20;
	v3 =	vsub.f32 v43, v17  }
0x1e7: {  	v41 =	vadd.f32 v5, v19;
	v5 =	vsub.f32 v18, v11  }
0x1e8: {  	[tilespmem:$0x1FC20] =	vst v23;
	v40 =	vadd.f32 v3, v17;
	v17 =	vadd.f32 v10, v1;
	v10 =	vld [tilespmem:$0x1FD00]  }
0x1e9: {  	v38 =	vmov v54;
	[tilespmem:$0x1FC30] =	vst v56;
	v20 =	vld [tilespmem:s19+$0x60];
	v1 =	vsub.f32 v14, v6;
	v3 =	vsub.f32 v16, v8  }
0x1ea: {  	[tilespmem:$0x1FC40] =	vst v27;
	v62 =	vld [tilespmem:s19+$0x400];
	v11 =	vadd.f32 v5, v11;
	v25 =	vadd.f32 v2, v38  }
0x1eb: {  	[tilespmem:$0x1FC50] =	vst v33;
	v14 =	vadd.f32 v1, v6;
	v8 =	vadd.f32 v3, v8;
	v1 =	vld [tilespmem:s19+$0x470]  }
0x1ec: {  	[tilespmem:$0x1FC60] =	vst v61;
	v5 =	vld [tilespmem:s19+$0x10];
	v3 =	vsub.f32 v4, v9;
	v4 =	vsub.f32 v52, v13  }
0x1ed: {  	[tilespmem:$0x1FC70] =	vst v57;
	v16 =	vld [tilespmem:s19+$0x20];
	v6 =	vsub.f32 v53, v12;
	v7 =	vsub.f32 v59, v10  }
0x1ee: {  	[tilespmem:$0x1FC90] =	vst v36;
	v42 =	vadd.f32 v3, v9;
	v43 =	vadd.f32 v4, v13;
	v3 =	vld [tilespmem:s19+$0x30]  }
0x1ef: {  	v55 =	vmovc v30;
	v54 =	vmov v15;
	[tilespmem:$0x1FCA0] =	vst v63;
	v44 =	vadd.f32 v6, v12;
	v4 =	vld [tilespmem:s19+$0x40];
	v45 =	vadd.f32 v7, v10  }
0x1f0: {  	[tilespmem:$0x1FCC0] =	vst v24;
	v18 =	vld [tilespmem:s19+$0x50];
	v6 =	vmul.f32 v1, v1;
	v48 =	vadd.f32 v1, v23;
	v1 =	vmul.f32 v2, v2  }
0x1f1: {  	[tilespmem:$0x1FCD0] =	vst v60;
	v49 =	vadd.f32 v62, v60;
	v7 =	vadd.f32 v5, v56;
	v2 =	vmul.f32 v5, v5  }
0x1f2: {  	[tilespmem:$0x1FC80] =	vst v21;
	v5 =	vmul.f32 v16, v16;
	v9 =	vadd.f32 v6, v45;
	v10 =	vadd.f32 v1, v27  }
0x1f3: {  	v32 =	vmul.f32 v62, v62;
	v62 =	vmovc v26;
	v23 =	vld [tilespmem:s19+$0x70];
	v12 =	vadd.f32 v2, v61;
	v2 =	vadd.f32 v3, v57  }
0x1f4: {  	v47 =	vmovc v17;
	v6 =	vmul.f32 v3, v3;
	v13 =	vadd.f32 v5, v21;
	v3 =	vadd.f32 v4, v36  }
0x1f5: {  	v52 =	vmovc v31;
	v5 =	vmul.f32 v4, v4;
	v21 =	vld [tilespmem:s19+$0x410];
	v4 =	vadd.f32 v18, v63;
	v63 =	vmul.f32 v20, v20  }
0x1f6: {  	v19 =	vld [tilespmem:s19+$0x420];
	v60 =	vmovc v8;
	v1 =	vadd.f32 v16, v33;
	v16 =	vadd.f32 v6, v39;
	v6 =	vmul.f32 v18, v18  }
0x1f7: {  	v59 =	vmovc v35;
	v53 =	vmovc v42;
	v51 =	vmov v44;
	v22 =	vadd.f32 v5, v40;
	v5 =	vadd.f32 v20, v58;
	v18 =	vld [tilespmem:s19+$0x430]  }
0x1f8: {  	s21 =	simm.s32 $0x100;
	s20 =	simm.s32 $0x80;
	v56 =	vmovc v43;
	v20 =	vld [tilespmem:s19+$0x440];
	v27 =	vadd.f32 v6, v41;
	v6 =	vadd.f32 v23, v24;
	v24 =	vmul.f32 v23, v23  }
0x1f9: {  	s22 =	sand.u32 $0xF800, s21;
	s21 =	simm.s32 $0x200;
	s23 =	sand.u32 $0x380, s20;
	[tilespmem:$0x1FCB0] =	vst v58;
	v61 =	vmovc v11;
	v57 =	vmovc v29;
	v50 =	vadd.f32 v63, v46;
	v58 =	vmov v28;
	v23 =	vld [tilespmem:s19+$0x450];
	v63 =	vmov v14  }
.LBB2_14:
0x1fa: {  	p0 =	sne.s32 s21, $0xC700;
	v47 =	vadd.f32 v24, v47;
	v62 =	vadd.f32 v21, v62;
	v21 =	vmul.f32 v21, v21;
	v24 =	vld [tilespmem:s19+$0x460];
	s19 =	sor.u32 s23, s22  }
0x1fb: {  	v33 =	vld [tilespmem:s19+$0x470];
	v63 =	vadd.f32 v32, v63;
	v59 =	vadd.f32 v19, v59;
	v19 =	vmul.f32 v19, v19  }
0x1fc: {  	v32 =	vld [tilespmem:s19+$0x0];
	v60 =	vadd.f32 v21, v60;
	v58 =	vadd.f32 v18, v58;
	v18 =	vmul.f32 v18, v18  }
0x1fd: {  	v21 =	vld [tilespmem:s19+$0x10];
	v61 =	vadd.f32 v19, v61;
	v57 =	vadd.f32 v20, v57;
	v19 =	vmul.f32 v20, v20  }
0x1fe: {  	v20 =	vld [tilespmem:s19+$0x20];
	v54 =	vadd.f32 v18, v54;
	v55 =	vadd.f32 v23, v55;
	v18 =	vmul.f32 v23, v23  }
0x1ff: {  	v23 =	vld [tilespmem:s19+$0x30];
	v53 =	vadd.f32 v19, v53;
	v52 =	vadd.f32 v24, v52;
	v19 =	vmul.f32 v24, v24  }
0x200: {  	v24 =	vld [tilespmem:s19+$0x40];
	v48 =	vadd.f32 v33, v48;
	v33 =	vmul.f32 v33, v33;
	v56 =	vadd.f32 v18, v56  }
0x201: {  	v25 =	vadd.f32 v32, v25;
	v18 =	vmul.f32 v32, v32;
	v32 =	vld [tilespmem:s19+$0x50];
	v51 =	vadd.f32 v19, v51  }
0x202: {  	v7 =	vadd.f32 v21, v7;
	v19 =	vmul.f32 v21, v21;
	v34 =	vld [tilespmem:s19+$0x60];
	v9 =	vadd.f32 v33, v9  }
0x203: {  	v10 =	vadd.f32 v18, v10;
	v1 =	vadd.f32 v20, v1;
	v18 =	vmul.f32 v20, v20;
	v20 =	vld [tilespmem:s19+$0x70]  }
0x204: {  	v12 =	vadd.f32 v19, v12;
	v2 =	vadd.f32 v23, v2;
	v19 =	vmul.f32 v23, v23;
	v23 =	vld [tilespmem:s19+$0x400]  }
.Ltmp6:
0x205: {  	v13 =	vadd.f32 v18, v13;
	v3 =	vadd.f32 v24, v3;
	v18 =	vmul.f32 v24, v24;
	v21 =	vld [tilespmem:s19+$0x410];
	(pc) =	sbr.rel @p0 .LBB2_14-.Ltmp6, $4  }
0x206: {  	v16 =	vadd.f32 v19, v16;
	v4 =	vadd.f32 v32, v4;
	v24 =	vmul.f32 v32, v32;
	v19 =	vld [tilespmem:s19+$0x420]  }
0x207: {  	v22 =	vadd.f32 v18, v22;
	v5 =	vadd.f32 v34, v5;
	v32 =	vmul.f32 v34, v34;
	v18 =	vld [tilespmem:s19+$0x430]  }
0x208: {  	s20 =	sadd.s32 $0x80, s20;
	v27 =	vadd.f32 v24, v27;
	v6 =	vadd.f32 v20, v6;
	v24 =	vmul.f32 v20, v20;
	v20 =	vld [tilespmem:s19+$0x440]  }
0x209: {  	s22 =	sand.u32 $0xF800, s21;
	s21 =	sadd.s32 $0x100, s21;
	s23 =	sand.u32 $0x380, s20;
	v50 =	vadd.f32 v32, v50;
	v49 =	vadd.f32 v23, v49;
	v32 =	vmul.f32 v23, v23;
	v23 =	vld [tilespmem:s19+$0x450]  }
0x20a: {  	v24 =	vadd.f32 v24, v47;
	v33 =	vmul.f32 v21, v21;
	v21 =	vadd.f32 v21, v62;
	s20 =	sor.u32 s23, s22;
	v34 =	vld [tilespmem:s19+$0x460]  }
0x20b: {  	v32 =	vadd.f32 v32, v63;
	v63 =	vmul.f32 v19, v19;
	v19 =	vadd.f32 v19, v59;
	v59 =	vld [tilespmem:s20+$0x470]  }
0x20c: {  	v33 =	vadd.f32 v33, v60;
	v58 =	vadd.f32 v18, v58;
	v18 =	vmul.f32 v18, v18;
	v60 =	vld [tilespmem:s20+$0x0]  }
0x20d: {  	v36 =	vld [tilespmem:s20+$0x10];
	v47 =	vadd.f32 v63, v61;
	v57 =	vadd.f32 v20, v57;
	v20 =	vmul.f32 v20, v20  }
0x20e: {  	v37 =	vmul.f32 v23, v23;
	v18 =	vadd.f32 v18, v54;
	v23 =	vadd.f32 v23, v55;
	v54 =	vld [tilespmem:s20+$0x20]  }
0x20f: {  	v55 =	vld [tilespmem:s20+$0x30];
	v20 =	vadd.f32 v20, v53;
	v52 =	vadd.f32 v34, v52  }
0x210: {  	v34 =	vmul.f32 v34, v34;
	v53 =	vadd.f32 v37, v56;
	v48 =	vadd.f32 v59, v48;
	v56 =	vld [tilespmem:s20+$0x40]  }
0x211: {  	v62 =	vld [tilespmem:s20+$0x50];
	v59 =	vmul.f32 v59, v59;
	v25 =	vadd.f32 v60, v25;
	v60 =	vmul.f32 v60, v60  }
0x212: {  	v61 =	vld [tilespmem:s20+$0x60];
	v7 =	vadd.f32 v36, v7;
	v34 =	vadd.f32 v34, v51;
	v51 =	vmul.f32 v36, v36  }
0x213: {  	v36 =	vadd.f32 v59, v9;
	v60 =	vadd.f32 v60, v10;
	v9 =	vmul.f32 v54, v54;
	v10 =	vld [tilespmem:s20+$0x70]  }
0x214: {  	v1 =	vadd.f32 v54, v1;
	v59 =	vmul.f32 v55, v55;
	v54 =	vld [tilespmem:s20+$0x400]  }
0x215: {  	v2 =	vadd.f32 v55, v2;
	v55 =	vadd.f32 v9, v13;
	v9 =	vmul.f32 v56, v56  }
0x216: {  	v12 =	vadd.f32 v51, v12;
	v13 =	vld [tilespmem:s20+$0x410];
	v51 =	vadd.f32 v59, v16;
	v16 =	vmul.f32 v62, v62  }
0x217: {  	v37 =	vadd.f32 v9, v22;
	v9 =	vmul.f32 v61, v61;
	v22 =	vld [tilespmem:s20+$0x430]  }
0x218: {  	v5 =	vadd.f32 v61, v5;
	v61 =	vadd.f32 v16, v27;
	v16 =	vmul.f32 v10, v10  }
0x219: {  	v49 =	vadd.f32 v54, v49;
	v50 =	vadd.f32 v9, v50;
	v9 =	vmul.f32 v54, v54;
	v54 =	vld [tilespmem:s20+$0x460];
	_ =	sdelay $0x1  }
0x21a: {  	v24 =	vadd.f32 v16, v24  }
0x21b: {  	v16 =	vmul.f32 v13, v13;
	v21 =	vadd.f32 v13, v21;
	v13 =	vmul.f32 v22, v22  }
0x21c: {  	v4 =	vadd.f32 v62, v4  }
0x21d: {  	v62 =	vadd.f32 v22, v58;
	v58 =	vadd.f32 v13, v18;
	v13 =	vmul.f32 v54, v54  }
0x21e: {  	v3 =	vadd.f32 v56, v3;
	v56 =	vld [tilespmem:s20+$0x420]  }
0x21f: {  	v34 =	vadd.f32 v13, v34;
	v13 =	vld [tilespmem:$0x1FC30]  }
0x220: {  	v27 =	vld [tilespmem:s20+$0x440]  }
0x221: {  	v6 =	vadd.f32 v10, v6;
	v10 =	vld [tilespmem:s20+$0x450];
	_ =	sdelay $0x1  }
0x222: {  	v63 =	vadd.f32 v9, v32;
	v9 =	vmul.f32 v56, v56  }
0x223: {  	v33 =	vadd.f32 v16, v33;
	v16 =	vld [tilespmem:$0x1FC50];
	v7 =	vsub.f32 v7, v13  }
0x224: {  	v57 =	vadd.f32 v27, v57;
	v47 =	vadd.f32 v9, v47;
	v9 =	vmul.f32 v27, v27  }
0x225: {  	v23 =	vadd.f32 v10, v23;
	v10 =	vmul.f32 v10, v10;
	v27 =	vadd.f32 v7, v13;
	v7 =	vld [tilespmem:$0x1FC90]  }
0x226: {  	v9 =	vadd.f32 v9, v20;
	v13 =	vld [tilespmem:$0x1FCB0]  }
0x227: {  	v20 =	vadd.f32 v54, v52;
	v52 =	vadd.f32 v10, v53  }
0x228: {  	v18 =	vld [tilespmem:$0x1FC70];
	v10 =	vsub.f32 v25, v38;
	v1 =	vsub.f32 v1, v16;
	_ =	sdelay $0x1  }
0x229: {  	v38 =	vadd.f32 v10, v38;
	v10 =	vld [tilespmem:$0x1FCA0];
	v25 =	vadd.f32 v1, v16  }
0x22a: {  	v1 =	vsub.f32 v3, v7;
	v3 =	vsub.f32 v5, v13;
	v5 =	vld [tilespmem:$0x1FCC0];
	_ =	sdelay $0x1  }
0x22b: {  	v2 =	vsub.f32 v2, v18;
	_ =	sdelay $0x1  }
0x22c: {  	v22 =	vadd.f32 v2, v18  }
0x22d: {  	v2 =	vsub.f32 v4, v10;
	v4 =	vsub.f32 v6, v5;
	_ =	sdelay $0x1  }
0x22e: {  	v16 =	vadd.f32 v3, v13;
	v13 =	vadd.f32 v4, v5;
	v5 =	vld [tilespmem:$0x1FCD0];
	_ =	sdelay $0x1  }
0x22f: {  	v32 =	vadd.f32 v56, v19  }
0x230: {  	v18 =	vadd.f32 v2, v10  }
0x231: {  	v19 =	vadd.f32 v1, v7;
	v3 =	vsub.f32 v32, v35;
	v7 =	vld [tilespmem:$0x1FC80]  }
0x232: {  	v2 =	vsub.f32 v21, v26;
	v1 =	vsub.f32 v49, v5  }
0x233: {  	v59 =	vadd.f32 v3, v35;
	v3 =	vsub.f32 v20, v31;
	v6 =	vld [tilespmem:$0x1FC60]  }
0x234: {  	v4 =	vsub.f32 v62, v28;
	v49 =	vadd.f32 v1, v5;
	v5 =	vld [tilespmem:$0x1FC20]  }
0x235: {  	v62 =	vadd.f32 v2, v26;
	v2 =	vsub.f32 v23, v30  }
0x236: {  	v56 =	vadd.f32 v3, v31;
	v3 =	vsub.f32 v55, v7  }
0x237: {  	v54 =	vadd.f32 v4, v28;
	v53 =	vadd.f32 v2, v30  }
0x238: {  	v30 =	vadd.f32 v3, v7;
	v2 =	vsub.f32 v12, v6  }
0x239: {  	v3 =	vsub.f32 v50, v46;
	v4 =	vsub.f32 v48, v5  }
0x23a: {  	v31 =	vadd.f32 v2, v6;
	v2 =	vsub.f32 v61, v41  }
0x23b: {  	v1 =	vsub.f32 v57, v29;
	v10 =	vadd.f32 v4, v5;
	v5 =	vld [tilespmem:$0x1FC40];
	_ =	swait.ge [sflag:s15], $0xC800  }
0x23c: {  	v26 =	vadd.f32 v2, v41;
	v4 =	vsub.f32 v51, v39;
	[tilespmem:$0x1FB20] =	vst v38  }
0x23d: {  	v2 =	vsub.f32 v63, v14;
	v57 =	vadd.f32 v1, v29;
	[tilespmem:$0x1FB30] =	vst v27  }
0x23e: {  	s30 =	simm.s32 $0x0;
	[tilespmem:$0x1FB50] =	vst v25;
	v29 =	vadd.f32 v4, v39;
	v4 =	vsub.f32 v24, v17  }
0x23f: {  	s31 =	sand.u32 $0xF800, s30;
	s19 =	sand.u32 $0x380, s30;
	[sflag:s15] =	ssyncset.done $0x0;
	[tilespmem:$0x1FB60] =	vst v22;
	v24 =	vadd.f32 v3, v46;
	v3 =	vsub.f32 v33, v8  }
0x240: {  	s19 =	sor.u32 s19, s31;
	v23 =	vadd.f32 v2, v14;
	[tilespmem:$0x1FB70] =	vst v19;
	[sflag:s15] =	ssyncadd.s32 $0xFFFF3800;
	v1 =	vsub.f32 v60, v5  }
0x241: {  	[tilespmem:$0x1FB80] =	vst v18;
	v2 =	vld [tilespmem:s19+$0xCC70];
	v20 =	vadd.f32 v3, v8;
	v8 =	vsub.f32 v36, v45  }
0x242: {  	[tilespmem:$0x1FB90] =	vst v16;
	v32 =	vadd.f32 v1, v5;
	v1 =	vsub.f32 v37, v40  }
0x243: {  	v7 =	vsub.f32 v34, v44;
	[tilespmem:$0x1FBA0] =	vst v13  }
0x244: {  	[tilespmem:$0x1FBB0] =	vst v49;
	v6 =	vld [tilespmem:s19+$0xC810];
	v21 =	vadd.f32 v8, v45;
	v28 =	vadd.f32 v1, v40  }
0x245: {  	[tilespmem:$0x1FBC0] =	vst v62;
	v3 =	vld [tilespmem:s19+$0xC800];
	v1 =	vadd.f32 v4, v17;
	v4 =	vsub.f32 v47, v11  }
0x246: {  	[tilespmem:$0x1FBD0] =	vst v59;
	v5 =	vsub.f32 v58, v15;
	v48 =	vadd.f32 v2, v10  }
0x247: {  	[tilespmem:$0x1FBE0] =	vst v54;
	v8 =	vld [tilespmem:s19+$0xC860];
	v17 =	vadd.f32 v4, v11;
	v4 =	vsub.f32 v9, v42  }
0x248: {  	[tilespmem:$0x1FBF0] =	vst v57;
	v14 =	vadd.f32 v5, v15;
	v5 =	vsub.f32 v52, v43;
	v9 =	vld [tilespmem:s19+$0xC820]  }
0x249: {  	[tilespmem:$0x1FC00] =	vst v53;
	v39 =	vadd.f32 v6, v27;
	v15 =	vadd.f32 v4, v42;
	v4 =	vld [tilespmem:s19+$0xC830]  }
0x24a: {  	v55 =	vmovc v53;
	v63 =	vmov v23;
	[tilespmem:$0x1FC10] =	vst v56;
	v46 =	vadd.f32 v3, v38;
	v12 =	vadd.f32 v5, v43;
	v5 =	vld [tilespmem:s19+$0xC840]  }
0x24b: {  	[tilespmem:$0x1FB10] =	vst v10;
	v11 =	vadd.f32 v7, v44;
	v7 =	vmul.f32 v2, v2;
	v2 =	vmul.f32 v3, v3;
	v3 =	vld [tilespmem:s19+$0xC850]  }
0x24c: {  	v60 =	vmovc v20;
	v6 =	vmul.f32 v6, v6;
	v37 =	vadd.f32 v8, v16;
	v8 =	vmul.f32 v8, v8  }
0x24d: {  	v58 =	vmovc v54;
	v40 =	vadd.f32 v7, v21;
	v41 =	vadd.f32 v2, v32;
	v7 =	vld [tilespmem:s19+$0xC870];
	v2 =	vmul.f32 v9, v9  }
0x24e: {  	[tilespmem:$0x1FB40] =	vst v21;
	v42 =	vadd.f32 v6, v31;
	v6 =	vld [tilespmem:s19+$0xCC00];
	v34 =	vadd.f32 v4, v22;
	v4 =	vmul.f32 v4, v4  }
0x24f: {  	v52 =	vmovc v56;
	v35 =	vadd.f32 v5, v19;
	v43 =	vadd.f32 v2, v30;
	v2 =	vmul.f32 v5, v5;
	v5 =	vld [tilespmem:s19+$0xCC10]  }
0x250: {  	v54 =	vmovc v14;
	v36 =	vadd.f32 v3, v18;
	v44 =	vadd.f32 v4, v29;
	v4 =	vmul.f32 v3, v3;
	v3 =	vld [tilespmem:s19+$0xCC20]  }
0x251: {  	v50 =	vadd.f32 v8, v24;
	v21 =	vmovc v1;
	v61 =	vmovc v17;
	v56 =	vmov v12;
	v45 =	vadd.f32 v2, v28;
	v2 =	vld [tilespmem:s19+$0xCC30]  }
0x252: {  	s21 =	simm.s32 $0x100;
	s20 =	simm.s32 $0x80;
	v51 =	vmovc v11;
	v38 =	vadd.f32 v7, v13;
	v7 =	vmul.f32 v7, v7;
	v47 =	vadd.f32 v4, v26;
	v4 =	vld [tilespmem:s19+$0xCC40]  }
0x253: {  	s22 =	sand.u32 $0xF800, s21;
	s21 =	simm.s32 $0x200;
	s23 =	sand.u32 $0x380, s20;
	v53 =	vmovc v15;
	v33 =	vadd.f32 v9, v25;
	v49 =	vadd.f32 v6, v49;
	v8 =	vmul.f32 v6, v6;
	v6 =	vld [tilespmem:s19+$0xCC50]  }
.LBB2_16:
0x254: {  	p0 =	sne.s32 s21, $0xC700;
	v21 =	vadd.f32 v7, v21;
	v62 =	vadd.f32 v5, v62;
	v5 =	vmul.f32 v5, v5;
	v7 =	vld [tilespmem:s19+$0xCC60];
	s19 =	sor.u32 s23, s22  }
0x255: {  	v9 =	vld [tilespmem:s19+$0xCC70];
	v63 =	vadd.f32 v8, v63;
	v59 =	vadd.f32 v3, v59;
	v3 =	vmul.f32 v3, v3  }
0x256: {  	v8 =	vld [tilespmem:s19+$0xC800];
	v60 =	vadd.f32 v5, v60;
	v58 =	vadd.f32 v2, v58;
	v2 =	vmul.f32 v2, v2  }
0x257: {  	v5 =	vld [tilespmem:s19+$0xC810];
	v61 =	vadd.f32 v3, v61;
	v57 =	vadd.f32 v4, v57;
	v3 =	vmul.f32 v4, v4  }
0x258: {  	v4 =	vld [tilespmem:s19+$0xC820];
	v54 =	vadd.f32 v2, v54;
	v55 =	vadd.f32 v6, v55;
	v2 =	vmul.f32 v6, v6  }
0x259: {  	v6 =	vld [tilespmem:s19+$0xC830];
	v53 =	vadd.f32 v3, v53;
	v52 =	vadd.f32 v7, v52;
	v3 =	vmul.f32 v7, v7  }
0x25a: {  	v7 =	vld [tilespmem:s19+$0xC840];
	v48 =	vadd.f32 v9, v48;
	v9 =	vmul.f32 v9, v9;
	v56 =	vadd.f32 v2, v56  }
0x25b: {  	v46 =	vadd.f32 v8, v46;
	v2 =	vmul.f32 v8, v8;
	v8 =	vld [tilespmem:s19+$0xC850];
	v51 =	vadd.f32 v3, v51  }
0x25c: {  	v39 =	vadd.f32 v5, v39;
	v3 =	vmul.f32 v5, v5;
	v10 =	vld [tilespmem:s19+$0xC860];
	v40 =	vadd.f32 v9, v40  }
0x25d: {  	v41 =	vadd.f32 v2, v41;
	v33 =	vadd.f32 v4, v33;
	v2 =	vmul.f32 v4, v4;
	v4 =	vld [tilespmem:s19+$0xC870]  }
0x25e: {  	v42 =	vadd.f32 v3, v42;
	v34 =	vadd.f32 v6, v34;
	v3 =	vmul.f32 v6, v6;
	v6 =	vld [tilespmem:s19+$0xCC00]  }
.Ltmp7:
0x25f: {  	v43 =	vadd.f32 v2, v43;
	v35 =	vadd.f32 v7, v35;
	v2 =	vmul.f32 v7, v7;
	v5 =	vld [tilespmem:s19+$0xCC10];
	(pc) =	sbr.rel @p0 .LBB2_16-.Ltmp7, $4  }
0x260: {  	v44 =	vadd.f32 v3, v44;
	v36 =	vadd.f32 v8, v36;
	v7 =	vmul.f32 v8, v8;
	v3 =	vld [tilespmem:s19+$0xCC20]  }
0x261: {  	v45 =	vadd.f32 v2, v45;
	v37 =	vadd.f32 v10, v37;
	v8 =	vmul.f32 v10, v10;
	v2 =	vld [tilespmem:s19+$0xCC30]  }
0x262: {  	s20 =	sadd.s32 $0x80, s20;
	v47 =	vadd.f32 v7, v47;
	v38 =	vadd.f32 v4, v38;
	v7 =	vmul.f32 v4, v4;
	v4 =	vld [tilespmem:s19+$0xCC40]  }
0x263: {  	s22 =	sand.u32 $0xF800, s21;
	s21 =	sadd.s32 $0x100, s21;
	s23 =	sand.u32 $0x380, s20;
	v50 =	vadd.f32 v8, v50;
	v49 =	vadd.f32 v6, v49;
	v8 =	vmul.f32 v6, v6;
	v6 =	vld [tilespmem:s19+$0xCC50]  }
0x264: {  	s20 =	sor.u32 s23, s22;
	v10 =	vld [tilespmem:s19+$0xCC60]  }
0x265: {  	v19 =	vmul.f32 v3, v3;
	v3 =	vadd.f32 v3, v59;
	v59 =	vld [tilespmem:s20+$0xCC70]  }
0x266: {  	v7 =	vadd.f32 v7, v21;
	v9 =	vmul.f32 v5, v5;
	v5 =	vadd.f32 v5, v62;
	v25 =	vld [tilespmem:s20+$0xC800]  }
0x267: {  	v8 =	vadd.f32 v8, v63;
	v18 =	vld [tilespmem:s20+$0xC820];
	v58 =	vadd.f32 v2, v58;
	v2 =	vmul.f32 v2, v2  }
0x268: {  	v22 =	vld [tilespmem:s20+$0xC840];
	v9 =	vadd.f32 v9, v60;
	v21 =	vadd.f32 v19, v61;
	v27 =	vmul.f32 v4, v4  }
0x269: {  	v13 =	vld [tilespmem:s20+$0xC810];
	v57 =	vadd.f32 v4, v57;
	v16 =	vmul.f32 v6, v6;
	v2 =	vadd.f32 v2, v54  }
0x26a: {  	v6 =	vadd.f32 v6, v55;
	v4 =	vadd.f32 v27, v53  }
0x26b: {  	v19 =	vld [tilespmem:s20+$0xC830];
	v52 =	vadd.f32 v10, v52;
	v10 =	vmul.f32 v10, v10;
	v53 =	vadd.f32 v16, v56  }
0x26c: {  	v62 =	vld [tilespmem:$0x1FB50];
	v48 =	vadd.f32 v59, v48;
	v59 =	vmul.f32 v59, v59;
	v46 =	vadd.f32 v25, v46  }
0x26d: {  	v55 =	vld [tilespmem:s20+$0xCC10];
	v60 =	vmul.f32 v25, v25;
	v33 =	vadd.f32 v18, v33;
	v35 =	vadd.f32 v22, v35  }
0x26e: {  	v27 =	vld [tilespmem:s20+$0xC860];
	v61 =	vmul.f32 v13, v13;
	v10 =	vadd.f32 v10, v51;
	v51 =	vadd.f32 v13, v39  }
0x26f: {  	v13 =	vmul.f32 v18, v18;
	v39 =	vadd.f32 v59, v40;
	v40 =	vadd.f32 v60, v41  }
0x270: {  	v25 =	vld [tilespmem:s20+$0xC850];
	v18 =	vmul.f32 v22, v22;
	v42 =	vadd.f32 v61, v42;
	v34 =	vadd.f32 v19, v34  }
0x271: {  	v22 =	vld [tilespmem:s20+$0xCC20];
	v16 =	vmul.f32 v19, v19;
	v33 =	vsub.f32 v33, v62;
	v41 =	vadd.f32 v13, v43  }
0x272: {  	v59 =	vld [tilespmem:s20+$0xC870];
	v43 =	vadd.f32 v18, v45;
	v5 =	vadd.f32 v55, v5  }
0x273: {  	v60 =	vld [tilespmem:s20+$0xCC00];
	v18 =	vmul.f32 v55, v55;
	v44 =	vadd.f32 v16, v44;
	v37 =	vadd.f32 v27, v37  }
0x274: {  	v61 =	vld [tilespmem:s20+$0xCC30];
	v40 =	vsub.f32 v40, v32;
	v42 =	vsub.f32 v42, v31  }
0x275: {  	v13 =	vld [tilespmem:s20+$0xCC40];
	v19 =	vmul.f32 v25, v25;
	v36 =	vadd.f32 v25, v36;
	v9 =	vadd.f32 v18, v9  }
0x276: {  	v25 =	vmul.f32 v27, v27;
	v41 =	vsub.f32 v41, v30;
	v3 =	vadd.f32 v22, v3  }
0x277: {  	v22 =	vmul.f32 v22, v22;
	v40 =	vmul.f32 v40, v0;
	v47 =	vadd.f32 v19, v47  }
0x278: {  	v27 =	vmul.f32 v59, v59;
	v38 =	vadd.f32 v59, v38;
	v45 =	vadd.f32 v25, v50  }
0x279: {  	v16 =	vmul.f32 v60, v60;
	v49 =	vadd.f32 v60, v49;
	v56 =	vadd.f32 v61, v58  }
0x27a: {  	v25 =	vld [tilespmem:s20+$0xCC60];
	v58 =	vsub.f32 v44, v29;
	v60 =	vmul.f32 v13, v13;
	v21 =	vadd.f32 v22, v21  }
0x27b: {  	v54 =	vadd.f32 v13, v57;
	v13 =	vld [tilespmem:$0x1FB20];
	v63 =	vadd.f32 v40, v32;
	v22 =	vmul.f32 v42, v0  }
0x27c: {  	v40 =	vsub.f32 v43, v28;
	v42 =	vld [tilespmem:$0x1FB80];
	v7 =	vadd.f32 v27, v7;
	v27 =	vmul.f32 v61, v61  }
0x27d: {  	v8 =	vadd.f32 v16, v8;
	v16 =	vld [tilespmem:$0x1FB30];
	v47 =	vsub.f32 v47, v26  }
0x27e: {  	v19 =	vld [tilespmem:s20+$0xCC50];
	v4 =	vadd.f32 v60, v4;
	[tilespmem:$0x19080] =	vst v63;
	v63 =	vmul.f32 v58, v0;
	v2 =	vadd.f32 v27, v2  }
0x27f: {  	v58 =	vmul.f32 v47, v0;
	v7 =	vsub.f32 v7, v1;
	v8 =	vsub.f32 v8, v23  }
0x280: {  	v57 =	vmul.f32 v41, v0;
	v44 =	vadd.f32 v63, v29;
	v46 =	vsub.f32 v46, v13  }
0x281: {  	v60 =	vld [tilespmem:$0x1FB70];
	v55 =	vmul.f32 v25, v25;
	v43 =	vsub.f32 v36, v42;
	v63 =	vadd.f32 v58, v26  }
0x282: {  	v7 =	vmul.f32 v7, v0;
	v36 =	vmul.f32 v8, v0;
	v51 =	vsub.f32 v51, v16  }
0x283: {  	v10 =	vadd.f32 v55, v10;
	v55 =	vadd.f32 v22, v31;
	v31 =	vld [tilespmem:$0x1FBB0];
	v46 =	vmul.f32 v46, v0  }
0x284: {  	v52 =	vadd.f32 v25, v52;
	[tilespmem:$0x190B0] =	vst v44;
	v1 =	vadd.f32 v7, v1;
	v61 =	vmul.f32 v51, v0;
	v51 =	vld [tilespmem:$0x1FB60]  }
0x285: {  	[tilespmem:$0x190D0] =	vst v63;
	v7 =	vadd.f32 v36, v23;
	v27 =	vadd.f32 v46, v13;
	v46 =	vmul.f32 v33, v0  }
0x286: {  	v50 =	vmul.f32 v19, v19;
	[tilespmem:$0x19090] =	vst v55;
	v25 =	vadd.f32 v61, v16;
	v61 =	vsub.f32 v35, v60;
	v35 =	vld [tilespmem:$0x1FBC0]  }
0x287: {  	v6 =	vadd.f32 v19, v6;
	[tilespmem:$0x190F0] =	vst v1;
	v22 =	vadd.f32 v46, v62;
	v46 =	vmul.f32 v40, v0;
	v40 =	vld [tilespmem:$0x1FBD0]  }
0x288: {  	v50 =	vadd.f32 v50, v53;
	[tilespmem:$0x19180] =	vst v7;
	v62 =	vadd.f32 v57, v30;
	v41 =	vmul.f32 v61, v0  }
0x289: {  	[tilespmem:$0x19000] =	vst v27;
	v32 =	vsub.f32 v49, v31;
	v61 =	vld [tilespmem:$0x1FBA0];
	v53 =	vsub.f32 v34, v51  }
0x28a: {  	[tilespmem:$0x19010] =	vst v25;
	v18 =	vadd.f32 v41, v60;
	v41 =	vsub.f32 v21, v17  }
0x28b: {  	[tilespmem:$0x19020] =	vst v22;
	v57 =	vadd.f32 v46, v28;
	v34 =	vmul.f32 v32, v0;
	v59 =	vmul.f32 v53, v0;
	v53 =	vld [tilespmem:$0x1FB90]  }
0x28c: {  	[tilespmem:$0x190A0] =	vst v62;
	v5 =	vsub.f32 v5, v35;
	v3 =	vsub.f32 v3, v40;
	v44 =	vmul.f32 v41, v0  }
0x28d: {  	[tilespmem:$0x190C0] =	vst v57;
	v19 =	vadd.f32 v59, v51;
	v51 =	vmul.f32 v43, v0;
	v59 =	vsub.f32 v45, v24  }
0x28e: {  	v46 =	vld [tilespmem:$0x1FBF0];
	[tilespmem:$0x19040] =	vst v18;
	v62 =	vsub.f32 v38, v61;
	v38 =	vadd.f32 v34, v31  }
0x28f: {  	v5 =	vmul.f32 v5, v0;
	v7 =	vadd.f32 v44, v17;
	[tilespmem:$0x19030] =	vst v19;
	v16 =	vadd.f32 v51, v42  }
0x290: {  	v3 =	vmul.f32 v3, v0;
	[tilespmem:$0x19100] =	vst v38;
	v42 =	vld [tilespmem:$0x1FBE0];
	v55 =	vsub.f32 v37, v53;
	v37 =	vsub.f32 v9, v20  }
0x291: {  	v28 =	vmul.f32 v59, v0;
	v5 =	vadd.f32 v5, v35;
	v51 =	vld [tilespmem:$0x1FC00];
	[tilespmem:$0x191A0] =	vst v7  }
0x292: {  	v3 =	vadd.f32 v3, v40;
	[tilespmem:$0x19050] =	vst v16;
	v1 =	vmul.f32 v37, v0  }
0x293: {  	v47 =	vsub.f32 v54, v46;
	v30 =	vmul.f32 v62, v0;
	v33 =	vadd.f32 v28, v24;
	[tilespmem:$0x19110] =	vst v5  }
0x294: {  	v2 =	vsub.f32 v2, v14;
	v59 =	vld [tilespmem:$0x1FB10];
	v60 =	vmul.f32 v55, v0;
	[tilespmem:$0x19120] =	vst v3;
	v1 =	vadd.f32 v1, v20  }
0x295: {  	v16 =	vadd.f32 v30, v61;
	v3 =	vmul.f32 v47, v0;
	[tilespmem:$0x190E0] =	vst v33;
	v43 =	vsub.f32 v56, v42;
	v56 =	vld [tilespmem:$0x1FC10]  }
0x296: {  	v13 =	vadd.f32 v60, v53;
	v53 =	vsub.f32 v6, v51;
	[tilespmem:$0x19190] =	vst v1;
	v1 =	vmul.f32 v2, v0  }
0x297: {  	v61 =	vld [tilespmem:$0x1FB40];
	[tilespmem:$0x19070] =	vst v16;
	v3 =	vadd.f32 v3, v46;
	v45 =	vmul.f32 v43, v0;
	v2 =	vsub.f32 v4, v15  }
0x298: {  	v54 =	vsub.f32 v50, v12;
	[tilespmem:$0x19060] =	vst v13;
	v55 =	vmul.f32 v53, v0;
	v1 =	vadd.f32 v1, v14  }
0x299: {  	v60 =	vsub.f32 v48, v59;
	[tilespmem:$0x19140] =	vst v3;
	v49 =	vadd.f32 v45, v42;
	v2 =	vmul.f32 v2, v0  }
0x29a: {  	v4 =	vadd.f32 v55, v51;
	v57 =	vsub.f32 v52, v56;
	[tilespmem:$0x191B0] =	vst v1;
	v1 =	vmul.f32 v54, v0  }
0x29b: {  	v58 =	vsub.f32 v10, v11;
	v63 =	vmul.f32 v60, v0;
	[tilespmem:$0x19130] =	vst v49;
	v2 =	vadd.f32 v2, v15  }
0x29c: {  	v62 =	vsub.f32 v39, v61;
	[tilespmem:$0x19150] =	vst v4;
	v3 =	vmul.f32 v57, v0;
	v1 =	vadd.f32 v1, v12  }
0x29d: {  	v4 =	vadd.f32 v63, v59;
	[tilespmem:$0x191C0] =	vst v2;
	v2 =	vmul.f32 v58, v0  }
0x29e: {  	v3 =	vadd.f32 v3, v56;
	[tilespmem:$0x191D0] =	vst v1;
	v1 =	vmul.f32 v62, v0  }
0x29f: {  	[tilespmem:$0x19170] =	vst v4;
	v2 =	vadd.f32 v2, v11  }
0x2a0: {  	s18 =	sadd.s32 $0x1, s18;
	[tilespmem:$0x19160] =	vst v3;
	v1 =	vadd.f32 v1, v61  }
0x2a1: {  	p0 =	sne.s32 s18, s12;
	[tilespmem:$0x191E0] =	vst v2  }
.Ltmp8:
0x2a2: {  	[tilespmem:$0x191F0] =	vst v1;
	(pc) =	sbr.rel @p0 .LBB2_1-.Ltmp8, $4  }
0x2a3: {  	[hbm4b:s11+s2] =	stream.linear.scatter [tilespmem:s16], [sflag:$0x3], $0x200, $0x38;
	[tilespmem:$0x19200] =	vst v63  }
0x2a4: {  	_ =	swait.ge [sflag:s17], $0x200  }
0x2a5: {  	[sflag:s17] =	ssyncset.done $0x0  }
0x2a6: {  	[sflag:s17] =	ssyncadd.s32 $0xFFFFFE00  }
0x2a7: {  	_ =	sfence.sel $0x180000  }
0x2a8: {  	[bflag:$0x0] =	sbarrier.arrive $0xFFFF  }
0x2a9: {  	p0 =	sne.s32 s0, $0x0;
	_ =	strace $0x90000047  }
0x2aa: {  	s0 =	sadd.s32 @!p0 $0x100000, s1;
	[bflag:$0x2] =	sbarrier.arrive $0xFFFF  }
0x2ab: {  	[sflag:s0] =	ssyncadd.tile.s32 @!p0 $0x1;
	_ =	shalt  }
.Lfunc_end2:
_tile_overlayer_lowered:
.L_overlay_start_2:
0x2ac: {  	(tag) =	ssettag $0x2  }
0x2ad: {  	s0 =	rddreg [dreg:$0x0];
	s2 =	stileid.u32  }
0x2ae: {  	s1 =	rddreg [dreg:$0x1];
	p0 =	sne.s32 s2, $0x0  }
0x2af: {  	s3 =	rddreg [dreg:$0x2];
	[bflag:$0x3] =	sbarrier.arrive $0xFFFF;
	s2 =	simm.s32 @!p0 $0x1C03  }
0x2b0: {  	[timem:s3], [sflag:s2] =	dma.local @!p0 [hbm:s0], s1  }
0x2b1: {  	s0 =	simm.s32 @!p0 $0x3  }
0x2b2: {  	_ =	swait.ge @!p0 [sflag:s0], s1  }
0x2b3: {  	s1 =	ssub.s32 @!p0 $0x0, s1;
	[sflag:s0] =	ssyncset.done @!p0 $0x0  }
0x2b4: {  	[sflag:s0] =	ssyncadd.s32 @!p0 s1  }
0x2b5: {  	[bflag:$0x3] =	sbarrier.arrive $0xFFFF  }
0x2b6: {  	_ =	shalt  }

</sc_bundles>
